<compile_context>
chip_gen: v7x
topology: tpu7x:2x2x1
jax: 0.10.2.dev20260603
libtpu: 0.0.44.dev20260713+nightly
codegen_flags: <defaults>
</compile_context>

<pallas_src>
import functools

import jax
import jax.numpy as jnp
from jax import lax
from jax.experimental import pallas as pl
from jax.experimental.pallas import tpu as pltpu
from jax.experimental.pallas import tpu_sc as plsc

N_NODES = 10000
N_EDGES = 320000
D_FEAT = 128
LANES = 16

NUM_CORES = 2
NUM_SUBCORES = 16
NUM_WORKERS = NUM_CORES * NUM_SUBCORES
CHUNK = 128
N_CHUNKS = N_EDGES // CHUNK
NI = 80

_mesh = plsc.VectorSubcoreMesh(core_axis_name="c", subcore_axis_name="s")


@functools.partial(
    pl.kernel,
    out_type=jax.ShapeDtypeStruct((N_EDGES,), jnp.float32),
    mesh=_mesh,
    scratch_types=[
        [pltpu.VMEM((2, CHUNK), jnp.int32) for _ in range(4)],
        [pltpu.VMEM((CHUNK, D_FEAT), jnp.float32) for _ in range(2)],
        [pltpu.VMEM((CHUNK, D_FEAT), jnp.float32) for _ in range(2)],
        [pltpu.VMEM((CHUNK,), jnp.float32) for _ in range(2)],
        pltpu.VMEM((CHUNK, LANES), jnp.float32),
        [pltpu.SemaphoreType.DMA for _ in range(4)],
        [pltpu.SemaphoreType.DMA for _ in range(2)],
        [pltpu.SemaphoreType.DMA for _ in range(2)],
    ],
)
def _dot_decoder(src_hbm, dst_hbm, eidx_hbm, out_hbm,
                 eidx, srows, drows, outc, accbuf, sem_i, sem_g, sem_o):
    wid = lax.axis_index("s") * NUM_CORES + lax.axis_index("c")

    lane_ids = lax.iota(jnp.int32, LANES)
    gather_dnums = lax.GatherDimensionNumbers(
        offset_dims=(), collapsed_slice_dims=(0,), start_index_map=(0,))
    perm = {s: lane_ids ^ s for s in (8, 4, 2, 1)}
    lane_bit0 = {s: (lane_ids & s) == 0 for s in (8, 4, 2, 1)}

    def fold(v, s):
        return v + lax.gather(
            v, perm[s][:, None], gather_dnums, slice_sizes=(1,),
            mode=lax.GatherScatterMode.PROMISE_IN_BOUNDS)

    MERGE_SEQ = [0, 8, 4, 12, 2, 10, 6, 14, 1, 9, 5, 13, 3, 11, 7, 15]
    MERGE_S = (8, 4, 2, 1)

    def merge2(left, right, lvl):
        s = MERGE_S[lvl]
        return jnp.where(lane_bit0[s], fold(left, s), fold(right, s))

    def valid(i):
        return wid + i * NUM_WORKERS < N_CHUNKS

    def off_of(i):
        return (wid + i * NUM_WORKERS) * CHUNK

    def idx_start(i, q):
        @pl.when(valid(i))
        def _():
            pltpu.async_copy(
                eidx_hbm.at[:, pl.ds(off_of(i), CHUNK)], eidx[q], sem_i[q])

    def gather_start(i, q, b):
        @pl.when(valid(i))
        def _():
            pltpu.make_async_copy(
                eidx_hbm.at[:, pl.ds(off_of(i), CHUNK)], eidx[q],
                sem_i[q]).wait()
            pltpu.async_copy(src_hbm.at[eidx[q].at[0]], srows[b], sem_g[b])
            pltpu.async_copy(dst_hbm.at[eidx[q].at[1]], drows[b], sem_g[b])

    def consume(i, q, b):
        eb, sb, db, ob = eidx[q], srows[b], drows[b], outc[b]

        @pl.when(valid(i))
        def _():
            pltpu.make_async_copy(src_hbm.at[eb.at[0]], sb, sem_g[b]).wait()
            pltpu.make_async_copy(dst_hbm.at[eb.at[1]], db, sem_g[b]).wait()

            @pl.when(i >= 2)
            def _():
                pltpu.make_async_copy(
                    ob, out_hbm.at[pl.ds(off_of(i - 2), CHUNK)],
                    sem_o[b]).wait()

            @plsc.parallel_loop(0, CHUNK, step=1, unroll=2)
            def edge_acc(e):
                acc = sb[e, pl.ds(0, LANES)] * db[e, pl.ds(0, LANES)]
                for j in range(1, D_FEAT // LANES):
                    acc = acc + (sb[e, pl.ds(j * LANES, LANES)]
                                 * db[e, pl.ds(j * LANES, LANES)])
                accbuf[e, pl.ds(0, LANES)] = acc

            @plsc.parallel_loop(0, CHUNK, step=LANES, unroll=1)
            def group_merge(e0):
                stack = []
                for t in MERGE_SEQ:
                    node = (0, accbuf[e0 + t, pl.ds(0, LANES)])
                    while stack and stack[-1][0] == node[0]:
                        lvl, left = stack.pop()
                        node = (lvl + 1, merge2(left, node[1], lvl))
                    stack.append(node)
                ob[pl.ds(e0, LANES)] = stack[0][1]
            pltpu.async_copy(ob, out_hbm.at[pl.ds(off_of(i), CHUNK)], sem_o[b])

    idx_start(0, 0)
    idx_start(1, 1)
    gather_start(0, 0, 0)

    def outer(i4, carry):
        i0 = i4 * 4
        for k in range(4):
            i = i0 + k
            idx_start(i + 2, (k + 2) % 4)
            gather_start(i + 1, (k + 1) % 4, (k + 1) % 2)
            consume(i, k, k % 2)
        return carry

    lax.fori_loop(0, NI // 4, outer, 0)

    for i in range(NI - 4, NI):
        @pl.when(valid(i) & ~valid(i + 2))
        def _(i=i):
            pltpu.make_async_copy(
                outc[i % 2], out_hbm.at[pl.ds(off_of(i), CHUNK)],
                sem_o[i % 2]).wait()


def kernel(src_node_embeddings, dst_node_embeddings, edge_index):
    return _dot_decoder(src_node_embeddings, dst_node_embeddings, edge_index)

# --- scband reference (transcript-rebuilt; emitter-appended) ---
"""Pipeline reference for scband-dot-decoder-14173392077125 (READ-ONLY COPY).

The authoritative reference and input builder live on the scoring server;
editing this copy changes nothing except your own understanding.
"""

import jax, jax.numpy as jnp
import numpy as np

N_NODES = 10000
N_EDGES = 320000
D_FEAT = 128

def setup_inputs(seed: int = 0) -> dict:
    key = jax.random.key(seed)
    k1, k2, k3 = jax.random.split(key, 3)
    src_node_embeddings = jax.random.normal(k1, (N_NODES, D_FEAT), dtype=jnp.float32)
    dst_node_embeddings = jax.random.normal(k2, (N_NODES, D_FEAT), dtype=jnp.float32)
    edge_index = jax.random.randint(k3, (2, N_EDGES), 0, N_NODES, dtype=jnp.int64 if jax.config.read('jax_enable_x64') else jnp.int32)
    return {
        'src_node_embeddings': src_node_embeddings,
        'dst_node_embeddings': dst_node_embeddings,
        'edge_index': edge_index,
    }

def reference(src_node_embeddings, dst_node_embeddings, edge_index):
    # Gather source and destination node embeddings per edge, then dot product.
    src = jnp.take(src_node_embeddings, edge_index[0], axis=0)
    dst = jnp.take(dst_node_embeddings, edge_index[1], axis=0)
    return (src * dst).sum(-1)

if __name__ == "__main__":
    import jax
    _d = setup_inputs()
    print(jax.jit(kernel)(*tuple(_d.values())))

</pallas_src>

<mosaic_0001>
#map = affine_map<(d0, d1) -> (0, 0)>
#map1 = affine_map<(d0, d1) -> (0)>
module attributes {stable_mosaic.version = 14 : i64} {
  func.func @_dot_decoder(%arg0: i32, %arg1: i32, %arg2: memref<10000x128xf32, #tpu.memory_space<hbm>>, %arg3: memref<10000x128xf32, #tpu.memory_space<hbm>>, %arg4: memref<2x320000xi32, #tpu.memory_space<hbm>>, %arg5: memref<320000xf32, #tpu.memory_space<hbm>>, %arg6: memref<2x128xi32, #tpu.memory_space<vmem>>, %arg7: memref<2x128xi32, #tpu.memory_space<vmem>>, %arg8: memref<2x128xi32, #tpu.memory_space<vmem>>, %arg9: memref<2x128xi32, #tpu.memory_space<vmem>>, %arg10: memref<128x128xf32, #tpu.memory_space<vmem>>, %arg11: memref<128x128xf32, #tpu.memory_space<vmem>>, %arg12: memref<128x128xf32, #tpu.memory_space<vmem>>, %arg13: memref<128x128xf32, #tpu.memory_space<vmem>>, %arg14: memref<128xf32, #tpu.memory_space<vmem>>, %arg15: memref<128xf32, #tpu.memory_space<vmem>>, %arg16: memref<128x16xf32, #tpu.memory_space<vmem>>, %arg17: memref<!tpu.dma_semaphore, #tpu.memory_space<semaphore_mem>>, %arg18: memref<!tpu.dma_semaphore, #tpu.memory_space<semaphore_mem>>, %arg19: memref<!tpu.dma_semaphore, #tpu.memory_space<semaphore_mem>>, %arg20: memref<!tpu.dma_semaphore, #tpu.memory_space<semaphore_mem>>, %arg21: memref<!tpu.dma_semaphore, #tpu.memory_space<semaphore_mem>>, %arg22: memref<!tpu.dma_semaphore, #tpu.memory_space<semaphore_mem>>, %arg23: memref<!tpu.dma_semaphore, #tpu.memory_space<semaphore_mem>>, %arg24: memref<!tpu.dma_semaphore, #tpu.memory_space<semaphore_mem>>) attributes {dimension_semantics = [#tpu.dimension_semantics<core_parallel>, #tpu.dimension_semantics<subcore_parallel>], iteration_bounds = array<i64: 2, 16>, scalar_prefetch = 0 : i64, scratch_operands = 19 : i64, tpu.core_type = #tpu.core_type<sc_vector_subcore>, window_params = [{transform_indices = #map}, {transform_indices = #map}, {transform_indices = #map}, {transform_indices = #map1}]} {
    %mul3A = arith.constant 2 : i32
    %mul3A_0 = arith.muli %arg1, %mul3A : i32
    %add3A = arith.addi %mul3A_0, %arg0 : i32
    %iota3A = tpu.iota {dimensions = array<i32: 0>} : vector<16xi32>
    %xor3A = arith.constant 8 : i32
    %xor3A_1 = vector.broadcast %xor3A : i32 to vector<16xi32>
    %xor3A_2 = arith.xori %iota3A, %xor3A_1 : vector<16xi32>
    %xor3A_3 = arith.constant 4 : i32
    %xor3A_4 = vector.broadcast %xor3A_3 : i32 to vector<16xi32>
    %xor3A_5 = arith.xori %iota3A, %xor3A_4 : vector<16xi32>
    %xor3A_6 = arith.constant 2 : i32
    %xor3A_7 = vector.broadcast %xor3A_6 : i32 to vector<16xi32>
    %xor3A_8 = arith.xori %iota3A, %xor3A_7 : vector<16xi32>
    %xor3A_9 = arith.constant 1 : i32
    %xor3A_10 = vector.broadcast %xor3A_9 : i32 to vector<16xi32>
    %xor3A_11 = arith.xori %iota3A, %xor3A_10 : vector<16xi32>
    %and3A = arith.constant 8 : i32
    %and3A_12 = vector.broadcast %and3A : i32 to vector<16xi32>
    %and3A_13 = arith.andi %iota3A, %and3A_12 : vector<16xi32>
    %eq3A = arith.constant 0 : i32
    %eq3A_14 = vector.broadcast %eq3A : i32 to vector<16xi32>
    %eq3A_15 = arith.cmpi eq, %and3A_13, %eq3A_14 : vector<16xi32>
    %and3A_16 = arith.constant 4 : i32
    %and3A_17 = vector.broadcast %and3A_16 : i32 to vector<16xi32>
    %and3A_18 = arith.andi %iota3A, %and3A_17 : vector<16xi32>
    %eq3A_19 = arith.constant 0 : i32
    %eq3A_20 = vector.broadcast %eq3A_19 : i32 to vector<16xi32>
    %eq3A_21 = arith.cmpi eq, %and3A_18, %eq3A_20 : vector<16xi32>
    %and3A_22 = arith.constant 2 : i32
    %and3A_23 = vector.broadcast %and3A_22 : i32 to vector<16xi32>
    %and3A_24 = arith.andi %iota3A, %and3A_23 : vector<16xi32>
    %eq3A_25 = arith.constant 0 : i32
    %eq3A_26 = vector.broadcast %eq3A_25 : i32 to vector<16xi32>
    %eq3A_27 = arith.cmpi eq, %and3A_24, %eq3A_26 : vector<16xi32>
    %and3A_28 = arith.constant 1 : i32
    %and3A_29 = vector.broadcast %and3A_28 : i32 to vector<16xi32>
    %and3A_30 = arith.andi %iota3A, %and3A_29 : vector<16xi32>
    %eq3A_31 = arith.constant 0 : i32
    %eq3A_32 = vector.broadcast %eq3A_31 : i32 to vector<16xi32>
    %eq3A_33 = arith.cmpi eq, %and3A_30, %eq3A_32 : vector<16xi32>
    %add3A_34 = arith.constant 0 : i32
    %add3A_35 = arith.addi %add3A, %add3A_34 : i32
    %lt3A = arith.constant 2500 : i32
    %lt3A_36 = arith.cmpi slt, %add3A_35, %lt3A : i32
    %convert_element_type3A = arith.extui %lt3A_36 : i1 to i32
    %cond3A = arith.constant 0 : i32
    %cond3A_37 = arith.cmpi ne, %convert_element_type3A, %cond3A : i32
    scf.if %cond3A_37 {
      %add3A_112 = arith.constant 0 : i32
      %add3A_113 = arith.addi %add3A, %add3A_112 : i32
      %mul3A_114 = arith.constant 128 : i32
      %mul3A_115 = arith.muli %add3A_113, %mul3A_114 : i32
      %dma_start3A = arith.constant 0 : i32
      %dma_start3A_116 = tpu.memref_slice %arg4[%dma_start3A, %mul3A_115] : memref<2x320000xi32, #tpu.memory_space<hbm>> -> memref<2x128xi32, #tpu.memory_space<hbm>>
      %dma_start3A_117 = arith.constant 0 : i32
      %dma_start3A_118 = tpu.memref_slice %arg4[%dma_start3A_117, %mul3A_115] : memref<2x320000xi32, #tpu.memory_space<hbm>> -> memref<2x128xi32, #tpu.memory_space<hbm>>
      tpu.enqueue_dma source(%dma_start3A_118 : memref<2x128xi32, #tpu.memory_space<hbm>>) target(%arg6 : memref<2x128xi32, #tpu.memory_space<vmem>>) target_semaphore(%arg17 : memref<!tpu.dma_semaphore, #tpu.memory_space<semaphore_mem>>)
    } else {
    }
    %add3A_38 = arith.constant 32 : i32
    %add3A_39 = arith.addi %add3A, %add3A_38 : i32
    %lt3A_40 = arith.constant 2500 : i32
    %lt3A_41 = arith.cmpi slt, %add3A_39, %lt3A_40 : i32
    %convert_element_type3A_42 = arith.extui %lt3A_41 : i1 to i32
    %cond3A_43 = arith.constant 0 : i32
    %cond3A_44 = arith.cmpi ne, %convert_element_type3A_42, %cond3A_43 : i32
    scf.if %cond3A_44 {
      %add3A_112 = arith.constant 32 : i32
      %add3A_113 = arith.addi %add3A, %add3A_112 : i32
      %mul3A_114 = arith.constant 128 : i32
      %mul3A_115 = arith.muli %add3A_113, %mul3A_114 : i32
      %dma_start3A = arith.constant 0 : i32
      %dma_start3A_116 = tpu.memref_slice %arg4[%dma_start3A, %mul3A_115] : memref<2x320000xi32, #tpu.memory_space<hbm>> -> memref<2x128xi32, #tpu.memory_space<hbm>>
      %dma_start3A_117 = arith.constant 0 : i32
      %dma_start3A_118 = tpu.memref_slice %arg4[%dma_start3A_117, %mul3A_115] : memref<2x320000xi32, #tpu.memory_space<hbm>> -> memref<2x128xi32, #tpu.memory_space<hbm>>
      tpu.enqueue_dma source(%dma_start3A_118 : memref<2x128xi32, #tpu.memory_space<hbm>>) target(%arg7 : memref<2x128xi32, #tpu.memory_space<vmem>>) target_semaphore(%arg18 : memref<!tpu.dma_semaphore, #tpu.memory_space<semaphore_mem>>)
    } else {
    }
    %add3A_45 = arith.constant 0 : i32
    %add3A_46 = arith.addi %add3A, %add3A_45 : i32
    %lt3A_47 = arith.constant 2500 : i32
    %lt3A_48 = arith.cmpi slt, %add3A_46, %lt3A_47 : i32
    %convert_element_type3A_49 = arith.extui %lt3A_48 : i1 to i32
    %cond3A_50 = arith.constant 0 : i32
    %cond3A_51 = arith.cmpi ne, %convert_element_type3A_49, %cond3A_50 : i32
    scf.if %cond3A_51 {
      %add3A_112 = arith.constant 0 : i32
      %add3A_113 = arith.addi %add3A, %add3A_112 : i32
      %mul3A_114 = arith.constant 128 : i32
      %mul3A_115 = arith.muli %add3A_113, %mul3A_114 : i32
      %dma_wait3A = arith.constant 0 : i32
      %dma_wait3A_116 = tpu.memref_slice %arg4[%dma_wait3A, %mul3A_115] : memref<2x320000xi32, #tpu.memory_space<hbm>> -> memref<2x128xi32, #tpu.memory_space<hbm>>
      %dma_wait3A_117 = arith.constant 0 : i32
      %dma_wait3A_118 = tpu.memref_slice %arg4[%dma_wait3A_117, %mul3A_115] : memref<2x320000xi32, #tpu.memory_space<hbm>> -> memref<2x128xi32, #tpu.memory_space<hbm>>
      tpu.wait_dma2 semaphore(%arg17 : memref<!tpu.dma_semaphore, #tpu.memory_space<semaphore_mem>>) src(%dma_wait3A_118 : memref<2x128xi32, #tpu.memory_space<hbm>>) dst(%arg6 : memref<2x128xi32, #tpu.memory_space<vmem>>)
      %dma_start3A = arith.constant 0 : i32
      %dma_start3A_119 = arith.constant 0 : i32
      %dma_start3A_120 = tpu.memref_slice %arg6[%dma_start3A, %dma_start3A_119] : memref<2x128xi32, #tpu.memory_space<vmem>> -> memref<1x128xi32, #tpu.memory_space<vmem>>
      %dma_start3A_121 = tpu.memref_squeeze %dma_start3A_120 : memref<1x128xi32, #tpu.memory_space<vmem>> -> memref<128xi32, #tpu.memory_space<vmem>>
      %dma_start3A_122 = arith.constant 0 : i32
      %dma_start3A_123 = arith.constant 0 : i32
      %dma_start3A_124 = tpu.memref_slice %arg2[%dma_start3A_122, %dma_start3A_123] : memref<10000x128xf32, #tpu.memory_space<hbm>> -> memref<10000x128xf32, #tpu.memory_space<hbm>>
      tpu.enqueue_indirect_dma source(%dma_start3A_124 : memref<10000x128xf32, #tpu.memory_space<hbm>>) target(%arg10 : memref<128x128xf32, #tpu.memory_space<vmem>>) offsets(%dma_start3A_121 : memref<128xi32, #tpu.memory_space<vmem>>) semaphore(%arg21 : memref<!tpu.dma_semaphore, #tpu.memory_space<semaphore_mem>>)
      %dma_start3A_125 = arith.constant 1 : i32
      %dma_start3A_126 = arith.constant 0 : i32
      %dma_start3A_127 = tpu.memref_slice %arg6[%dma_start3A_125, %dma_start3A_126] : memref<2x128xi32, #tpu.memory_space<vmem>> -> memref<1x128xi32, #tpu.memory_space<vmem>>
      %dma_start3A_128 = tpu.memref_squeeze %dma_start3A_127 : memref<1x128xi32, #tpu.memory_space<vmem>> -> memref<128xi32, #tpu.memory_space<vmem>>
      %dma_start3A_129 = arith.constant 0 : i32
      %dma_start3A_130 = arith.constant 0 : i32
      %dma_start3A_131 = tpu.memref_slice %arg3[%dma_start3A_129, %dma_start3A_130] : memref<10000x128xf32, #tpu.memory_space<hbm>> -> memref<10000x128xf32, #tpu.memory_space<hbm>>
      tpu.enqueue_indirect_dma source(%dma_start3A_131 : memref<10000x128xf32, #tpu.memory_space<hbm>>) target(%arg12 : memref<128x128xf32, #tpu.memory_space<vmem>>) offsets(%dma_start3A_128 : memref<128xi32, #tpu.memory_space<vmem>>) semaphore(%arg21 : memref<!tpu.dma_semaphore, #tpu.memory_space<semaphore_mem>>)
    } else {
    }
    %scan3A = arith.constant 0 : i32
    %scan3A_52 = arith.constant 0 : i32
    %scan3A_53 = arith.constant 20 : i32
    %scan3A_54 = arith.addi %scan3A_52, %scan3A_53 : i32
    %scan3A_55 = arith.constant 1 : i32
    scf.for %scan3A_112 = %scan3A_52 to %scan3A_54 step %scan3A_55  : i32 {
      %mul3A_113 = arith.constant 4 : i32
      %mul3A_114 = arith.muli %scan3A_112, %mul3A_113 : i32
      %add3A_115 = arith.constant 0 : i32
      %add3A_116 = arith.addi %mul3A_114, %add3A_115 : i32
      %add3A_117 = arith.constant 2 : i32
      %add3A_118 = arith.addi %add3A_116, %add3A_117 : i32
      %mul3A_119 = arith.constant 32 : i32
      %mul3A_120 = arith.muli %add3A_118, %mul3A_119 : i32
      %add3A_121 = arith.addi %add3A, %mul3A_120 : i32
      %lt3A_122 = arith.constant 2500 : i32
      %lt3A_123 = arith.cmpi slt, %add3A_121, %lt3A_122 : i32
      %convert_element_type3A_124 = arith.extui %lt3A_123 : i1 to i32
      %cond3A_125 = arith.constant 0 : i32
      %cond3A_126 = arith.cmpi ne, %convert_element_type3A_124, %cond3A_125 : i32
      scf.if %cond3A_126 {
        %mul3A_235 = arith.constant 32 : i32
        %mul3A_236 = arith.muli %add3A_118, %mul3A_235 : i32
        %add3A_237 = arith.addi %add3A, %mul3A_236 : i32
        %mul3A_238 = arith.constant 128 : i32
        %mul3A_239 = arith.muli %add3A_237, %mul3A_238 : i32
        %dma_start3A = arith.constant 0 : i32
        %dma_start3A_240 = tpu.memref_slice %arg4[%dma_start3A, %mul3A_239] : memref<2x320000xi32, #tpu.memory_space<hbm>> -> memref<2x128xi32, #tpu.memory_space<hbm>>
        %dma_start3A_241 = arith.constant 0 : i32
        %dma_start3A_242 = tpu.memref_slice %arg4[%dma_start3A_241, %mul3A_239] : memref<2x320000xi32, #tpu.memory_space<hbm>> -> memref<2x128xi32, #tpu.memory_space<hbm>>
        tpu.enqueue_dma source(%dma_start3A_242 : memref<2x128xi32, #tpu.memory_space<hbm>>) target(%arg8 : memref<2x128xi32, #tpu.memory_space<vmem>>) target_semaphore(%arg19 : memref<!tpu.dma_semaphore, #tpu.memory_space<semaphore_mem>>)
      } else {
      }
      %add3A_127 = arith.constant 1 : i32
      %add3A_128 = arith.addi %add3A_116, %add3A_127 : i32
      %mul3A_129 = arith.constant 32 : i32
      %mul3A_130 = arith.muli %add3A_128, %mul3A_129 : i32
      %add3A_131 = arith.addi %add3A, %mul3A_130 : i32
      %lt3A_132 = arith.constant 2500 : i32
      %lt3A_133 = arith.cmpi slt, %add3A_131, %lt3A_132 : i32
      %convert_element_type3A_134 = arith.extui %lt3A_133 : i1 to i32
      %cond3A_135 = arith.constant 0 : i32
      %cond3A_136 = arith.cmpi ne, %convert_element_type3A_134, %cond3A_135 : i32
      scf.if %cond3A_136 {
        %mul3A_235 = arith.constant 32 : i32
        %mul3A_236 = arith.muli %add3A_128, %mul3A_235 : i32
        %add3A_237 = arith.addi %add3A, %mul3A_236 : i32
        %mul3A_238 = arith.constant 128 : i32
        %mul3A_239 = arith.muli %add3A_237, %mul3A_238 : i32
        %dma_wait3A = arith.constant 0 : i32
        %dma_wait3A_240 = tpu.memref_slice %arg4[%dma_wait3A, %mul3A_239] : memref<2x320000xi32, #tpu.memory_space<hbm>> -> memref<2x128xi32, #tpu.memory_space<hbm>>
        %dma_wait3A_241 = arith.constant 0 : i32
        %dma_wait3A_242 = tpu.memref_slice %arg4[%dma_wait3A_241, %mul3A_239] : memref<2x320000xi32, #tpu.memory_space<hbm>> -> memref<2x128xi32, #tpu.memory_space<hbm>>
        tpu.wait_dma2 semaphore(%arg18 : memref<!tpu.dma_semaphore, #tpu.memory_space<semaphore_mem>>) src(%dma_wait3A_242 : memref<2x128xi32, #tpu.memory_space<hbm>>) dst(%arg7 : memref<2x128xi32, #tpu.memory_space<vmem>>)
        %dma_start3A = arith.constant 0 : i32
        %dma_start3A_243 = arith.constant 0 : i32
        %dma_start3A_244 = tpu.memref_slice %arg7[%dma_start3A, %dma_start3A_243] : memref<2x128xi32, #tpu.memory_space<vmem>> -> memref<1x128xi32, #tpu.memory_space<vmem>>
        %dma_start3A_245 = tpu.memref_squeeze %dma_start3A_244 : memref<1x128xi32, #tpu.memory_space<vmem>> -> memref<128xi32, #tpu.memory_space<vmem>>
        %dma_start3A_246 = arith.constant 0 : i32
        %dma_start3A_247 = arith.constant 0 : i32
        %dma_start3A_248 = tpu.memref_slice %arg2[%dma_start3A_246, %dma_start3A_247] : memref<10000x128xf32, #tpu.memory_space<hbm>> -> memref<10000x128xf32, #tpu.memory_space<hbm>>
        tpu.enqueue_indirect_dma source(%dma_start3A_248 : memref<10000x128xf32, #tpu.memory_space<hbm>>) target(%arg11 : memref<128x128xf32, #tpu.memory_space<vmem>>) offsets(%dma_start3A_245 : memref<128xi32, #tpu.memory_space<vmem>>) semaphore(%arg22 : memref<!tpu.dma_semaphore, #tpu.memory_space<semaphore_mem>>)
        %dma_start3A_249 = arith.constant 1 : i32
        %dma_start3A_250 = arith.constant 0 : i32
        %dma_start3A_251 = tpu.memref_slice %arg7[%dma_start3A_249, %dma_start3A_250] : memref<2x128xi32, #tpu.memory_space<vmem>> -> memref<1x128xi32, #tpu.memory_space<vmem>>
        %dma_start3A_252 = tpu.memref_squeeze %dma_start3A_251 : memref<1x128xi32, #tpu.memory_space<vmem>> -> memref<128xi32, #tpu.memory_space<vmem>>
        %dma_start3A_253 = arith.constant 0 : i32
        %dma_start3A_254 = arith.constant 0 : i32
        %dma_start3A_255 = tpu.memref_slice %arg3[%dma_start3A_253, %dma_start3A_254] : memref<10000x128xf32, #tpu.memory_space<hbm>> -> memref<10000x128xf32, #tpu.memory_space<hbm>>
        tpu.enqueue_indirect_dma source(%dma_start3A_255 : memref<10000x128xf32, #tpu.memory_space<hbm>>) target(%arg13 : memref<128x128xf32, #tpu.memory_space<vmem>>) offsets(%dma_start3A_252 : memref<128xi32, #tpu.memory_space<vmem>>) semaphore(%arg22 : memref<!tpu.dma_semaphore, #tpu.memory_space<semaphore_mem>>)
      } else {
      }
      %mul3A_137 = arith.constant 32 : i32
      %mul3A_138 = arith.muli %add3A_116, %mul3A_137 : i32
      %add3A_139 = arith.addi %add3A, %mul3A_138 : i32
      %lt3A_140 = arith.constant 2500 : i32
      %lt3A_141 = arith.cmpi slt, %add3A_139, %lt3A_140 : i32
      %convert_element_type3A_142 = arith.extui %lt3A_141 : i1 to i32
      %cond3A_143 = arith.constant 0 : i32
      %cond3A_144 = arith.cmpi ne, %convert_element_type3A_142, %cond3A_143 : i32
      scf.if %cond3A_144 {
        %dma_wait3A = arith.constant 0 : i32
        %dma_wait3A_235 = arith.constant 0 : i32
        %dma_wait3A_236 = tpu.memref_slice %arg6[%dma_wait3A, %dma_wait3A_235] : memref<2x128xi32, #tpu.memory_space<vmem>> -> memref<1x128xi32, #tpu.memory_space<vmem>>
        %dma_wait3A_237 = tpu.memref_squeeze %dma_wait3A_236 : memref<1x128xi32, #tpu.memory_space<vmem>> -> memref<128xi32, #tpu.memory_space<vmem>>
        %dma_wait3A_238 = arith.constant 0 : i32
        %dma_wait3A_239 = arith.constant 0 : i32
        %dma_wait3A_240 = tpu.memref_slice %arg2[%dma_wait3A_238, %dma_wait3A_239] : memref<10000x128xf32, #tpu.memory_space<hbm>> -> memref<10000x128xf32, #tpu.memory_space<hbm>>
        tpu.wait_indirect_dma semaphore(%arg21 : memref<!tpu.dma_semaphore, #tpu.memory_space<semaphore_mem>>) src(%dma_wait3A_240 : memref<10000x128xf32, #tpu.memory_space<hbm>>) dst(%arg10 : memref<128x128xf32, #tpu.memory_space<vmem>>)
        %dma_wait3A_241 = arith.constant 1 : i32
        %dma_wait3A_242 = arith.constant 0 : i32
        %dma_wait3A_243 = tpu.memref_slice %arg6[%dma_wait3A_241, %dma_wait3A_242] : memref<2x128xi32, #tpu.memory_space<vmem>> -> memref<1x128xi32, #tpu.memory_space<vmem>>
        %dma_wait3A_244 = tpu.memref_squeeze %dma_wait3A_243 : memref<1x128xi32, #tpu.memory_space<vmem>> -> memref<128xi32, #tpu.memory_space<vmem>>
        %dma_wait3A_245 = arith.constant 0 : i32
        %dma_wait3A_246 = arith.constant 0 : i32
        %dma_wait3A_247 = tpu.memref_slice %arg3[%dma_wait3A_245, %dma_wait3A_246] : memref<10000x128xf32, #tpu.memory_space<hbm>> -> memref<10000x128xf32, #tpu.memory_space<hbm>>
        tpu.wait_indirect_dma semaphore(%arg21 : memref<!tpu.dma_semaphore, #tpu.memory_space<semaphore_mem>>) src(%dma_wait3A_247 : memref<10000x128xf32, #tpu.memory_space<hbm>>) dst(%arg12 : memref<128x128xf32, #tpu.memory_space<vmem>>)
        %ge3A = arith.constant 2 : i32
        %ge3A_248 = arith.cmpi sge, %add3A_116, %ge3A : i32
        %convert_element_type3A_249 = arith.extui %ge3A_248 : i1 to i32
        %cond3A_250 = arith.constant 0 : i32
        %cond3A_251 = arith.cmpi ne, %convert_element_type3A_249, %cond3A_250 : i32
        scf.if %cond3A_251 {
          %sub3A = arith.constant 2 : i32
          %sub3A_263 = arith.subi %add3A_116, %sub3A : i32
          %mul3A_264 = arith.constant 32 : i32
          %mul3A_265 = arith.muli %sub3A_263, %mul3A_264 : i32
          %add3A_266 = arith.addi %add3A, %mul3A_265 : i32
          %mul3A_267 = arith.constant 128 : i32
          %mul3A_268 = arith.muli %add3A_266, %mul3A_267 : i32
          %dma_wait3A_269 = tpu.memref_slice %arg5[%mul3A_268] : memref<320000xf32, #tpu.memory_space<hbm>> -> memref<128xf32, #tpu.memory_space<hbm>>
          %dma_wait3A_270 = tpu.memref_slice %arg5[%mul3A_268] : memref<320000xf32, #tpu.memory_space<hbm>> -> memref<128xf32, #tpu.memory_space<hbm>>
          tpu.wait_dma2 semaphore(%arg23 : memref<!tpu.dma_semaphore, #tpu.memory_space<semaphore_mem>>) src(%arg14 : memref<128xf32, #tpu.memory_space<vmem>>) dst(%dma_wait3A_270 : memref<128xf32, #tpu.memory_space<hbm>>)
        } else {
        }
        %parallel_loop3A = arith.constant 0 : i32
        %parallel_loop3A_252 = arith.constant 128 : i32
        %parallel_loop3A_253 = arith.constant 1 : i32
        scf.for %parallel_loop3A_263 = %parallel_loop3A to %parallel_loop3A_252 step %parallel_loop3A_253  : i32 {
          %parallel_loop3A_264 = arith.index_cast %parallel_loop3A_263 : i32 to index
          %parallel_loop3A_265 = arith.constant 0 : index
          %parallel_loop3A_266 = tpu.vector_load %arg10[%parallel_loop3A_264, %parallel_loop3A_265] {strides = array<i32>} : memref<128x128xf32, #tpu.memory_space<vmem>>, vector<1x16xf32>,
          %parallel_loop3A_267 = vector.shape_cast %parallel_loop3A_266 : vector<1x16xf32> to vector<16xf32>
          %parallel_loop3A_268 = arith.index_cast %parallel_loop3A_263 : i32 to index
          %parallel_loop3A_269 = arith.constant 0 : index
          %parallel_loop3A_270 = tpu.vector_load %arg12[%parallel_loop3A_268, %parallel_loop3A_269] {strides = array<i32>} : memref<128x128xf32, #tpu.memory_space<vmem>>, vector<1x16xf32>,
          %parallel_loop3A_271 = vector.shape_cast %parallel_loop3A_270 : vector<1x16xf32> to vector<16xf32>
          %parallel_loop3A_272 = arith.mulf %parallel_loop3A_267, %parallel_loop3A_271 : vector<16xf32>
          %parallel_loop3A_273 = arith.index_cast %parallel_loop3A_263 : i32 to index
          %parallel_loop3A_274 = arith.constant 16 : index
          %parallel_loop3A_275 = tpu.vector_load %arg10[%parallel_loop3A_273, %parallel_loop3A_274] {strides = array<i32>} : memref<128x128xf32, #tpu.memory_space<vmem>>, vector<1x16xf32>,
          %parallel_loop3A_276 = vector.shape_cast %parallel_loop3A_275 : vector<1x16xf32> to vector<16xf32>
          %parallel_loop3A_277 = arith.index_cast %parallel_loop3A_263 : i32 to index
          %parallel_loop3A_278 = arith.constant 16 : index
          %parallel_loop3A_279 = tpu.vector_load %arg12[%parallel_loop3A_277, %parallel_loop3A_278] {strides = array<i32>} : memref<128x128xf32, #tpu.memory_space<vmem>>, vector<1x16xf32>,
          %parallel_loop3A_280 = vector.shape_cast %parallel_loop3A_279 : vector<1x16xf32> to vector<16xf32>
          %parallel_loop3A_281 = arith.mulf %parallel_loop3A_276, %parallel_loop3A_280 : vector<16xf32>
          %parallel_loop3A_282 = arith.addf %parallel_loop3A_272, %parallel_loop3A_281 : vector<16xf32>
          %parallel_loop3A_283 = arith.index_cast %parallel_loop3A_263 : i32 to index
          %parallel_loop3A_284 = arith.constant 32 : index
          %parallel_loop3A_285 = tpu.vector_load %arg10[%parallel_loop3A_283, %parallel_loop3A_284] {strides = array<i32>} : memref<128x128xf32, #tpu.memory_space<vmem>>, vector<1x16xf32>,
          %parallel_loop3A_286 = vector.shape_cast %parallel_loop3A_285 : vector<1x16xf32> to vector<16xf32>
          %parallel_loop3A_287 = arith.index_cast %parallel_loop3A_263 : i32 to index
          %parallel_loop3A_288 = arith.constant 32 : index
          %parallel_loop3A_289 = tpu.vector_load %arg12[%parallel_loop3A_287, %parallel_loop3A_288] {strides = array<i32>} : memref<128x128xf32, #tpu.memory_space<vmem>>, vector<1x16xf32>,
          %parallel_loop3A_290 = vector.shape_cast %parallel_loop3A_289 : vector<1x16xf32> to vector<16xf32>
          %parallel_loop3A_291 = arith.mulf %parallel_loop3A_286, %parallel_loop3A_290 : vector<16xf32>
          %parallel_loop3A_292 = arith.addf %parallel_loop3A_282, %parallel_loop3A_291 : vector<16xf32>
          %parallel_loop3A_293 = arith.index_cast %parallel_loop3A_263 : i32 to index
          %parallel_loop3A_294 = arith.constant 48 : index
          %parallel_loop3A_295 = tpu.vector_load %arg10[%parallel_loop3A_293, %parallel_loop3A_294] {strides = array<i32>} : memref<128x128xf32, #tpu.memory_space<vmem>>, vector<1x16xf32>,
          %parallel_loop3A_296 = vector.shape_cast %parallel_loop3A_295 : vector<1x16xf32> to vector<16xf32>
          %parallel_loop3A_297 = arith.index_cast %parallel_loop3A_263 : i32 to index
          %parallel_loop3A_298 = arith.constant 48 : index
          %parallel_loop3A_299 = tpu.vector_load %arg12[%parallel_loop3A_297, %parallel_loop3A_298] {strides = array<i32>} : memref<128x128xf32, #tpu.memory_space<vmem>>, vector<1x16xf32>,
          %parallel_loop3A_300 = vector.shape_cast %parallel_loop3A_299 : vector<1x16xf32> to vector<16xf32>
          %parallel_loop3A_301 = arith.mulf %parallel_loop3A_296, %parallel_loop3A_300 : vector<16xf32>
          %parallel_loop3A_302 = arith.addf %parallel_loop3A_292, %parallel_loop3A_301 : vector<16xf32>
          %parallel_loop3A_303 = arith.index_cast %parallel_loop3A_263 : i32 to index
          %parallel_loop3A_304 = arith.constant 64 : index
          %parallel_loop3A_305 = tpu.vector_load %arg10[%parallel_loop3A_303, %parallel_loop3A_304] {strides = array<i32>} : memref<128x128xf32, #tpu.memory_space<vmem>>, vector<1x16xf32>,
          %parallel_loop3A_306 = vector.shape_cast %parallel_loop3A_305 : vector<1x16xf32> to vector<16xf32>
          %parallel_loop3A_307 = arith.index_cast %parallel_loop3A_263 : i32 to index
          %parallel_loop3A_308 = arith.constant 64 : index
          %parallel_loop3A_309 = tpu.vector_load %arg12[%parallel_loop3A_307, %parallel_loop3A_308] {strides = array<i32>} : memref<128x128xf32, #tpu.memory_space<vmem>>, vector<1x16xf32>,
          %parallel_loop3A_310 = vector.shape_cast %parallel_loop3A_309 : vector<1x16xf32> to vector<16xf32>
          %parallel_loop3A_311 = arith.mulf %parallel_loop3A_306, %parallel_loop3A_310 : vector<16xf32>
          %parallel_loop3A_312 = arith.addf %parallel_loop3A_302, %parallel_loop3A_311 : vector<16xf32>
          %parallel_loop3A_313 = arith.index_cast %parallel_loop3A_263 : i32 to index
          %parallel_loop3A_314 = arith.constant 80 : index
          %parallel_loop3A_315 = tpu.vector_load %arg10[%parallel_loop3A_313, %parallel_loop3A_314] {strides = array<i32>} : memref<128x128xf32, #tpu.memory_space<vmem>>, vector<1x16xf32>,
          %parallel_loop3A_316 = vector.shape_cast %parallel_loop3A_315 : vector<1x16xf32> to vector<16xf32>
          %parallel_loop3A_317 = arith.index_cast %parallel_loop3A_263 : i32 to index
          %parallel_loop3A_318 = arith.constant 80 : index
          %parallel_loop3A_319 = tpu.vector_load %arg12[%parallel_loop3A_317, %parallel_loop3A_318] {strides = array<i32>} : memref<128x128xf32, #tpu.memory_space<vmem>>, vector<1x16xf32>,
          %parallel_loop3A_320 = vector.shape_cast %parallel_loop3A_319 : vector<1x16xf32> to vector<16xf32>
          %parallel_loop3A_321 = arith.mulf %parallel_loop3A_316, %parallel_loop3A_320 : vector<16xf32>
          %parallel_loop3A_322 = arith.addf %parallel_loop3A_312, %parallel_loop3A_321 : vector<16xf32>
          %parallel_loop3A_323 = arith.index_cast %parallel_loop3A_263 : i32 to index
          %parallel_loop3A_324 = arith.constant 96 : index
          %parallel_loop3A_325 = tpu.vector_load %arg10[%parallel_loop3A_323, %parallel_loop3A_324] {strides = array<i32>} : memref<128x128xf32, #tpu.memory_space<vmem>>, vector<1x16xf32>,
          %parallel_loop3A_326 = vector.shape_cast %parallel_loop3A_325 : vector<1x16xf32> to vector<16xf32>
          %parallel_loop3A_327 = arith.index_cast %parallel_loop3A_263 : i32 to index
          %parallel_loop3A_328 = arith.constant 96 : index
          %parallel_loop3A_329 = tpu.vector_load %arg12[%parallel_loop3A_327, %parallel_loop3A_328] {strides = array<i32>} : memref<128x128xf32, #tpu.memory_space<vmem>>, vector<1x16xf32>,
          %parallel_loop3A_330 = vector.shape_cast %parallel_loop3A_329 : vector<1x16xf32> to vector<16xf32>
          %parallel_loop3A_331 = arith.mulf %parallel_loop3A_326, %parallel_loop3A_330 : vector<16xf32>
          %parallel_loop3A_332 = arith.addf %parallel_loop3A_322, %parallel_loop3A_331 : vector<16xf32>
          %parallel_loop3A_333 = arith.index_cast %parallel_loop3A_263 : i32 to index
          %parallel_loop3A_334 = arith.constant 112 : index
          %parallel_loop3A_335 = tpu.vector_load %arg10[%parallel_loop3A_333, %parallel_loop3A_334] {strides = array<i32>} : memref<128x128xf32, #tpu.memory_space<vmem>>, vector<1x16xf32>,
          %parallel_loop3A_336 = vector.shape_cast %parallel_loop3A_335 : vector<1x16xf32> to vector<16xf32>
          %parallel_loop3A_337 = arith.index_cast %parallel_loop3A_263 : i32 to index
          %parallel_loop3A_338 = arith.constant 112 : index
          %parallel_loop3A_339 = tpu.vector_load %arg12[%parallel_loop3A_337, %parallel_loop3A_338] {strides = array<i32>} : memref<128x128xf32, #tpu.memory_space<vmem>>, vector<1x16xf32>,
          %parallel_loop3A_340 = vector.shape_cast %parallel_loop3A_339 : vector<1x16xf32> to vector<16xf32>
          %parallel_loop3A_341 = arith.mulf %parallel_loop3A_336, %parallel_loop3A_340 : vector<16xf32>
          %parallel_loop3A_342 = arith.addf %parallel_loop3A_332, %parallel_loop3A_341 : vector<16xf32>
          %parallel_loop3A_343 = arith.index_cast %parallel_loop3A_263 : i32 to index
          %parallel_loop3A_344 = arith.constant 0 : index
          %parallel_loop3A_345 = tpu.vector_load %arg16[%parallel_loop3A_343, %parallel_loop3A_344] {strides = array<i32>} : memref<128x16xf32, #tpu.memory_space<vmem>>, vector<1x16xf32>,
          %parallel_loop3A_346 = vector.shape_cast %parallel_loop3A_345 : vector<1x16xf32> to vector<16xf32>
          %parallel_loop3A_347 = vector.shape_cast %parallel_loop3A_342 : vector<16xf32> to vector<1x16xf32>
          tpu.vector_store %arg16[%parallel_loop3A_343, %parallel_loop3A_344], %parallel_loop3A_347 {strides = array<i32>} : memref<128x16xf32, #tpu.memory_space<vmem>>, vector<1x16xf32>,
        } {sc.loop_unroll_factor = 2 : i64, sc.parallel_access}
        %parallel_loop3A_254 = arith.constant 0 : i32
        %parallel_loop3A_255 = arith.constant 128 : i32
        %parallel_loop3A_256 = arith.constant 16 : i32
        scf.for %parallel_loop3A_263 = %parallel_loop3A_254 to %parallel_loop3A_255 step %parallel_loop3A_256  : i32 {
          %parallel_loop3A_264 = arith.constant 0 : i32
          %parallel_loop3A_265 = arith.addi %parallel_loop3A_263, %parallel_loop3A_264 : i32
          %parallel_loop3A_266 = arith.index_cast %parallel_loop3A_265 : i32 to index
          %parallel_loop3A_267 = arith.constant 0 : index
          %parallel_loop3A_268 = tpu.vector_load %arg16[%parallel_loop3A_266, %parallel_loop3A_267] {strides = array<i32>} : memref<128x16xf32, #tpu.memory_space<vmem>>, vector<1x16xf32>,
          %parallel_loop3A_269 = vector.shape_cast %parallel_loop3A_268 : vector<1x16xf32> to vector<16xf32>
          %parallel_loop3A_270 = arith.constant 8 : i32
          %parallel_loop3A_271 = arith.addi %parallel_loop3A_263, %parallel_loop3A_270 : i32
          %parallel_loop3A_272 = arith.index_cast %parallel_loop3A_271 : i32 to index
          %parallel_loop3A_273 = arith.constant 0 : index
          %parallel_loop3A_274 = tpu.vector_load %arg16[%parallel_loop3A_272, %parallel_loop3A_273] {strides = array<i32>} : memref<128x16xf32, #tpu.memory_space<vmem>>, vector<1x16xf32>,
          %parallel_loop3A_275 = vector.shape_cast %parallel_loop3A_274 : vector<1x16xf32> to vector<16xf32>
          %parallel_loop3A_276 = vector.shape_cast %xor3A_2 : vector<16xi32> to vector<16x1xi32>
          %parallel_loop3A_277 = vector.shape_cast %parallel_loop3A_276 : vector<16x1xi32> to vector<16xi32>
          %parallel_loop3A_278 = tpu.dynamic_gather %parallel_loop3A_269[%parallel_loop3A_277] in [0] : vector<16xf32>, vector<16xi32> -> vector<16xf32>
          %parallel_loop3A_279 = arith.addf %parallel_loop3A_269, %parallel_loop3A_278 : vector<16xf32>
          %parallel_loop3A_280 = vector.shape_cast %xor3A_2 : vector<16xi32> to vector<16x1xi32>
          %parallel_loop3A_281 = vector.shape_cast %parallel_loop3A_280 : vector<16x1xi32> to vector<16xi32>
          %parallel_loop3A_282 = tpu.dynamic_gather %parallel_loop3A_275[%parallel_loop3A_281] in [0] : vector<16xf32>, vector<16xi32> -> vector<16xf32>
          %parallel_loop3A_283 = arith.addf %parallel_loop3A_275, %parallel_loop3A_282 : vector<16xf32>
          %parallel_loop3A_284 = arith.select %eq3A_15, %parallel_loop3A_279, %parallel_loop3A_283 : vector<16xi1>, vector<16xf32>
          %parallel_loop3A_285 = arith.constant 4 : i32
          %parallel_loop3A_286 = arith.addi %parallel_loop3A_263, %parallel_loop3A_285 : i32
          %parallel_loop3A_287 = arith.index_cast %parallel_loop3A_286 : i32 to index
          %parallel_loop3A_288 = arith.constant 0 : index
          %parallel_loop3A_289 = tpu.vector_load %arg16[%parallel_loop3A_287, %parallel_loop3A_288] {strides = array<i32>} : memref<128x16xf32, #tpu.memory_space<vmem>>, vector<1x16xf32>,
          %parallel_loop3A_290 = vector.shape_cast %parallel_loop3A_289 : vector<1x16xf32> to vector<16xf32>
          %parallel_loop3A_291 = arith.constant 12 : i32
          %parallel_loop3A_292 = arith.addi %parallel_loop3A_263, %parallel_loop3A_291 : i32
          %parallel_loop3A_293 = arith.index_cast %parallel_loop3A_292 : i32 to index
          %parallel_loop3A_294 = arith.constant 0 : index
          %parallel_loop3A_295 = tpu.vector_load %arg16[%parallel_loop3A_293, %parallel_loop3A_294] {strides = array<i32>} : memref<128x16xf32, #tpu.memory_space<vmem>>, vector<1x16xf32>,
          %parallel_loop3A_296 = vector.shape_cast %parallel_loop3A_295 : vector<1x16xf32> to vector<16xf32>
          %parallel_loop3A_297 = vector.shape_cast %xor3A_2 : vector<16xi32> to vector<16x1xi32>
          %parallel_loop3A_298 = vector.shape_cast %parallel_loop3A_297 : vector<16x1xi32> to vector<16xi32>
          %parallel_loop3A_299 = tpu.dynamic_gather %parallel_loop3A_290[%parallel_loop3A_298] in [0] : vector<16xf32>, vector<16xi32> -> vector<16xf32>
          %parallel_loop3A_300 = arith.addf %parallel_loop3A_290, %parallel_loop3A_299 : vector<16xf32>
          %parallel_loop3A_301 = vector.shape_cast %xor3A_2 : vector<16xi32> to vector<16x1xi32>
          %parallel_loop3A_302 = vector.shape_cast %parallel_loop3A_301 : vector<16x1xi32> to vector<16xi32>
          %parallel_loop3A_303 = tpu.dynamic_gather %parallel_loop3A_296[%parallel_loop3A_302] in [0] : vector<16xf32>, vector<16xi32> -> vector<16xf32>
          %parallel_loop3A_304 = arith.addf %parallel_loop3A_296, %parallel_loop3A_303 : vector<16xf32>
          %parallel_loop3A_305 = arith.select %eq3A_15, %parallel_loop3A_300, %parallel_loop3A_304 : vector<16xi1>, vector<16xf32>
          %parallel_loop3A_306 = vector.shape_cast %xor3A_5 : vector<16xi32> to vector<16x1xi32>
          %parallel_loop3A_307 = vector.shape_cast %parallel_loop3A_306 : vector<16x1xi32> to vector<16xi32>
          %parallel_loop3A_308 = tpu.dynamic_gather %parallel_loop3A_284[%parallel_loop3A_307] in [0] : vector<16xf32>, vector<16xi32> -> vector<16xf32>
          %parallel_loop3A_309 = arith.addf %parallel_loop3A_284, %parallel_loop3A_308 : vector<16xf32>
          %parallel_loop3A_310 = vector.shape_cast %xor3A_5 : vector<16xi32> to vector<16x1xi32>
          %parallel_loop3A_311 = vector.shape_cast %parallel_loop3A_310 : vector<16x1xi32> to vector<16xi32>
          %parallel_loop3A_312 = tpu.dynamic_gather %parallel_loop3A_305[%parallel_loop3A_311] in [0] : vector<16xf32>, vector<16xi32> -> vector<16xf32>
          %parallel_loop3A_313 = arith.addf %parallel_loop3A_305, %parallel_loop3A_312 : vector<16xf32>
          %parallel_loop3A_314 = arith.select %eq3A_21, %parallel_loop3A_309, %parallel_loop3A_313 : vector<16xi1>, vector<16xf32>
          %parallel_loop3A_315 = arith.constant 2 : i32
          %parallel_loop3A_316 = arith.addi %parallel_loop3A_263, %parallel_loop3A_315 : i32
          %parallel_loop3A_317 = arith.index_cast %parallel_loop3A_316 : i32 to index
          %parallel_loop3A_318 = arith.constant 0 : index
          %parallel_loop3A_319 = tpu.vector_load %arg16[%parallel_loop3A_317, %parallel_loop3A_318] {strides = array<i32>} : memref<128x16xf32, #tpu.memory_space<vmem>>, vector<1x16xf32>,
          %parallel_loop3A_320 = vector.shape_cast %parallel_loop3A_319 : vector<1x16xf32> to vector<16xf32>
          %parallel_loop3A_321 = arith.constant 10 : i32
          %parallel_loop3A_322 = arith.addi %parallel_loop3A_263, %parallel_loop3A_321 : i32
          %parallel_loop3A_323 = arith.index_cast %parallel_loop3A_322 : i32 to index
          %parallel_loop3A_324 = arith.constant 0 : index
          %parallel_loop3A_325 = tpu.vector_load %arg16[%parallel_loop3A_323, %parallel_loop3A_324] {strides = array<i32>} : memref<128x16xf32, #tpu.memory_space<vmem>>, vector<1x16xf32>,
          %parallel_loop3A_326 = vector.shape_cast %parallel_loop3A_325 : vector<1x16xf32> to vector<16xf32>
          %parallel_loop3A_327 = vector.shape_cast %xor3A_2 : vector<16xi32> to vector<16x1xi32>
          %parallel_loop3A_328 = vector.shape_cast %parallel_loop3A_327 : vector<16x1xi32> to vector<16xi32>
          %parallel_loop3A_329 = tpu.dynamic_gather %parallel_loop3A_320[%parallel_loop3A_328] in [0] : vector<16xf32>, vector<16xi32> -> vector<16xf32>
          %parallel_loop3A_330 = arith.addf %parallel_loop3A_320, %parallel_loop3A_329 : vector<16xf32>
          %parallel_loop3A_331 = vector.shape_cast %xor3A_2 : vector<16xi32> to vector<16x1xi32>
          %parallel_loop3A_332 = vector.shape_cast %parallel_loop3A_331 : vector<16x1xi32> to vector<16xi32>
          %parallel_loop3A_333 = tpu.dynamic_gather %parallel_loop3A_326[%parallel_loop3A_332] in [0] : vector<16xf32>, vector<16xi32> -> vector<16xf32>
          %parallel_loop3A_334 = arith.addf %parallel_loop3A_326, %parallel_loop3A_333 : vector<16xf32>
          %parallel_loop3A_335 = arith.select %eq3A_15, %parallel_loop3A_330, %parallel_loop3A_334 : vector<16xi1>, vector<16xf32>
          %parallel_loop3A_336 = arith.constant 6 : i32
          %parallel_loop3A_337 = arith.addi %parallel_loop3A_263, %parallel_loop3A_336 : i32
          %parallel_loop3A_338 = arith.index_cast %parallel_loop3A_337 : i32 to index
          %parallel_loop3A_339 = arith.constant 0 : index
          %parallel_loop3A_340 = tpu.vector_load %arg16[%parallel_loop3A_338, %parallel_loop3A_339] {strides = array<i32>} : memref<128x16xf32, #tpu.memory_space<vmem>>, vector<1x16xf32>,
          %parallel_loop3A_341 = vector.shape_cast %parallel_loop3A_340 : vector<1x16xf32> to vector<16xf32>
          %parallel_loop3A_342 = arith.constant 14 : i32
          %parallel_loop3A_343 = arith.addi %parallel_loop3A_263, %parallel_loop3A_342 : i32
          %parallel_loop3A_344 = arith.index_cast %parallel_loop3A_343 : i32 to index
          %parallel_loop3A_345 = arith.constant 0 : index
          %parallel_loop3A_346 = tpu.vector_load %arg16[%parallel_loop3A_344, %parallel_loop3A_345] {strides = array<i32>} : memref<128x16xf32, #tpu.memory_space<vmem>>, vector<1x16xf32>,
          %parallel_loop3A_347 = vector.shape_cast %parallel_loop3A_346 : vector<1x16xf32> to vector<16xf32>
          %parallel_loop3A_348 = vector.shape_cast %xor3A_2 : vector<16xi32> to vector<16x1xi32>
          %parallel_loop3A_349 = vector.shape_cast %parallel_loop3A_348 : vector<16x1xi32> to vector<16xi32>
          %parallel_loop3A_350 = tpu.dynamic_gather %parallel_loop3A_341[%parallel_loop3A_349] in [0] : vector<16xf32>, vector<16xi32> -> vector<16xf32>
          %parallel_loop3A_351 = arith.addf %parallel_loop3A_341, %parallel_loop3A_350 : vector<16xf32>
          %parallel_loop3A_352 = vector.shape_cast %xor3A_2 : vector<16xi32> to vector<16x1xi32>
          %parallel_loop3A_353 = vector.shape_cast %parallel_loop3A_352 : vector<16x1xi32> to vector<16xi32>
          %parallel_loop3A_354 = tpu.dynamic_gather %parallel_loop3A_347[%parallel_loop3A_353] in [0] : vector<16xf32>, vector<16xi32> -> vector<16xf32>
          %parallel_loop3A_355 = arith.addf %parallel_loop3A_347, %parallel_loop3A_354 : vector<16xf32>
          %parallel_loop3A_356 = arith.select %eq3A_15, %parallel_loop3A_351, %parallel_loop3A_355 : vector<16xi1>, vector<16xf32>
          %parallel_loop3A_357 = vector.shape_cast %xor3A_5 : vector<16xi32> to vector<16x1xi32>
          %parallel_loop3A_358 = vector.shape_cast %parallel_loop3A_357 : vector<16x1xi32> to vector<16xi32>
          %parallel_loop3A_359 = tpu.dynamic_gather %parallel_loop3A_335[%parallel_loop3A_358] in [0] : vector<16xf32>, vector<16xi32> -> vector<16xf32>
          %parallel_loop3A_360 = arith.addf %parallel_loop3A_335, %parallel_loop3A_359 : vector<16xf32>
          %parallel_loop3A_361 = vector.shape_cast %xor3A_5 : vector<16xi32> to vector<16x1xi32>
          %parallel_loop3A_362 = vector.shape_cast %parallel_loop3A_361 : vector<16x1xi32> to vector<16xi32>
          %parallel_loop3A_363 = tpu.dynamic_gather %parallel_loop3A_356[%parallel_loop3A_362] in [0] : vector<16xf32>, vector<16xi32> -> vector<16xf32>
          %parallel_loop3A_364 = arith.addf %parallel_loop3A_356, %parallel_loop3A_363 : vector<16xf32>
          %parallel_loop3A_365 = arith.select %eq3A_21, %parallel_loop3A_360, %parallel_loop3A_364 : vector<16xi1>, vector<16xf32>
          %parallel_loop3A_366 = vector.shape_cast %xor3A_8 : vector<16xi32> to vector<16x1xi32>
          %parallel_loop3A_367 = vector.shape_cast %parallel_loop3A_366 : vector<16x1xi32> to vector<16xi32>
          %parallel_loop3A_368 = tpu.dynamic_gather %parallel_loop3A_314[%parallel_loop3A_367] in [0] : vector<16xf32>, vector<16xi32> -> vector<16xf32>
          %parallel_loop3A_369 = arith.addf %parallel_loop3A_314, %parallel_loop3A_368 : vector<16xf32>
          %parallel_loop3A_370 = vector.shape_cast %xor3A_8 : vector<16xi32> to vector<16x1xi32>
          %parallel_loop3A_371 = vector.shape_cast %parallel_loop3A_370 : vector<16x1xi32> to vector<16xi32>
          %parallel_loop3A_372 = tpu.dynamic_gather %parallel_loop3A_365[%parallel_loop3A_371] in [0] : vector<16xf32>, vector<16xi32> -> vector<16xf32>
          %parallel_loop3A_373 = arith.addf %parallel_loop3A_365, %parallel_loop3A_372 : vector<16xf32>
          %parallel_loop3A_374 = arith.select %eq3A_27, %parallel_loop3A_369, %parallel_loop3A_373 : vector<16xi1>, vector<16xf32>
          %parallel_loop3A_375 = arith.constant 1 : i32
          %parallel_loop3A_376 = arith.addi %parallel_loop3A_263, %parallel_loop3A_375 : i32
          %parallel_loop3A_377 = arith.index_cast %parallel_loop3A_376 : i32 to index
          %parallel_loop3A_378 = arith.constant 0 : index
          %parallel_loop3A_379 = tpu.vector_load %arg16[%parallel_loop3A_377, %parallel_loop3A_378] {strides = array<i32>} : memref<128x16xf32, #tpu.memory_space<vmem>>, vector<1x16xf32>,
          %parallel_loop3A_380 = vector.shape_cast %parallel_loop3A_379 : vector<1x16xf32> to vector<16xf32>
          %parallel_loop3A_381 = arith.constant 9 : i32
          %parallel_loop3A_382 = arith.addi %parallel_loop3A_263, %parallel_loop3A_381 : i32
          %parallel_loop3A_383 = arith.index_cast %parallel_loop3A_382 : i32 to index
          %parallel_loop3A_384 = arith.constant 0 : index
          %parallel_loop3A_385 = tpu.vector_load %arg16[%parallel_loop3A_383, %parallel_loop3A_384] {strides = array<i32>} : memref<128x16xf32, #tpu.memory_space<vmem>>, vector<1x16xf32>,
          %parallel_loop3A_386 = vector.shape_cast %parallel_loop3A_385 : vector<1x16xf32> to vector<16xf32>
          %parallel_loop3A_387 = vector.shape_cast %xor3A_2 : vector<16xi32> to vector<16x1xi32>
          %parallel_loop3A_388 = vector.shape_cast %parallel_loop3A_387 : vector<16x1xi32> to vector<16xi32>
          %parallel_loop3A_389 = tpu.dynamic_gather %parallel_loop3A_380[%parallel_loop3A_388] in [0] : vector<16xf32>, vector<16xi32> -> vector<16xf32>
          %parallel_loop3A_390 = arith.addf %parallel_loop3A_380, %parallel_loop3A_389 : vector<16xf32>
          %parallel_loop3A_391 = vector.shape_cast %xor3A_2 : vector<16xi32> to vector<16x1xi32>
          %parallel_loop3A_392 = vector.shape_cast %parallel_loop3A_391 : vector<16x1xi32> to vector<16xi32>
          %parallel_loop3A_393 = tpu.dynamic_gather %parallel_loop3A_386[%parallel_loop3A_392] in [0] : vector<16xf32>, vector<16xi32> -> vector<16xf32>
          %parallel_loop3A_394 = arith.addf %parallel_loop3A_386, %parallel_loop3A_393 : vector<16xf32>
          %parallel_loop3A_395 = arith.select %eq3A_15, %parallel_loop3A_390, %parallel_loop3A_394 : vector<16xi1>, vector<16xf32>
          %parallel_loop3A_396 = arith.constant 5 : i32
          %parallel_loop3A_397 = arith.addi %parallel_loop3A_263, %parallel_loop3A_396 : i32
          %parallel_loop3A_398 = arith.index_cast %parallel_loop3A_397 : i32 to index
          %parallel_loop3A_399 = arith.constant 0 : index
          %parallel_loop3A_400 = tpu.vector_load %arg16[%parallel_loop3A_398, %parallel_loop3A_399] {strides = array<i32>} : memref<128x16xf32, #tpu.memory_space<vmem>>, vector<1x16xf32>,
          %parallel_loop3A_401 = vector.shape_cast %parallel_loop3A_400 : vector<1x16xf32> to vector<16xf32>
          %parallel_loop3A_402 = arith.constant 13 : i32
          %parallel_loop3A_403 = arith.addi %parallel_loop3A_263, %parallel_loop3A_402 : i32
          %parallel_loop3A_404 = arith.index_cast %parallel_loop3A_403 : i32 to index
          %parallel_loop3A_405 = arith.constant 0 : index
          %parallel_loop3A_406 = tpu.vector_load %arg16[%parallel_loop3A_404, %parallel_loop3A_405] {strides = array<i32>} : memref<128x16xf32, #tpu.memory_space<vmem>>, vector<1x16xf32>,
          %parallel_loop3A_407 = vector.shape_cast %parallel_loop3A_406 : vector<1x16xf32> to vector<16xf32>
          %parallel_loop3A_408 = vector.shape_cast %xor3A_2 : vector<16xi32> to vector<16x1xi32>
          %parallel_loop3A_409 = vector.shape_cast %parallel_loop3A_408 : vector<16x1xi32> to vector<16xi32>
          %parallel_loop3A_410 = tpu.dynamic_gather %parallel_loop3A_401[%parallel_loop3A_409] in [0] : vector<16xf32>, vector<16xi32> -> vector<16xf32>
          %parallel_loop3A_411 = arith.addf %parallel_loop3A_401, %parallel_loop3A_410 : vector<16xf32>
          %parallel_loop3A_412 = vector.shape_cast %xor3A_2 : vector<16xi32> to vector<16x1xi32>
          %parallel_loop3A_413 = vector.shape_cast %parallel_loop3A_412 : vector<16x1xi32> to vector<16xi32>
          %parallel_loop3A_414 = tpu.dynamic_gather %parallel_loop3A_407[%parallel_loop3A_413] in [0] : vector<16xf32>, vector<16xi32> -> vector<16xf32>
          %parallel_loop3A_415 = arith.addf %parallel_loop3A_407, %parallel_loop3A_414 : vector<16xf32>
          %parallel_loop3A_416 = arith.select %eq3A_15, %parallel_loop3A_411, %parallel_loop3A_415 : vector<16xi1>, vector<16xf32>
          %parallel_loop3A_417 = vector.shape_cast %xor3A_5 : vector<16xi32> to vector<16x1xi32>
          %parallel_loop3A_418 = vector.shape_cast %parallel_loop3A_417 : vector<16x1xi32> to vector<16xi32>
          %parallel_loop3A_419 = tpu.dynamic_gather %parallel_loop3A_395[%parallel_loop3A_418] in [0] : vector<16xf32>, vector<16xi32> -> vector<16xf32>
          %parallel_loop3A_420 = arith.addf %parallel_loop3A_395, %parallel_loop3A_419 : vector<16xf32>
          %parallel_loop3A_421 = vector.shape_cast %xor3A_5 : vector<16xi32> to vector<16x1xi32>
          %parallel_loop3A_422 = vector.shape_cast %parallel_loop3A_421 : vector<16x1xi32> to vector<16xi32>
          %parallel_loop3A_423 = tpu.dynamic_gather %parallel_loop3A_416[%parallel_loop3A_422] in [0] : vector<16xf32>, vector<16xi32> -> vector<16xf32>
          %parallel_loop3A_424 = arith.addf %parallel_loop3A_416, %parallel_loop3A_423 : vector<16xf32>
          %parallel_loop3A_425 = arith.select %eq3A_21, %parallel_loop3A_420, %parallel_loop3A_424 : vector<16xi1>, vector<16xf32>
          %parallel_loop3A_426 = arith.constant 3 : i32
          %parallel_loop3A_427 = arith.addi %parallel_loop3A_263, %parallel_loop3A_426 : i32
          %parallel_loop3A_428 = arith.index_cast %parallel_loop3A_427 : i32 to index
          %parallel_loop3A_429 = arith.constant 0 : index
          %parallel_loop3A_430 = tpu.vector_load %arg16[%parallel_loop3A_428, %parallel_loop3A_429] {strides = array<i32>} : memref<128x16xf32, #tpu.memory_space<vmem>>, vector<1x16xf32>,
          %parallel_loop3A_431 = vector.shape_cast %parallel_loop3A_430 : vector<1x16xf32> to vector<16xf32>
          %parallel_loop3A_432 = arith.constant 11 : i32
          %parallel_loop3A_433 = arith.addi %parallel_loop3A_263, %parallel_loop3A_432 : i32
          %parallel_loop3A_434 = arith.index_cast %parallel_loop3A_433 : i32 to index
          %parallel_loop3A_435 = arith.constant 0 : index
          %parallel_loop3A_436 = tpu.vector_load %arg16[%parallel_loop3A_434, %parallel_loop3A_435] {strides = array<i32>} : memref<128x16xf32, #tpu.memory_space<vmem>>, vector<1x16xf32>,
          %parallel_loop3A_437 = vector.shape_cast %parallel_loop3A_436 : vector<1x16xf32> to vector<16xf32>
          %parallel_loop3A_438 = vector.shape_cast %xor3A_2 : vector<16xi32> to vector<16x1xi32>
          %parallel_loop3A_439 = vector.shape_cast %parallel_loop3A_438 : vector<16x1xi32> to vector<16xi32>
          %parallel_loop3A_440 = tpu.dynamic_gather %parallel_loop3A_431[%parallel_loop3A_439] in [0] : vector<16xf32>, vector<16xi32> -> vector<16xf32>
          %parallel_loop3A_441 = arith.addf %parallel_loop3A_431, %parallel_loop3A_440 : vector<16xf32>
          %parallel_loop3A_442 = vector.shape_cast %xor3A_2 : vector<16xi32> to vector<16x1xi32>
          %parallel_loop3A_443 = vector.shape_cast %parallel_loop3A_442 : vector<16x1xi32> to vector<16xi32>
          %parallel_loop3A_444 = tpu.dynamic_gather %parallel_loop3A_437[%parallel_loop3A_443] in [0] : vector<16xf32>, vector<16xi32> -> vector<16xf32>
          %parallel_loop3A_445 = arith.addf %parallel_loop3A_437, %parallel_loop3A_444 : vector<16xf32>
          %parallel_loop3A_446 = arith.select %eq3A_15, %parallel_loop3A_441, %parallel_loop3A_445 : vector<16xi1>, vector<16xf32>
          %parallel_loop3A_447 = arith.constant 7 : i32
          %parallel_loop3A_448 = arith.addi %parallel_loop3A_263, %parallel_loop3A_447 : i32
          %parallel_loop3A_449 = arith.index_cast %parallel_loop3A_448 : i32 to index
          %parallel_loop3A_450 = arith.constant 0 : index
          %parallel_loop3A_451 = tpu.vector_load %arg16[%parallel_loop3A_449, %parallel_loop3A_450] {strides = array<i32>} : memref<128x16xf32, #tpu.memory_space<vmem>>, vector<1x16xf32>,
          %parallel_loop3A_452 = vector.shape_cast %parallel_loop3A_451 : vector<1x16xf32> to vector<16xf32>
          %parallel_loop3A_453 = arith.constant 15 : i32
          %parallel_loop3A_454 = arith.addi %parallel_loop3A_263, %parallel_loop3A_453 : i32
          %parallel_loop3A_455 = arith.index_cast %parallel_loop3A_454 : i32 to index
          %parallel_loop3A_456 = arith.constant 0 : index
          %parallel_loop3A_457 = tpu.vector_load %arg16[%parallel_loop3A_455, %parallel_loop3A_456] {strides = array<i32>} : memref<128x16xf32, #tpu.memory_space<vmem>>, vector<1x16xf32>,
          %parallel_loop3A_458 = vector.shape_cast %parallel_loop3A_457 : vector<1x16xf32> to vector<16xf32>
          %parallel_loop3A_459 = vector.shape_cast %xor3A_2 : vector<16xi32> to vector<16x1xi32>
          %parallel_loop3A_460 = vector.shape_cast %parallel_loop3A_459 : vector<16x1xi32> to vector<16xi32>
          %parallel_loop3A_461 = tpu.dynamic_gather %parallel_loop3A_452[%parallel_loop3A_460] in [0] : vector<16xf32>, vector<16xi32> -> vector<16xf32>
          %parallel_loop3A_462 = arith.addf %parallel_loop3A_452, %parallel_loop3A_461 : vector<16xf32>
          %parallel_loop3A_463 = vector.shape_cast %xor3A_2 : vector<16xi32> to vector<16x1xi32>
          %parallel_loop3A_464 = vector.shape_cast %parallel_loop3A_463 : vector<16x1xi32> to vector<16xi32>
          %parallel_loop3A_465 = tpu.dynamic_gather %parallel_loop3A_458[%parallel_loop3A_464] in [0] : vector<16xf32>, vector<16xi32> -> vector<16xf32>
          %parallel_loop3A_466 = arith.addf %parallel_loop3A_458, %parallel_loop3A_465 : vector<16xf32>
          %parallel_loop3A_467 = arith.select %eq3A_15, %parallel_loop3A_462, %parallel_loop3A_466 : vector<16xi1>, vector<16xf32>
          %parallel_loop3A_468 = vector.shape_cast %xor3A_5 : vector<16xi32> to vector<16x1xi32>
          %parallel_loop3A_469 = vector.shape_cast %parallel_loop3A_468 : vector<16x1xi32> to vector<16xi32>
          %parallel_loop3A_470 = tpu.dynamic_gather %parallel_loop3A_446[%parallel_loop3A_469] in [0] : vector<16xf32>, vector<16xi32> -> vector<16xf32>
          %parallel_loop3A_471 = arith.addf %parallel_loop3A_446, %parallel_loop3A_470 : vector<16xf32>
          %parallel_loop3A_472 = vector.shape_cast %xor3A_5 : vector<16xi32> to vector<16x1xi32>
          %parallel_loop3A_473 = vector.shape_cast %parallel_loop3A_472 : vector<16x1xi32> to vector<16xi32>
          %parallel_loop3A_474 = tpu.dynamic_gather %parallel_loop3A_467[%parallel_loop3A_473] in [0] : vector<16xf32>, vector<16xi32> -> vector<16xf32>
          %parallel_loop3A_475 = arith.addf %parallel_loop3A_467, %parallel_loop3A_474 : vector<16xf32>
          %parallel_loop3A_476 = arith.select %eq3A_21, %parallel_loop3A_471, %parallel_loop3A_475 : vector<16xi1>, vector<16xf32>
          %parallel_loop3A_477 = vector.shape_cast %xor3A_8 : vector<16xi32> to vector<16x1xi32>
          %parallel_loop3A_478 = vector.shape_cast %parallel_loop3A_477 : vector<16x1xi32> to vector<16xi32>
          %parallel_loop3A_479 = tpu.dynamic_gather %parallel_loop3A_425[%parallel_loop3A_478] in [0] : vector<16xf32>, vector<16xi32> -> vector<16xf32>
          %parallel_loop3A_480 = arith.addf %parallel_loop3A_425, %parallel_loop3A_479 : vector<16xf32>
          %parallel_loop3A_481 = vector.shape_cast %xor3A_8 : vector<16xi32> to vector<16x1xi32>
          %parallel_loop3A_482 = vector.shape_cast %parallel_loop3A_481 : vector<16x1xi32> to vector<16xi32>
          %parallel_loop3A_483 = tpu.dynamic_gather %parallel_loop3A_476[%parallel_loop3A_482] in [0] : vector<16xf32>, vector<16xi32> -> vector<16xf32>
          %parallel_loop3A_484 = arith.addf %parallel_loop3A_476, %parallel_loop3A_483 : vector<16xf32>
          %parallel_loop3A_485 = arith.select %eq3A_27, %parallel_loop3A_480, %parallel_loop3A_484 : vector<16xi1>, vector<16xf32>
          %parallel_loop3A_486 = vector.shape_cast %xor3A_11 : vector<16xi32> to vector<16x1xi32>
          %parallel_loop3A_487 = vector.shape_cast %parallel_loop3A_486 : vector<16x1xi32> to vector<16xi32>
          %parallel_loop3A_488 = tpu.dynamic_gather %parallel_loop3A_374[%parallel_loop3A_487] in [0] : vector<16xf32>, vector<16xi32> -> vector<16xf32>
          %parallel_loop3A_489 = arith.addf %parallel_loop3A_374, %parallel_loop3A_488 : vector<16xf32>
          %parallel_loop3A_490 = vector.shape_cast %xor3A_11 : vector<16xi32> to vector<16x1xi32>
          %parallel_loop3A_491 = vector.shape_cast %parallel_loop3A_490 : vector<16x1xi32> to vector<16xi32>
          %parallel_loop3A_492 = tpu.dynamic_gather %parallel_loop3A_485[%parallel_loop3A_491] in [0] : vector<16xf32>, vector<16xi32> -> vector<16xf32>
          %parallel_loop3A_493 = arith.addf %parallel_loop3A_485, %parallel_loop3A_492 : vector<16xf32>
          %parallel_loop3A_494 = arith.select %eq3A_33, %parallel_loop3A_489, %parallel_loop3A_493 : vector<16xi1>, vector<16xf32>
          %parallel_loop3A_495 = arith.index_cast %parallel_loop3A_263 : i32 to index
          %parallel_loop3A_496 = tpu.vector_load %arg14[%parallel_loop3A_495] {strides = array<i32>} : memref<128xf32, #tpu.memory_space<vmem>>, vector<16xf32>,
          %parallel_loop3A_497 = vector.shape_cast %parallel_loop3A_496 : vector<16xf32> to vector<16xf32>
          %parallel_loop3A_498 = vector.shape_cast %parallel_loop3A_494 : vector<16xf32> to vector<16xf32>
          tpu.vector_store %arg14[%parallel_loop3A_495], %parallel_loop3A_498 {strides = array<i32>} : memref<128xf32, #tpu.memory_space<vmem>>, vector<16xf32>,
        } {sc.loop_unroll_factor = 1 : i64, sc.parallel_access}
        %mul3A_257 = arith.constant 32 : i32
        %mul3A_258 = arith.muli %add3A_116, %mul3A_257 : i32
        %add3A_259 = arith.addi %add3A, %mul3A_258 : i32
        %mul3A_260 = arith.constant 128 : i32
        %mul3A_261 = arith.muli %add3A_259, %mul3A_260 : i32
        %dma_start3A = tpu.memref_slice %arg5[%mul3A_261] : memref<320000xf32, #tpu.memory_space<hbm>> -> memref<128xf32, #tpu.memory_space<hbm>>
        %dma_start3A_262 = tpu.memref_slice %arg5[%mul3A_261] : memref<320000xf32, #tpu.memory_space<hbm>> -> memref<128xf32, #tpu.memory_space<hbm>>
        tpu.enqueue_dma source(%arg14 : memref<128xf32, #tpu.memory_space<vmem>>) target(%dma_start3A_262 : memref<128xf32, #tpu.memory_space<hbm>>) target_semaphore(%arg23 : memref<!tpu.dma_semaphore, #tpu.memory_space<semaphore_mem>>)
      } else {
      }
      %add3A_145 = arith.constant 1 : i32
      %add3A_146 = arith.addi %mul3A_114, %add3A_145 : i32
      %add3A_147 = arith.constant 2 : i32
      %add3A_148 = arith.addi %add3A_146, %add3A_147 : i32
      %mul3A_149 = arith.constant 32 : i32
      %mul3A_150 = arith.muli %add3A_148, %mul3A_149 : i32
      %add3A_151 = arith.addi %add3A, %mul3A_150 : i32
      %lt3A_152 = arith.constant 2500 : i32
      %lt3A_153 = arith.cmpi slt, %add3A_151, %lt3A_152 : i32
      %convert_element_type3A_154 = arith.extui %lt3A_153 : i1 to i32
      %cond3A_155 = arith.constant 0 : i32
      %cond3A_156 = arith.cmpi ne, %convert_element_type3A_154, %cond3A_155 : i32
      scf.if %cond3A_156 {
        %mul3A_235 = arith.constant 32 : i32
        %mul3A_236 = arith.muli %add3A_148, %mul3A_235 : i32
        %add3A_237 = arith.addi %add3A, %mul3A_236 : i32
        %mul3A_238 = arith.constant 128 : i32
        %mul3A_239 = arith.muli %add3A_237, %mul3A_238 : i32
        %dma_start3A = arith.constant 0 : i32
        %dma_start3A_240 = tpu.memref_slice %arg4[%dma_start3A, %mul3A_239] : memref<2x320000xi32, #tpu.memory_space<hbm>> -> memref<2x128xi32, #tpu.memory_space<hbm>>
        %dma_start3A_241 = arith.constant 0 : i32
        %dma_start3A_242 = tpu.memref_slice %arg4[%dma_start3A_241, %mul3A_239] : memref<2x320000xi32, #tpu.memory_space<hbm>> -> memref<2x128xi32, #tpu.memory_space<hbm>>
        tpu.enqueue_dma source(%dma_start3A_242 : memref<2x128xi32, #tpu.memory_space<hbm>>) target(%arg9 : memref<2x128xi32, #tpu.memory_space<vmem>>) target_semaphore(%arg20 : memref<!tpu.dma_semaphore, #tpu.memory_space<semaphore_mem>>)
      } else {
      }
      %add3A_157 = arith.constant 1 : i32
      %add3A_158 = arith.addi %add3A_146, %add3A_157 : i32
      %mul3A_159 = arith.constant 32 : i32
      %mul3A_160 = arith.muli %add3A_158, %mul3A_159 : i32
      %add3A_161 = arith.addi %add3A, %mul3A_160 : i32
      %lt3A_162 = arith.constant 2500 : i32
      %lt3A_163 = arith.cmpi slt, %add3A_161, %lt3A_162 : i32
      %convert_element_type3A_164 = arith.extui %lt3A_163 : i1 to i32
      %cond3A_165 = arith.constant 0 : i32
      %cond3A_166 = arith.cmpi ne, %convert_element_type3A_164, %cond3A_165 : i32
      scf.if %cond3A_166 {
        %mul3A_235 = arith.constant 32 : i32
        %mul3A_236 = arith.muli %add3A_158, %mul3A_235 : i32
        %add3A_237 = arith.addi %add3A, %mul3A_236 : i32
        %mul3A_238 = arith.constant 128 : i32
        %mul3A_239 = arith.muli %add3A_237, %mul3A_238 : i32
        %dma_wait3A = arith.constant 0 : i32
        %dma_wait3A_240 = tpu.memref_slice %arg4[%dma_wait3A, %mul3A_239] : memref<2x320000xi32, #tpu.memory_space<hbm>> -> memref<2x128xi32, #tpu.memory_space<hbm>>
        %dma_wait3A_241 = arith.constant 0 : i32
        %dma_wait3A_242 = tpu.memref_slice %arg4[%dma_wait3A_241, %mul3A_239] : memref<2x320000xi32, #tpu.memory_space<hbm>> -> memref<2x128xi32, #tpu.memory_space<hbm>>
        tpu.wait_dma2 semaphore(%arg19 : memref<!tpu.dma_semaphore, #tpu.memory_space<semaphore_mem>>) src(%dma_wait3A_242 : memref<2x128xi32, #tpu.memory_space<hbm>>) dst(%arg8 : memref<2x128xi32, #tpu.memory_space<vmem>>)
        %dma_start3A = arith.constant 0 : i32
        %dma_start3A_243 = arith.constant 0 : i32
        %dma_start3A_244 = tpu.memref_slice %arg8[%dma_start3A, %dma_start3A_243] : memref<2x128xi32, #tpu.memory_space<vmem>> -> memref<1x128xi32, #tpu.memory_space<vmem>>
        %dma_start3A_245 = tpu.memref_squeeze %dma_start3A_244 : memref<1x128xi32, #tpu.memory_space<vmem>> -> memref<128xi32, #tpu.memory_space<vmem>>
        %dma_start3A_246 = arith.constant 0 : i32
        %dma_start3A_247 = arith.constant 0 : i32
        %dma_start3A_248 = tpu.memref_slice %arg2[%dma_start3A_246, %dma_start3A_247] : memref<10000x128xf32, #tpu.memory_space<hbm>> -> memref<10000x128xf32, #tpu.memory_space<hbm>>
        tpu.enqueue_indirect_dma source(%dma_start3A_248 : memref<10000x128xf32, #tpu.memory_space<hbm>>) target(%arg10 : memref<128x128xf32, #tpu.memory_space<vmem>>) offsets(%dma_start3A_245 : memref<128xi32, #tpu.memory_space<vmem>>) semaphore(%arg21 : memref<!tpu.dma_semaphore, #tpu.memory_space<semaphore_mem>>)
        %dma_start3A_249 = arith.constant 1 : i32
        %dma_start3A_250 = arith.constant 0 : i32
        %dma_start3A_251 = tpu.memref_slice %arg8[%dma_start3A_249, %dma_start3A_250] : memref<2x128xi32, #tpu.memory_space<vmem>> -> memref<1x128xi32, #tpu.memory_space<vmem>>
        %dma_start3A_252 = tpu.memref_squeeze %dma_start3A_251 : memref<1x128xi32, #tpu.memory_space<vmem>> -> memref<128xi32, #tpu.memory_space<vmem>>
        %dma_start3A_253 = arith.constant 0 : i32
        %dma_start3A_254 = arith.constant 0 : i32
        %dma_start3A_255 = tpu.memref_slice %arg3[%dma_start3A_253, %dma_start3A_254] : memref<10000x128xf32, #tpu.memory_space<hbm>> -> memref<10000x128xf32, #tpu.memory_space<hbm>>
        tpu.enqueue_indirect_dma source(%dma_start3A_255 : memref<10000x128xf32, #tpu.memory_space<hbm>>) target(%arg12 : memref<128x128xf32, #tpu.memory_space<vmem>>) offsets(%dma_start3A_252 : memref<128xi32, #tpu.memory_space<vmem>>) semaphore(%arg21 : memref<!tpu.dma_semaphore, #tpu.memory_space<semaphore_mem>>)
      } else {
      }
      %mul3A_167 = arith.constant 32 : i32
      %mul3A_168 = arith.muli %add3A_146, %mul3A_167 : i32
      %add3A_169 = arith.addi %add3A, %mul3A_168 : i32
      %lt3A_170 = arith.constant 2500 : i32
      %lt3A_171 = arith.cmpi slt, %add3A_169, %lt3A_170 : i32
      %convert_element_type3A_172 = arith.extui %lt3A_171 : i1 to i32
      %cond3A_173 = arith.constant 0 : i32
      %cond3A_174 = arith.cmpi ne, %convert_element_type3A_172, %cond3A_173 : i32
      scf.if %cond3A_174 {
        %dma_wait3A = arith.constant 0 : i32
        %dma_wait3A_235 = arith.constant 0 : i32
        %dma_wait3A_236 = tpu.memref_slice %arg7[%dma_wait3A, %dma_wait3A_235] : memref<2x128xi32, #tpu.memory_space<vmem>> -> memref<1x128xi32, #tpu.memory_space<vmem>>
        %dma_wait3A_237 = tpu.memref_squeeze %dma_wait3A_236 : memref<1x128xi32, #tpu.memory_space<vmem>> -> memref<128xi32, #tpu.memory_space<vmem>>
        %dma_wait3A_238 = arith.constant 0 : i32
        %dma_wait3A_239 = arith.constant 0 : i32
        %dma_wait3A_240 = tpu.memref_slice %arg2[%dma_wait3A_238, %dma_wait3A_239] : memref<10000x128xf32, #tpu.memory_space<hbm>> -> memref<10000x128xf32, #tpu.memory_space<hbm>>
        tpu.wait_indirect_dma semaphore(%arg22 : memref<!tpu.dma_semaphore, #tpu.memory_space<semaphore_mem>>) src(%dma_wait3A_240 : memref<10000x128xf32, #tpu.memory_space<hbm>>) dst(%arg11 : memref<128x128xf32, #tpu.memory_space<vmem>>)
        %dma_wait3A_241 = arith.constant 1 : i32
        %dma_wait3A_242 = arith.constant 0 : i32
        %dma_wait3A_243 = tpu.memref_slice %arg7[%dma_wait3A_241, %dma_wait3A_242] : memref<2x128xi32, #tpu.memory_space<vmem>> -> memref<1x128xi32, #tpu.memory_space<vmem>>
        %dma_wait3A_244 = tpu.memref_squeeze %dma_wait3A_243 : memref<1x128xi32, #tpu.memory_space<vmem>> -> memref<128xi32, #tpu.memory_space<vmem>>
        %dma_wait3A_245 = arith.constant 0 : i32
        %dma_wait3A_246 = arith.constant 0 : i32
        %dma_wait3A_247 = tpu.memref_slice %arg3[%dma_wait3A_245, %dma_wait3A_246] : memref<10000x128xf32, #tpu.memory_space<hbm>> -> memref<10000x128xf32, #tpu.memory_space<hbm>>
        tpu.wait_indirect_dma semaphore(%arg22 : memref<!tpu.dma_semaphore, #tpu.memory_space<semaphore_mem>>) src(%dma_wait3A_247 : memref<10000x128xf32, #tpu.memory_space<hbm>>) dst(%arg13 : memref<128x128xf32, #tpu.memory_space<vmem>>)
        %ge3A = arith.constant 2 : i32
        %ge3A_248 = arith.cmpi sge, %add3A_146, %ge3A : i32
        %convert_element_type3A_249 = arith.extui %ge3A_248 : i1 to i32
        %cond3A_250 = arith.constant 0 : i32
        %cond3A_251 = arith.cmpi ne, %convert_element_type3A_249, %cond3A_250 : i32
        scf.if %cond3A_251 {
          %sub3A = arith.constant 2 : i32
          %sub3A_263 = arith.subi %add3A_146, %sub3A : i32
          %mul3A_264 = arith.constant 32 : i32
          %mul3A_265 = arith.muli %sub3A_263, %mul3A_264 : i32
          %add3A_266 = arith.addi %add3A, %mul3A_265 : i32
          %mul3A_267 = arith.constant 128 : i32
          %mul3A_268 = arith.muli %add3A_266, %mul3A_267 : i32
          %dma_wait3A_269 = tpu.memref_slice %arg5[%mul3A_268] : memref<320000xf32, #tpu.memory_space<hbm>> -> memref<128xf32, #tpu.memory_space<hbm>>
          %dma_wait3A_270 = tpu.memref_slice %arg5[%mul3A_268] : memref<320000xf32, #tpu.memory_space<hbm>> -> memref<128xf32, #tpu.memory_space<hbm>>
          tpu.wait_dma2 semaphore(%arg24 : memref<!tpu.dma_semaphore, #tpu.memory_space<semaphore_mem>>) src(%arg15 : memref<128xf32, #tpu.memory_space<vmem>>) dst(%dma_wait3A_270 : memref<128xf32, #tpu.memory_space<hbm>>)
        } else {
        }
        %parallel_loop3A = arith.constant 0 : i32
        %parallel_loop3A_252 = arith.constant 128 : i32
        %parallel_loop3A_253 = arith.constant 1 : i32
        scf.for %parallel_loop3A_263 = %parallel_loop3A to %parallel_loop3A_252 step %parallel_loop3A_253  : i32 {
          %parallel_loop3A_264 = arith.index_cast %parallel_loop3A_263 : i32 to index
          %parallel_loop3A_265 = arith.constant 0 : index
          %parallel_loop3A_266 = tpu.vector_load %arg11[%parallel_loop3A_264, %parallel_loop3A_265] {strides = array<i32>} : memref<128x128xf32, #tpu.memory_space<vmem>>, vector<1x16xf32>,
          %parallel_loop3A_267 = vector.shape_cast %parallel_loop3A_266 : vector<1x16xf32> to vector<16xf32>
          %parallel_loop3A_268 = arith.index_cast %parallel_loop3A_263 : i32 to index
          %parallel_loop3A_269 = arith.constant 0 : index
          %parallel_loop3A_270 = tpu.vector_load %arg13[%parallel_loop3A_268, %parallel_loop3A_269] {strides = array<i32>} : memref<128x128xf32, #tpu.memory_space<vmem>>, vector<1x16xf32>,
          %parallel_loop3A_271 = vector.shape_cast %parallel_loop3A_270 : vector<1x16xf32> to vector<16xf32>
          %parallel_loop3A_272 = arith.mulf %parallel_loop3A_267, %parallel_loop3A_271 : vector<16xf32>
          %parallel_loop3A_273 = arith.index_cast %parallel_loop3A_263 : i32 to index
          %parallel_loop3A_274 = arith.constant 16 : index
          %parallel_loop3A_275 = tpu.vector_load %arg11[%parallel_loop3A_273, %parallel_loop3A_274] {strides = array<i32>} : memref<128x128xf32, #tpu.memory_space<vmem>>, vector<1x16xf32>,
          %parallel_loop3A_276 = vector.shape_cast %parallel_loop3A_275 : vector<1x16xf32> to vector<16xf32>
          %parallel_loop3A_277 = arith.index_cast %parallel_loop3A_263 : i32 to index
          %parallel_loop3A_278 = arith.constant 16 : index
          %parallel_loop3A_279 = tpu.vector_load %arg13[%parallel_loop3A_277, %parallel_loop3A_278] {strides = array<i32>} : memref<128x128xf32, #tpu.memory_space<vmem>>, vector<1x16xf32>,
          %parallel_loop3A_280 = vector.shape_cast %parallel_loop3A_279 : vector<1x16xf32> to vector<16xf32>
          %parallel_loop3A_281 = arith.mulf %parallel_loop3A_276, %parallel_loop3A_280 : vector<16xf32>
          %parallel_loop3A_282 = arith.addf %parallel_loop3A_272, %parallel_loop3A_281 : vector<16xf32>
          %parallel_loop3A_283 = arith.index_cast %parallel_loop3A_263 : i32 to index
          %parallel_loop3A_284 = arith.constant 32 : index
          %parallel_loop3A_285 = tpu.vector_load %arg11[%parallel_loop3A_283, %parallel_loop3A_284] {strides = array<i32>} : memref<128x128xf32, #tpu.memory_space<vmem>>, vector<1x16xf32>,
          %parallel_loop3A_286 = vector.shape_cast %parallel_loop3A_285 : vector<1x16xf32> to vector<16xf32>
          %parallel_loop3A_287 = arith.index_cast %parallel_loop3A_263 : i32 to index
          %parallel_loop3A_288 = arith.constant 32 : index
          %parallel_loop3A_289 = tpu.vector_load %arg13[%parallel_loop3A_287, %parallel_loop3A_288] {strides = array<i32>} : memref<128x128xf32, #tpu.memory_space<vmem>>, vector<1x16xf32>,
          %parallel_loop3A_290 = vector.shape_cast %parallel_loop3A_289 : vector<1x16xf32> to vector<16xf32>
          %parallel_loop3A_291 = arith.mulf %parallel_loop3A_286, %parallel_loop3A_290 : vector<16xf32>
          %parallel_loop3A_292 = arith.addf %parallel_loop3A_282, %parallel_loop3A_291 : vector<16xf32>
          %parallel_loop3A_293 = arith.index_cast %parallel_loop3A_263 : i32 to index
          %parallel_loop3A_294 = arith.constant 48 : index
          %parallel_loop3A_295 = tpu.vector_load %arg11[%parallel_loop3A_293, %parallel_loop3A_294] {strides = array<i32>} : memref<128x128xf32, #tpu.memory_space<vmem>>, vector<1x16xf32>,
          %parallel_loop3A_296 = vector.shape_cast %parallel_loop3A_295 : vector<1x16xf32> to vector<16xf32>
          %parallel_loop3A_297 = arith.index_cast %parallel_loop3A_263 : i32 to index
          %parallel_loop3A_298 = arith.constant 48 : index
          %parallel_loop3A_299 = tpu.vector_load %arg13[%parallel_loop3A_297, %parallel_loop3A_298] {strides = array<i32>} : memref<128x128xf32, #tpu.memory_space<vmem>>, vector<1x16xf32>,
          %parallel_loop3A_300 = vector.shape_cast %parallel_loop3A_299 : vector<1x16xf32> to vector<16xf32>
          %parallel_loop3A_301 = arith.mulf %parallel_loop3A_296, %parallel_loop3A_300 : vector<16xf32>
          %parallel_loop3A_302 = arith.addf %parallel_loop3A_292, %parallel_loop3A_301 : vector<16xf32>
          %parallel_loop3A_303 = arith.index_cast %parallel_loop3A_263 : i32 to index
          %parallel_loop3A_304 = arith.constant 64 : index
          %parallel_loop3A_305 = tpu.vector_load %arg11[%parallel_loop3A_303, %parallel_loop3A_304] {strides = array<i32>} : memref<128x128xf32, #tpu.memory_space<vmem>>, vector<1x16xf32>,
          %parallel_loop3A_306 = vector.shape_cast %parallel_loop3A_305 : vector<1x16xf32> to vector<16xf32>
          %parallel_loop3A_307 = arith.index_cast %parallel_loop3A_263 : i32 to index
          %parallel_loop3A_308 = arith.constant 64 : index
          %parallel_loop3A_309 = tpu.vector_load %arg13[%parallel_loop3A_307, %parallel_loop3A_308] {strides = array<i32>} : memref<128x128xf32, #tpu.memory_space<vmem>>, vector<1x16xf32>,
          %parallel_loop3A_310 = vector.shape_cast %parallel_loop3A_309 : vector<1x16xf32> to vector<16xf32>
          %parallel_loop3A_311 = arith.mulf %parallel_loop3A_306, %parallel_loop3A_310 : vector<16xf32>
          %parallel_loop3A_312 = arith.addf %parallel_loop3A_302, %parallel_loop3A_311 : vector<16xf32>
          %parallel_loop3A_313 = arith.index_cast %parallel_loop3A_263 : i32 to index
          %parallel_loop3A_314 = arith.constant 80 : index
          %parallel_loop3A_315 = tpu.vector_load %arg11[%parallel_loop3A_313, %parallel_loop3A_314] {strides = array<i32>} : memref<128x128xf32, #tpu.memory_space<vmem>>, vector<1x16xf32>,
          %parallel_loop3A_316 = vector.shape_cast %parallel_loop3A_315 : vector<1x16xf32> to vector<16xf32>
          %parallel_loop3A_317 = arith.index_cast %parallel_loop3A_263 : i32 to index
          %parallel_loop3A_318 = arith.constant 80 : index
          %parallel_loop3A_319 = tpu.vector_load %arg13[%parallel_loop3A_317, %parallel_loop3A_318] {strides = array<i32>} : memref<128x128xf32, #tpu.memory_space<vmem>>, vector<1x16xf32>,
          %parallel_loop3A_320 = vector.shape_cast %parallel_loop3A_319 : vector<1x16xf32> to vector<16xf32>
          %parallel_loop3A_321 = arith.mulf %parallel_loop3A_316, %parallel_loop3A_320 : vector<16xf32>
          %parallel_loop3A_322 = arith.addf %parallel_loop3A_312, %parallel_loop3A_321 : vector<16xf32>
          %parallel_loop3A_323 = arith.index_cast %parallel_loop3A_263 : i32 to index
          %parallel_loop3A_324 = arith.constant 96 : index
          %parallel_loop3A_325 = tpu.vector_load %arg11[%parallel_loop3A_323, %parallel_loop3A_324] {strides = array<i32>} : memref<128x128xf32, #tpu.memory_space<vmem>>, vector<1x16xf32>,
          %parallel_loop3A_326 = vector.shape_cast %parallel_loop3A_325 : vector<1x16xf32> to vector<16xf32>
          %parallel_loop3A_327 = arith.index_cast %parallel_loop3A_263 : i32 to index
          %parallel_loop3A_328 = arith.constant 96 : index
          %parallel_loop3A_329 = tpu.vector_load %arg13[%parallel_loop3A_327, %parallel_loop3A_328] {strides = array<i32>} : memref<128x128xf32, #tpu.memory_space<vmem>>, vector<1x16xf32>,
          %parallel_loop3A_330 = vector.shape_cast %parallel_loop3A_329 : vector<1x16xf32> to vector<16xf32>
          %parallel_loop3A_331 = arith.mulf %parallel_loop3A_326, %parallel_loop3A_330 : vector<16xf32>
          %parallel_loop3A_332 = arith.addf %parallel_loop3A_322, %parallel_loop3A_331 : vector<16xf32>
          %parallel_loop3A_333 = arith.index_cast %parallel_loop3A_263 : i32 to index
          %parallel_loop3A_334 = arith.constant 112 : index
          %parallel_loop3A_335 = tpu.vector_load %arg11[%parallel_loop3A_333, %parallel_loop3A_334] {strides = array<i32>} : memref<128x128xf32, #tpu.memory_space<vmem>>, vector<1x16xf32>,
          %parallel_loop3A_336 = vector.shape_cast %parallel_loop3A_335 : vector<1x16xf32> to vector<16xf32>
          %parallel_loop3A_337 = arith.index_cast %parallel_loop3A_263 : i32 to index
          %parallel_loop3A_338 = arith.constant 112 : index
          %parallel_loop3A_339 = tpu.vector_load %arg13[%parallel_loop3A_337, %parallel_loop3A_338] {strides = array<i32>} : memref<128x128xf32, #tpu.memory_space<vmem>>, vector<1x16xf32>,
          %parallel_loop3A_340 = vector.shape_cast %parallel_loop3A_339 : vector<1x16xf32> to vector<16xf32>
          %parallel_loop3A_341 = arith.mulf %parallel_loop3A_336, %parallel_loop3A_340 : vector<16xf32>
          %parallel_loop3A_342 = arith.addf %parallel_loop3A_332, %parallel_loop3A_341 : vector<16xf32>
          %parallel_loop3A_343 = arith.index_cast %parallel_loop3A_263 : i32 to index
          %parallel_loop3A_344 = arith.constant 0 : index
          %parallel_loop3A_345 = tpu.vector_load %arg16[%parallel_loop3A_343, %parallel_loop3A_344] {strides = array<i32>} : memref<128x16xf32, #tpu.memory_space<vmem>>, vector<1x16xf32>,
          %parallel_loop3A_346 = vector.shape_cast %parallel_loop3A_345 : vector<1x16xf32> to vector<16xf32>
          %parallel_loop3A_347 = vector.shape_cast %parallel_loop3A_342 : vector<16xf32> to vector<1x16xf32>
          tpu.vector_store %arg16[%parallel_loop3A_343, %parallel_loop3A_344], %parallel_loop3A_347 {strides = array<i32>} : memref<128x16xf32, #tpu.memory_space<vmem>>, vector<1x16xf32>,
        } {sc.loop_unroll_factor = 2 : i64, sc.parallel_access}
        %parallel_loop3A_254 = arith.constant 0 : i32
        %parallel_loop3A_255 = arith.constant 128 : i32
        %parallel_loop3A_256 = arith.constant 16 : i32
        scf.for %parallel_loop3A_263 = %parallel_loop3A_254 to %parallel_loop3A_255 step %parallel_loop3A_256  : i32 {
          %parallel_loop3A_264 = arith.constant 0 : i32
          %parallel_loop3A_265 = arith.addi %parallel_loop3A_263, %parallel_loop3A_264 : i32
          %parallel_loop3A_266 = arith.index_cast %parallel_loop3A_265 : i32 to index
          %parallel_loop3A_267 = arith.constant 0 : index
          %parallel_loop3A_268 = tpu.vector_load %arg16[%parallel_loop3A_266, %parallel_loop3A_267] {strides = array<i32>} : memref<128x16xf32, #tpu.memory_space<vmem>>, vector<1x16xf32>,
          %parallel_loop3A_269 = vector.shape_cast %parallel_loop3A_268 : vector<1x16xf32> to vector<16xf32>
          %parallel_loop3A_270 = arith.constant 8 : i32
          %parallel_loop3A_271 = arith.addi %parallel_loop3A_263, %parallel_loop3A_270 : i32
          %parallel_loop3A_272 = arith.index_cast %parallel_loop3A_271 : i32 to index
          %parallel_loop3A_273 = arith.constant 0 : index
          %parallel_loop3A_274 = tpu.vector_load %arg16[%parallel_loop3A_272, %parallel_loop3A_273] {strides = array<i32>} : memref<128x16xf32, #tpu.memory_space<vmem>>, vector<1x16xf32>,
          %parallel_loop3A_275 = vector.shape_cast %parallel_loop3A_274 : vector<1x16xf32> to vector<16xf32>
          %parallel_loop3A_276 = vector.shape_cast %xor3A_2 : vector<16xi32> to vector<16x1xi32>
          %parallel_loop3A_277 = vector.shape_cast %parallel_loop3A_276 : vector<16x1xi32> to vector<16xi32>
          %parallel_loop3A_278 = tpu.dynamic_gather %parallel_loop3A_269[%parallel_loop3A_277] in [0] : vector<16xf32>, vector<16xi32> -> vector<16xf32>
          %parallel_loop3A_279 = arith.addf %parallel_loop3A_269, %parallel_loop3A_278 : vector<16xf32>
          %parallel_loop3A_280 = vector.shape_cast %xor3A_2 : vector<16xi32> to vector<16x1xi32>
          %parallel_loop3A_281 = vector.shape_cast %parallel_loop3A_280 : vector<16x1xi32> to vector<16xi32>
          %parallel_loop3A_282 = tpu.dynamic_gather %parallel_loop3A_275[%parallel_loop3A_281] in [0] : vector<16xf32>, vector<16xi32> -> vector<16xf32>
          %parallel_loop3A_283 = arith.addf %parallel_loop3A_275, %parallel_loop3A_282 : vector<16xf32>
          %parallel_loop3A_284 = arith.select %eq3A_15, %parallel_loop3A_279, %parallel_loop3A_283 : vector<16xi1>, vector<16xf32>
          %parallel_loop3A_285 = arith.constant 4 : i32
          %parallel_loop3A_286 = arith.addi %parallel_loop3A_263, %parallel_loop3A_285 : i32
          %parallel_loop3A_287 = arith.index_cast %parallel_loop3A_286 : i32 to index
          %parallel_loop3A_288 = arith.constant 0 : index
          %parallel_loop3A_289 = tpu.vector_load %arg16[%parallel_loop3A_287, %parallel_loop3A_288] {strides = array<i32>} : memref<128x16xf32, #tpu.memory_space<vmem>>, vector<1x16xf32>,
          %parallel_loop3A_290 = vector.shape_cast %parallel_loop3A_289 : vector<1x16xf32> to vector<16xf32>
          %parallel_loop3A_291 = arith.constant 12 : i32
          %parallel_loop3A_292 = arith.addi %parallel_loop3A_263, %parallel_loop3A_291 : i32
          %parallel_loop3A_293 = arith.index_cast %parallel_loop3A_292 : i32 to index
          %parallel_loop3A_294 = arith.constant 0 : index
          %parallel_loop3A_295 = tpu.vector_load %arg16[%parallel_loop3A_293, %parallel_loop3A_294] {strides = array<i32>} : memref<128x16xf32, #tpu.memory_space<vmem>>, vector<1x16xf32>,
          %parallel_loop3A_296 = vector.shape_cast %parallel_loop3A_295 : vector<1x16xf32> to vector<16xf32>
          %parallel_loop3A_297 = vector.shape_cast %xor3A_2 : vector<16xi32> to vector<16x1xi32>
          %parallel_loop3A_298 = vector.shape_cast %parallel_loop3A_297 : vector<16x1xi32> to vector<16xi32>
          %parallel_loop3A_299 = tpu.dynamic_gather %parallel_loop3A_290[%parallel_loop3A_298] in [0] : vector<16xf32>, vector<16xi32> -> vector<16xf32>
          %parallel_loop3A_300 = arith.addf %parallel_loop3A_290, %parallel_loop3A_299 : vector<16xf32>
          %parallel_loop3A_301 = vector.shape_cast %xor3A_2 : vector<16xi32> to vector<16x1xi32>
          %parallel_loop3A_302 = vector.shape_cast %parallel_loop3A_301 : vector<16x1xi32> to vector<16xi32>
          %parallel_loop3A_303 = tpu.dynamic_gather %parallel_loop3A_296[%parallel_loop3A_302] in [0] : vector<16xf32>, vector<16xi32> -> vector<16xf32>
          %parallel_loop3A_304 = arith.addf %parallel_loop3A_296, %parallel_loop3A_303 : vector<16xf32>
          %parallel_loop3A_305 = arith.select %eq3A_15, %parallel_loop3A_300, %parallel_loop3A_304 : vector<16xi1>, vector<16xf32>
          %parallel_loop3A_306 = vector.shape_cast %xor3A_5 : vector<16xi32> to vector<16x1xi32>
          %parallel_loop3A_307 = vector.shape_cast %parallel_loop3A_306 : vector<16x1xi32> to vector<16xi32>
          %parallel_loop3A_308 = tpu.dynamic_gather %parallel_loop3A_284[%parallel_loop3A_307] in [0] : vector<16xf32>, vector<16xi32> -> vector<16xf32>
          %parallel_loop3A_309 = arith.addf %parallel_loop3A_284, %parallel_loop3A_308 : vector<16xf32>
          %parallel_loop3A_310 = vector.shape_cast %xor3A_5 : vector<16xi32> to vector<16x1xi32>
          %parallel_loop3A_311 = vector.shape_cast %parallel_loop3A_310 : vector<16x1xi32> to vector<16xi32>
          %parallel_loop3A_312 = tpu.dynamic_gather %parallel_loop3A_305[%parallel_loop3A_311] in [0] : vector<16xf32>, vector<16xi32> -> vector<16xf32>
          %parallel_loop3A_313 = arith.addf %parallel_loop3A_305, %parallel_loop3A_312 : vector<16xf32>
          %parallel_loop3A_314 = arith.select %eq3A_21, %parallel_loop3A_309, %parallel_loop3A_313 : vector<16xi1>, vector<16xf32>
          %parallel_loop3A_315 = arith.constant 2 : i32
          %parallel_loop3A_316 = arith.addi %parallel_loop3A_263, %parallel_loop3A_315 : i32
          %parallel_loop3A_317 = arith.index_cast %parallel_loop3A_316 : i32 to index
          %parallel_loop3A_318 = arith.constant 0 : index
          %parallel_loop3A_319 = tpu.vector_load %arg16[%parallel_loop3A_317, %parallel_loop3A_318] {strides = array<i32>} : memref<128x16xf32, #tpu.memory_space<vmem>>, vector<1x16xf32>,
          %parallel_loop3A_320 = vector.shape_cast %parallel_loop3A_319 : vector<1x16xf32> to vector<16xf32>
          %parallel_loop3A_321 = arith.constant 10 : i32
          %parallel_loop3A_322 = arith.addi %parallel_loop3A_263, %parallel_loop3A_321 : i32
          %parallel_loop3A_323 = arith.index_cast %parallel_loop3A_322 : i32 to index
          %parallel_loop3A_324 = arith.constant 0 : index
          %parallel_loop3A_325 = tpu.vector_load %arg16[%parallel_loop3A_323, %parallel_loop3A_324] {strides = array<i32>} : memref<128x16xf32, #tpu.memory_space<vmem>>, vector<1x16xf32>,
          %parallel_loop3A_326 = vector.shape_cast %parallel_loop3A_325 : vector<1x16xf32> to vector<16xf32>
          %parallel_loop3A_327 = vector.shape_cast %xor3A_2 : vector<16xi32> to vector<16x1xi32>
          %parallel_loop3A_328 = vector.shape_cast %parallel_loop3A_327 : vector<16x1xi32> to vector<16xi32>
          %parallel_loop3A_329 = tpu.dynamic_gather %parallel_loop3A_320[%parallel_loop3A_328] in [0] : vector<16xf32>, vector<16xi32> -> vector<16xf32>
          %parallel_loop3A_330 = arith.addf %parallel_loop3A_320, %parallel_loop3A_329 : vector<16xf32>
          %parallel_loop3A_331 = vector.shape_cast %xor3A_2 : vector<16xi32> to vector<16x1xi32>
          %parallel_loop3A_332 = vector.shape_cast %parallel_loop3A_331 : vector<16x1xi32> to vector<16xi32>
          %parallel_loop3A_333 = tpu.dynamic_gather %parallel_loop3A_326[%parallel_loop3A_332] in [0] : vector<16xf32>, vector<16xi32> -> vector<16xf32>
          %parallel_loop3A_334 = arith.addf %parallel_loop3A_326, %parallel_loop3A_333 : vector<16xf32>
          %parallel_loop3A_335 = arith.select %eq3A_15, %parallel_loop3A_330, %parallel_loop3A_334 : vector<16xi1>, vector<16xf32>
          %parallel_loop3A_336 = arith.constant 6 : i32
          %parallel_loop3A_337 = arith.addi %parallel_loop3A_263, %parallel_loop3A_336 : i32
          %parallel_loop3A_338 = arith.index_cast %parallel_loop3A_337 : i32 to index
          %parallel_loop3A_339 = arith.constant 0 : index
          %parallel_loop3A_340 = tpu.vector_load %arg16[%parallel_loop3A_338, %parallel_loop3A_339] {strides = array<i32>} : memref<128x16xf32, #tpu.memory_space<vmem>>, vector<1x16xf32>,
          %parallel_loop3A_341 = vector.shape_cast %parallel_loop3A_340 : vector<1x16xf32> to vector<16xf32>
          %parallel_loop3A_342 = arith.constant 14 : i32
          %parallel_loop3A_343 = arith.addi %parallel_loop3A_263, %parallel_loop3A_342 : i32
          %parallel_loop3A_344 = arith.index_cast %parallel_loop3A_343 : i32 to index
          %parallel_loop3A_345 = arith.constant 0 : index
          %parallel_loop3A_346 = tpu.vector_load %arg16[%parallel_loop3A_344, %parallel_loop3A_345] {strides = array<i32>} : memref<128x16xf32, #tpu.memory_space<vmem>>, vector<1x16xf32>,
          %parallel_loop3A_347 = vector.shape_cast %parallel_loop3A_346 : vector<1x16xf32> to vector<16xf32>
          %parallel_loop3A_348 = vector.shape_cast %xor3A_2 : vector<16xi32> to vector<16x1xi32>
          %parallel_loop3A_349 = vector.shape_cast %parallel_loop3A_348 : vector<16x1xi32> to vector<16xi32>
          %parallel_loop3A_350 = tpu.dynamic_gather %parallel_loop3A_341[%parallel_loop3A_349] in [0] : vector<16xf32>, vector<16xi32> -> vector<16xf32>
          %parallel_loop3A_351 = arith.addf %parallel_loop3A_341, %parallel_loop3A_350 : vector<16xf32>
          %parallel_loop3A_352 = vector.shape_cast %xor3A_2 : vector<16xi32> to vector<16x1xi32>
          %parallel_loop3A_353 = vector.shape_cast %parallel_loop3A_352 : vector<16x1xi32> to vector<16xi32>
          %parallel_loop3A_354 = tpu.dynamic_gather %parallel_loop3A_347[%parallel_loop3A_353] in [0] : vector<16xf32>, vector<16xi32> -> vector<16xf32>
          %parallel_loop3A_355 = arith.addf %parallel_loop3A_347, %parallel_loop3A_354 : vector<16xf32>
          %parallel_loop3A_356 = arith.select %eq3A_15, %parallel_loop3A_351, %parallel_loop3A_355 : vector<16xi1>, vector<16xf32>
          %parallel_loop3A_357 = vector.shape_cast %xor3A_5 : vector<16xi32> to vector<16x1xi32>
          %parallel_loop3A_358 = vector.shape_cast %parallel_loop3A_357 : vector<16x1xi32> to vector<16xi32>
          %parallel_loop3A_359 = tpu.dynamic_gather %parallel_loop3A_335[%parallel_loop3A_358] in [0] : vector<16xf32>, vector<16xi32> -> vector<16xf32>
          %parallel_loop3A_360 = arith.addf %parallel_loop3A_335, %parallel_loop3A_359 : vector<16xf32>
          %parallel_loop3A_361 = vector.shape_cast %xor3A_5 : vector<16xi32> to vector<16x1xi32>
          %parallel_loop3A_362 = vector.shape_cast %parallel_loop3A_361 : vector<16x1xi32> to vector<16xi32>
          %parallel_loop3A_363 = tpu.dynamic_gather %parallel_loop3A_356[%parallel_loop3A_362] in [0] : vector<16xf32>, vector<16xi32> -> vector<16xf32>
          %parallel_loop3A_364 = arith.addf %parallel_loop3A_356, %parallel_loop3A_363 : vector<16xf32>
          %parallel_loop3A_365 = arith.select %eq3A_21, %parallel_loop3A_360, %parallel_loop3A_364 : vector<16xi1>, vector<16xf32>
          %parallel_loop3A_366 = vector.shape_cast %xor3A_8 : vector<16xi32> to vector<16x1xi32>
          %parallel_loop3A_367 = vector.shape_cast %parallel_loop3A_366 : vector<16x1xi32> to vector<16xi32>
          %parallel_loop3A_368 = tpu.dynamic_gather %parallel_loop3A_314[%parallel_loop3A_367] in [0] : vector<16xf32>, vector<16xi32> -> vector<16xf32>
          %parallel_loop3A_369 = arith.addf %parallel_loop3A_314, %parallel_loop3A_368 : vector<16xf32>
          %parallel_loop3A_370 = vector.shape_cast %xor3A_8 : vector<16xi32> to vector<16x1xi32>
          %parallel_loop3A_371 = vector.shape_cast %parallel_loop3A_370 : vector<16x1xi32> to vector<16xi32>
          %parallel_loop3A_372 = tpu.dynamic_gather %parallel_loop3A_365[%parallel_loop3A_371] in [0] : vector<16xf32>, vector<16xi32> -> vector<16xf32>
          %parallel_loop3A_373 = arith.addf %parallel_loop3A_365, %parallel_loop3A_372 : vector<16xf32>
          %parallel_loop3A_374 = arith.select %eq3A_27, %parallel_loop3A_369, %parallel_loop3A_373 : vector<16xi1>, vector<16xf32>
          %parallel_loop3A_375 = arith.constant 1 : i32
          %parallel_loop3A_376 = arith.addi %parallel_loop3A_263, %parallel_loop3A_375 : i32
          %parallel_loop3A_377 = arith.index_cast %parallel_loop3A_376 : i32 to index
          %parallel_loop3A_378 = arith.constant 0 : index
          %parallel_loop3A_379 = tpu.vector_load %arg16[%parallel_loop3A_377, %parallel_loop3A_378] {strides = array<i32>} : memref<128x16xf32, #tpu.memory_space<vmem>>, vector<1x16xf32>,
          %parallel_loop3A_380 = vector.shape_cast %parallel_loop3A_379 : vector<1x16xf32> to vector<16xf32>
          %parallel_loop3A_381 = arith.constant 9 : i32
          %parallel_loop3A_382 = arith.addi %parallel_loop3A_263, %parallel_loop3A_381 : i32
          %parallel_loop3A_383 = arith.index_cast %parallel_loop3A_382 : i32 to index
          %parallel_loop3A_384 = arith.constant 0 : index
          %parallel_loop3A_385 = tpu.vector_load %arg16[%parallel_loop3A_383, %parallel_loop3A_384] {strides = array<i32>} : memref<128x16xf32, #tpu.memory_space<vmem>>, vector<1x16xf32>,
          %parallel_loop3A_386 = vector.shape_cast %parallel_loop3A_385 : vector<1x16xf32> to vector<16xf32>
          %parallel_loop3A_387 = vector.shape_cast %xor3A_2 : vector<16xi32> to vector<16x1xi32>
          %parallel_loop3A_388 = vector.shape_cast %parallel_loop3A_387 : vector<16x1xi32> to vector<16xi32>
          %parallel_loop3A_389 = tpu.dynamic_gather %parallel_loop3A_380[%parallel_loop3A_388] in [0] : vector<16xf32>, vector<16xi32> -> vector<16xf32>
          %parallel_loop3A_390 = arith.addf %parallel_loop3A_380, %parallel_loop3A_389 : vector<16xf32>
          %parallel_loop3A_391 = vector.shape_cast %xor3A_2 : vector<16xi32> to vector<16x1xi32>
          %parallel_loop3A_392 = vector.shape_cast %parallel_loop3A_391 : vector<16x1xi32> to vector<16xi32>
          %parallel_loop3A_393 = tpu.dynamic_gather %parallel_loop3A_386[%parallel_loop3A_392] in [0] : vector<16xf32>, vector<16xi32> -> vector<16xf32>
          %parallel_loop3A_394 = arith.addf %parallel_loop3A_386, %parallel_loop3A_393 : vector<16xf32>
          %parallel_loop3A_395 = arith.select %eq3A_15, %parallel_loop3A_390, %parallel_loop3A_394 : vector<16xi1>, vector<16xf32>
          %parallel_loop3A_396 = arith.constant 5 : i32
          %parallel_loop3A_397 = arith.addi %parallel_loop3A_263, %parallel_loop3A_396 : i32
          %parallel_loop3A_398 = arith.index_cast %parallel_loop3A_397 : i32 to index
          %parallel_loop3A_399 = arith.constant 0 : index
          %parallel_loop3A_400 = tpu.vector_load %arg16[%parallel_loop3A_398, %parallel_loop3A_399] {strides = array<i32>} : memref<128x16xf32, #tpu.memory_space<vmem>>, vector<1x16xf32>,
          %parallel_loop3A_401 = vector.shape_cast %parallel_loop3A_400 : vector<1x16xf32> to vector<16xf32>
          %parallel_loop3A_402 = arith.constant 13 : i32
          %parallel_loop3A_403 = arith.addi %parallel_loop3A_263, %parallel_loop3A_402 : i32
          %parallel_loop3A_404 = arith.index_cast %parallel_loop3A_403 : i32 to index
          %parallel_loop3A_405 = arith.constant 0 : index
          %parallel_loop3A_406 = tpu.vector_load %arg16[%parallel_loop3A_404, %parallel_loop3A_405] {strides = array<i32>} : memref<128x16xf32, #tpu.memory_space<vmem>>, vector<1x16xf32>,
          %parallel_loop3A_407 = vector.shape_cast %parallel_loop3A_406 : vector<1x16xf32> to vector<16xf32>
          %parallel_loop3A_408 = vector.shape_cast %xor3A_2 : vector<16xi32> to vector<16x1xi32>
          %parallel_loop3A_409 = vector.shape_cast %parallel_loop3A_408 : vector<16x1xi32> to vector<16xi32>
          %parallel_loop3A_410 = tpu.dynamic_gather %parallel_loop3A_401[%parallel_loop3A_409] in [0] : vector<16xf32>, vector<16xi32> -> vector<16xf32>
          %parallel_loop3A_411 = arith.addf %parallel_loop3A_401, %parallel_loop3A_410 : vector<16xf32>
          %parallel_loop3A_412 = vector.shape_cast %xor3A_2 : vector<16xi32> to vector<16x1xi32>
          %parallel_loop3A_413 = vector.shape_cast %parallel_loop3A_412 : vector<16x1xi32> to vector<16xi32>
          %parallel_loop3A_414 = tpu.dynamic_gather %parallel_loop3A_407[%parallel_loop3A_413] in [0] : vector<16xf32>, vector<16xi32> -> vector<16xf32>
          %parallel_loop3A_415 = arith.addf %parallel_loop3A_407, %parallel_loop3A_414 : vector<16xf32>
          %parallel_loop3A_416 = arith.select %eq3A_15, %parallel_loop3A_411, %parallel_loop3A_415 : vector<16xi1>, vector<16xf32>
          %parallel_loop3A_417 = vector.shape_cast %xor3A_5 : vector<16xi32> to vector<16x1xi32>
          %parallel_loop3A_418 = vector.shape_cast %parallel_loop3A_417 : vector<16x1xi32> to vector<16xi32>
          %parallel_loop3A_419 = tpu.dynamic_gather %parallel_loop3A_395[%parallel_loop3A_418] in [0] : vector<16xf32>, vector<16xi32> -> vector<16xf32>
          %parallel_loop3A_420 = arith.addf %parallel_loop3A_395, %parallel_loop3A_419 : vector<16xf32>
          %parallel_loop3A_421 = vector.shape_cast %xor3A_5 : vector<16xi32> to vector<16x1xi32>
          %parallel_loop3A_422 = vector.shape_cast %parallel_loop3A_421 : vector<16x1xi32> to vector<16xi32>
          %parallel_loop3A_423 = tpu.dynamic_gather %parallel_loop3A_416[%parallel_loop3A_422] in [0] : vector<16xf32>, vector<16xi32> -> vector<16xf32>
          %parallel_loop3A_424 = arith.addf %parallel_loop3A_416, %parallel_loop3A_423 : vector<16xf32>
          %parallel_loop3A_425 = arith.select %eq3A_21, %parallel_loop3A_420, %parallel_loop3A_424 : vector<16xi1>, vector<16xf32>
          %parallel_loop3A_426 = arith.constant 3 : i32
          %parallel_loop3A_427 = arith.addi %parallel_loop3A_263, %parallel_loop3A_426 : i32
          %parallel_loop3A_428 = arith.index_cast %parallel_loop3A_427 : i32 to index
          %parallel_loop3A_429 = arith.constant 0 : index
          %parallel_loop3A_430 = tpu.vector_load %arg16[%parallel_loop3A_428, %parallel_loop3A_429] {strides = array<i32>} : memref<128x16xf32, #tpu.memory_space<vmem>>, vector<1x16xf32>,
          %parallel_loop3A_431 = vector.shape_cast %parallel_loop3A_430 : vector<1x16xf32> to vector<16xf32>
          %parallel_loop3A_432 = arith.constant 11 : i32
          %parallel_loop3A_433 = arith.addi %parallel_loop3A_263, %parallel_loop3A_432 : i32
          %parallel_loop3A_434 = arith.index_cast %parallel_loop3A_433 : i32 to index
          %parallel_loop3A_435 = arith.constant 0 : index
          %parallel_loop3A_436 = tpu.vector_load %arg16[%parallel_loop3A_434, %parallel_loop3A_435] {strides = array<i32>} : memref<128x16xf32, #tpu.memory_space<vmem>>, vector<1x16xf32>,
          %parallel_loop3A_437 = vector.shape_cast %parallel_loop3A_436 : vector<1x16xf32> to vector<16xf32>
          %parallel_loop3A_438 = vector.shape_cast %xor3A_2 : vector<16xi32> to vector<16x1xi32>
          %parallel_loop3A_439 = vector.shape_cast %parallel_loop3A_438 : vector<16x1xi32> to vector<16xi32>
          %parallel_loop3A_440 = tpu.dynamic_gather %parallel_loop3A_431[%parallel_loop3A_439] in [0] : vector<16xf32>, vector<16xi32> -> vector<16xf32>
          %parallel_loop3A_441 = arith.addf %parallel_loop3A_431, %parallel_loop3A_440 : vector<16xf32>
          %parallel_loop3A_442 = vector.shape_cast %xor3A_2 : vector<16xi32> to vector<16x1xi32>
          %parallel_loop3A_443 = vector.shape_cast %parallel_loop3A_442 : vector<16x1xi32> to vector<16xi32>
          %parallel_loop3A_444 = tpu.dynamic_gather %parallel_loop3A_437[%parallel_loop3A_443] in [0] : vector<16xf32>, vector<16xi32> -> vector<16xf32>
          %parallel_loop3A_445 = arith.addf %parallel_loop3A_437, %parallel_loop3A_444 : vector<16xf32>
          %parallel_loop3A_446 = arith.select %eq3A_15, %parallel_loop3A_441, %parallel_loop3A_445 : vector<16xi1>, vector<16xf32>
          %parallel_loop3A_447 = arith.constant 7 : i32
          %parallel_loop3A_448 = arith.addi %parallel_loop3A_263, %parallel_loop3A_447 : i32
          %parallel_loop3A_449 = arith.index_cast %parallel_loop3A_448 : i32 to index
          %parallel_loop3A_450 = arith.constant 0 : index
          %parallel_loop3A_451 = tpu.vector_load %arg16[%parallel_loop3A_449, %parallel_loop3A_450] {strides = array<i32>} : memref<128x16xf32, #tpu.memory_space<vmem>>, vector<1x16xf32>,
          %parallel_loop3A_452 = vector.shape_cast %parallel_loop3A_451 : vector<1x16xf32> to vector<16xf32>
          %parallel_loop3A_453 = arith.constant 15 : i32
          %parallel_loop3A_454 = arith.addi %parallel_loop3A_263, %parallel_loop3A_453 : i32
          %parallel_loop3A_455 = arith.index_cast %parallel_loop3A_454 : i32 to index
          %parallel_loop3A_456 = arith.constant 0 : index
          %parallel_loop3A_457 = tpu.vector_load %arg16[%parallel_loop3A_455, %parallel_loop3A_456] {strides = array<i32>} : memref<128x16xf32, #tpu.memory_space<vmem>>, vector<1x16xf32>,
          %parallel_loop3A_458 = vector.shape_cast %parallel_loop3A_457 : vector<1x16xf32> to vector<16xf32>
          %parallel_loop3A_459 = vector.shape_cast %xor3A_2 : vector<16xi32> to vector<16x1xi32>
          %parallel_loop3A_460 = vector.shape_cast %parallel_loop3A_459 : vector<16x1xi32> to vector<16xi32>
          %parallel_loop3A_461 = tpu.dynamic_gather %parallel_loop3A_452[%parallel_loop3A_460] in [0] : vector<16xf32>, vector<16xi32> -> vector<16xf32>
          %parallel_loop3A_462 = arith.addf %parallel_loop3A_452, %parallel_loop3A_461 : vector<16xf32>
          %parallel_loop3A_463 = vector.shape_cast %xor3A_2 : vector<16xi32> to vector<16x1xi32>
          %parallel_loop3A_464 = vector.shape_cast %parallel_loop3A_463 : vector<16x1xi32> to vector<16xi32>
          %parallel_loop3A_465 = tpu.dynamic_gather %parallel_loop3A_458[%parallel_loop3A_464] in [0] : vector<16xf32>, vector<16xi32> -> vector<16xf32>
          %parallel_loop3A_466 = arith.addf %parallel_loop3A_458, %parallel_loop3A_465 : vector<16xf32>
          %parallel_loop3A_467 = arith.select %eq3A_15, %parallel_loop3A_462, %parallel_loop3A_466 : vector<16xi1>, vector<16xf32>
          %parallel_loop3A_468 = vector.shape_cast %xor3A_5 : vector<16xi32> to vector<16x1xi32>
          %parallel_loop3A_469 = vector.shape_cast %parallel_loop3A_468 : vector<16x1xi32> to vector<16xi32>
          %parallel_loop3A_470 = tpu.dynamic_gather %parallel_loop3A_446[%parallel_loop3A_469] in [0] : vector<16xf32>, vector<16xi32> -> vector<16xf32>
          %parallel_loop3A_471 = arith.addf %parallel_loop3A_446, %parallel_loop3A_470 : vector<16xf32>
          %parallel_loop3A_472 = vector.shape_cast %xor3A_5 : vector<16xi32> to vector<16x1xi32>
          %parallel_loop3A_473 = vector.shape_cast %parallel_loop3A_472 : vector<16x1xi32> to vector<16xi32>
          %parallel_loop3A_474 = tpu.dynamic_gather %parallel_loop3A_467[%parallel_loop3A_473] in [0] : vector<16xf32>, vector<16xi32> -> vector<16xf32>
          %parallel_loop3A_475 = arith.addf %parallel_loop3A_467, %parallel_loop3A_474 : vector<16xf32>
          %parallel_loop3A_476 = arith.select %eq3A_21, %parallel_loop3A_471, %parallel_loop3A_475 : vector<16xi1>, vector<16xf32>
          %parallel_loop3A_477 = vector.shape_cast %xor3A_8 : vector<16xi32> to vector<16x1xi32>
          %parallel_loop3A_478 = vector.shape_cast %parallel_loop3A_477 : vector<16x1xi32> to vector<16xi32>
          %parallel_loop3A_479 = tpu.dynamic_gather %parallel_loop3A_425[%parallel_loop3A_478] in [0] : vector<16xf32>, vector<16xi32> -> vector<16xf32>
          %parallel_loop3A_480 = arith.addf %parallel_loop3A_425, %parallel_loop3A_479 : vector<16xf32>
          %parallel_loop3A_481 = vector.shape_cast %xor3A_8 : vector<16xi32> to vector<16x1xi32>
          %parallel_loop3A_482 = vector.shape_cast %parallel_loop3A_481 : vector<16x1xi32> to vector<16xi32>
          %parallel_loop3A_483 = tpu.dynamic_gather %parallel_loop3A_476[%parallel_loop3A_482] in [0] : vector<16xf32>, vector<16xi32> -> vector<16xf32>
          %parallel_loop3A_484 = arith.addf %parallel_loop3A_476, %parallel_loop3A_483 : vector<16xf32>
          %parallel_loop3A_485 = arith.select %eq3A_27, %parallel_loop3A_480, %parallel_loop3A_484 : vector<16xi1>, vector<16xf32>
          %parallel_loop3A_486 = vector.shape_cast %xor3A_11 : vector<16xi32> to vector<16x1xi32>
          %parallel_loop3A_487 = vector.shape_cast %parallel_loop3A_486 : vector<16x1xi32> to vector<16xi32>
          %parallel_loop3A_488 = tpu.dynamic_gather %parallel_loop3A_374[%parallel_loop3A_487] in [0] : vector<16xf32>, vector<16xi32> -> vector<16xf32>
          %parallel_loop3A_489 = arith.addf %parallel_loop3A_374, %parallel_loop3A_488 : vector<16xf32>
          %parallel_loop3A_490 = vector.shape_cast %xor3A_11 : vector<16xi32> to vector<16x1xi32>
          %parallel_loop3A_491 = vector.shape_cast %parallel_loop3A_490 : vector<16x1xi32> to vector<16xi32>
          %parallel_loop3A_492 = tpu.dynamic_gather %parallel_loop3A_485[%parallel_loop3A_491] in [0] : vector<16xf32>, vector<16xi32> -> vector<16xf32>
          %parallel_loop3A_493 = arith.addf %parallel_loop3A_485, %parallel_loop3A_492 : vector<16xf32>
          %parallel_loop3A_494 = arith.select %eq3A_33, %parallel_loop3A_489, %parallel_loop3A_493 : vector<16xi1>, vector<16xf32>
          %parallel_loop3A_495 = arith.index_cast %parallel_loop3A_263 : i32 to index
          %parallel_loop3A_496 = tpu.vector_load %arg15[%parallel_loop3A_495] {strides = array<i32>} : memref<128xf32, #tpu.memory_space<vmem>>, vector<16xf32>,
          %parallel_loop3A_497 = vector.shape_cast %parallel_loop3A_496 : vector<16xf32> to vector<16xf32>
          %parallel_loop3A_498 = vector.shape_cast %parallel_loop3A_494 : vector<16xf32> to vector<16xf32>
          tpu.vector_store %arg15[%parallel_loop3A_495], %parallel_loop3A_498 {strides = array<i32>} : memref<128xf32, #tpu.memory_space<vmem>>, vector<16xf32>,
        } {sc.loop_unroll_factor = 1 : i64, sc.parallel_access}
        %mul3A_257 = arith.constant 32 : i32
        %mul3A_258 = arith.muli %add3A_146, %mul3A_257 : i32
        %add3A_259 = arith.addi %add3A, %mul3A_258 : i32
        %mul3A_260 = arith.constant 128 : i32
        %mul3A_261 = arith.muli %add3A_259, %mul3A_260 : i32
        %dma_start3A = tpu.memref_slice %arg5[%mul3A_261] : memref<320000xf32, #tpu.memory_space<hbm>> -> memref<128xf32, #tpu.memory_space<hbm>>
        %dma_start3A_262 = tpu.memref_slice %arg5[%mul3A_261] : memref<320000xf32, #tpu.memory_space<hbm>> -> memref<128xf32, #tpu.memory_space<hbm>>
        tpu.enqueue_dma source(%arg15 : memref<128xf32, #tpu.memory_space<vmem>>) target(%dma_start3A_262 : memref<128xf32, #tpu.memory_space<hbm>>) target_semaphore(%arg24 : memref<!tpu.dma_semaphore, #tpu.memory_space<semaphore_mem>>)
      } else {
      }
      %add3A_175 = arith.constant 2 : i32
      %add3A_176 = arith.addi %mul3A_114, %add3A_175 : i32
      %add3A_177 = arith.constant 2 : i32
      %add3A_178 = arith.addi %add3A_176, %add3A_177 : i32
      %mul3A_179 = arith.constant 32 : i32
      %mul3A_180 = arith.muli %add3A_178, %mul3A_179 : i32
      %add3A_181 = arith.addi %add3A, %mul3A_180 : i32
      %lt3A_182 = arith.constant 2500 : i32
      %lt3A_183 = arith.cmpi slt, %add3A_181, %lt3A_182 : i32
      %convert_element_type3A_184 = arith.extui %lt3A_183 : i1 to i32
      %cond3A_185 = arith.constant 0 : i32
      %cond3A_186 = arith.cmpi ne, %convert_element_type3A_184, %cond3A_185 : i32
      scf.if %cond3A_186 {
        %mul3A_235 = arith.constant 32 : i32
        %mul3A_236 = arith.muli %add3A_178, %mul3A_235 : i32
        %add3A_237 = arith.addi %add3A, %mul3A_236 : i32
        %mul3A_238 = arith.constant 128 : i32
        %mul3A_239 = arith.muli %add3A_237, %mul3A_238 : i32
        %dma_start3A = arith.constant 0 : i32
        %dma_start3A_240 = tpu.memref_slice %arg4[%dma_start3A, %mul3A_239] : memref<2x320000xi32, #tpu.memory_space<hbm>> -> memref<2x128xi32, #tpu.memory_space<hbm>>
        %dma_start3A_241 = arith.constant 0 : i32
        %dma_start3A_242 = tpu.memref_slice %arg4[%dma_start3A_241, %mul3A_239] : memref<2x320000xi32, #tpu.memory_space<hbm>> -> memref<2x128xi32, #tpu.memory_space<hbm>>
        tpu.enqueue_dma source(%dma_start3A_242 : memref<2x128xi32, #tpu.memory_space<hbm>>) target(%arg6 : memref<2x128xi32, #tpu.memory_space<vmem>>) target_semaphore(%arg17 : memref<!tpu.dma_semaphore, #tpu.memory_space<semaphore_mem>>)
      } else {
      }
      %add3A_187 = arith.constant 1 : i32
      %add3A_188 = arith.addi %add3A_176, %add3A_187 : i32
      %mul3A_189 = arith.constant 32 : i32
      %mul3A_190 = arith.muli %add3A_188, %mul3A_189 : i32
      %add3A_191 = arith.addi %add3A, %mul3A_190 : i32
      %lt3A_192 = arith.constant 2500 : i32
      %lt3A_193 = arith.cmpi slt, %add3A_191, %lt3A_192 : i32
      %convert_element_type3A_194 = arith.extui %lt3A_193 : i1 to i32
      %cond3A_195 = arith.constant 0 : i32
      %cond3A_196 = arith.cmpi ne, %convert_element_type3A_194, %cond3A_195 : i32
      scf.if %cond3A_196 {
        %mul3A_235 = arith.constant 32 : i32
        %mul3A_236 = arith.muli %add3A_188, %mul3A_235 : i32
        %add3A_237 = arith.addi %add3A, %mul3A_236 : i32
        %mul3A_238 = arith.constant 128 : i32
        %mul3A_239 = arith.muli %add3A_237, %mul3A_238 : i32
        %dma_wait3A = arith.constant 0 : i32
        %dma_wait3A_240 = tpu.memref_slice %arg4[%dma_wait3A, %mul3A_239] : memref<2x320000xi32, #tpu.memory_space<hbm>> -> memref<2x128xi32, #tpu.memory_space<hbm>>
        %dma_wait3A_241 = arith.constant 0 : i32
        %dma_wait3A_242 = tpu.memref_slice %arg4[%dma_wait3A_241, %mul3A_239] : memref<2x320000xi32, #tpu.memory_space<hbm>> -> memref<2x128xi32, #tpu.memory_space<hbm>>
        tpu.wait_dma2 semaphore(%arg20 : memref<!tpu.dma_semaphore, #tpu.memory_space<semaphore_mem>>) src(%dma_wait3A_242 : memref<2x128xi32, #tpu.memory_space<hbm>>) dst(%arg9 : memref<2x128xi32, #tpu.memory_space<vmem>>)
        %dma_start3A = arith.constant 0 : i32
        %dma_start3A_243 = arith.constant 0 : i32
        %dma_start3A_244 = tpu.memref_slice %arg9[%dma_start3A, %dma_start3A_243] : memref<2x128xi32, #tpu.memory_space<vmem>> -> memref<1x128xi32, #tpu.memory_space<vmem>>
        %dma_start3A_245 = tpu.memref_squeeze %dma_start3A_244 : memref<1x128xi32, #tpu.memory_space<vmem>> -> memref<128xi32, #tpu.memory_space<vmem>>
        %dma_start3A_246 = arith.constant 0 : i32
        %dma_start3A_247 = arith.constant 0 : i32
        %dma_start3A_248 = tpu.memref_slice %arg2[%dma_start3A_246, %dma_start3A_247] : memref<10000x128xf32, #tpu.memory_space<hbm>> -> memref<10000x128xf32, #tpu.memory_space<hbm>>
        tpu.enqueue_indirect_dma source(%dma_start3A_248 : memref<10000x128xf32, #tpu.memory_space<hbm>>) target(%arg11 : memref<128x128xf32, #tpu.memory_space<vmem>>) offsets(%dma_start3A_245 : memref<128xi32, #tpu.memory_space<vmem>>) semaphore(%arg22 : memref<!tpu.dma_semaphore, #tpu.memory_space<semaphore_mem>>)
        %dma_start3A_249 = arith.constant 1 : i32
        %dma_start3A_250 = arith.constant 0 : i32
        %dma_start3A_251 = tpu.memref_slice %arg9[%dma_start3A_249, %dma_start3A_250] : memref<2x128xi32, #tpu.memory_space<vmem>> -> memref<1x128xi32, #tpu.memory_space<vmem>>
        %dma_start3A_252 = tpu.memref_squeeze %dma_start3A_251 : memref<1x128xi32, #tpu.memory_space<vmem>> -> memref<128xi32, #tpu.memory_space<vmem>>
        %dma_start3A_253 = arith.constant 0 : i32
        %dma_start3A_254 = arith.constant 0 : i32
        %dma_start3A_255 = tpu.memref_slice %arg3[%dma_start3A_253, %dma_start3A_254] : memref<10000x128xf32, #tpu.memory_space<hbm>> -> memref<10000x128xf32, #tpu.memory_space<hbm>>
        tpu.enqueue_indirect_dma source(%dma_start3A_255 : memref<10000x128xf32, #tpu.memory_space<hbm>>) target(%arg13 : memref<128x128xf32, #tpu.memory_space<vmem>>) offsets(%dma_start3A_252 : memref<128xi32, #tpu.memory_space<vmem>>) semaphore(%arg22 : memref<!tpu.dma_semaphore, #tpu.memory_space<semaphore_mem>>)
      } else {
      }
      %mul3A_197 = arith.constant 32 : i32
      %mul3A_198 = arith.muli %add3A_176, %mul3A_197 : i32
      %add3A_199 = arith.addi %add3A, %mul3A_198 : i32
      %lt3A_200 = arith.constant 2500 : i32
      %lt3A_201 = arith.cmpi slt, %add3A_199, %lt3A_200 : i32
      %convert_element_type3A_202 = arith.extui %lt3A_201 : i1 to i32
      %cond3A_203 = arith.constant 0 : i32
      %cond3A_204 = arith.cmpi ne, %convert_element_type3A_202, %cond3A_203 : i32
      scf.if %cond3A_204 {
        %dma_wait3A = arith.constant 0 : i32
        %dma_wait3A_235 = arith.constant 0 : i32
        %dma_wait3A_236 = tpu.memref_slice %arg8[%dma_wait3A, %dma_wait3A_235] : memref<2x128xi32, #tpu.memory_space<vmem>> -> memref<1x128xi32, #tpu.memory_space<vmem>>
        %dma_wait3A_237 = tpu.memref_squeeze %dma_wait3A_236 : memref<1x128xi32, #tpu.memory_space<vmem>> -> memref<128xi32, #tpu.memory_space<vmem>>
        %dma_wait3A_238 = arith.constant 0 : i32
        %dma_wait3A_239 = arith.constant 0 : i32
        %dma_wait3A_240 = tpu.memref_slice %arg2[%dma_wait3A_238, %dma_wait3A_239] : memref<10000x128xf32, #tpu.memory_space<hbm>> -> memref<10000x128xf32, #tpu.memory_space<hbm>>
        tpu.wait_indirect_dma semaphore(%arg21 : memref<!tpu.dma_semaphore, #tpu.memory_space<semaphore_mem>>) src(%dma_wait3A_240 : memref<10000x128xf32, #tpu.memory_space<hbm>>) dst(%arg10 : memref<128x128xf32, #tpu.memory_space<vmem>>)
        %dma_wait3A_241 = arith.constant 1 : i32
        %dma_wait3A_242 = arith.constant 0 : i32
        %dma_wait3A_243 = tpu.memref_slice %arg8[%dma_wait3A_241, %dma_wait3A_242] : memref<2x128xi32, #tpu.memory_space<vmem>> -> memref<1x128xi32, #tpu.memory_space<vmem>>
        %dma_wait3A_244 = tpu.memref_squeeze %dma_wait3A_243 : memref<1x128xi32, #tpu.memory_space<vmem>> -> memref<128xi32, #tpu.memory_space<vmem>>
        %dma_wait3A_245 = arith.constant 0 : i32
        %dma_wait3A_246 = arith.constant 0 : i32
        %dma_wait3A_247 = tpu.memref_slice %arg3[%dma_wait3A_245, %dma_wait3A_246] : memref<10000x128xf32, #tpu.memory_space<hbm>> -> memref<10000x128xf32, #tpu.memory_space<hbm>>
        tpu.wait_indirect_dma semaphore(%arg21 : memref<!tpu.dma_semaphore, #tpu.memory_space<semaphore_mem>>) src(%dma_wait3A_247 : memref<10000x128xf32, #tpu.memory_space<hbm>>) dst(%arg12 : memref<128x128xf32, #tpu.memory_space<vmem>>)
        %ge3A = arith.constant 2 : i32
        %ge3A_248 = arith.cmpi sge, %add3A_176, %ge3A : i32
        %convert_element_type3A_249 = arith.extui %ge3A_248 : i1 to i32
        %cond3A_250 = arith.constant 0 : i32
        %cond3A_251 = arith.cmpi ne, %convert_element_type3A_249, %cond3A_250 : i32
        scf.if %cond3A_251 {
          %sub3A = arith.constant 2 : i32
          %sub3A_263 = arith.subi %add3A_176, %sub3A : i32
          %mul3A_264 = arith.constant 32 : i32
          %mul3A_265 = arith.muli %sub3A_263, %mul3A_264 : i32
          %add3A_266 = arith.addi %add3A, %mul3A_265 : i32
          %mul3A_267 = arith.constant 128 : i32
          %mul3A_268 = arith.muli %add3A_266, %mul3A_267 : i32
          %dma_wait3A_269 = tpu.memref_slice %arg5[%mul3A_268] : memref<320000xf32, #tpu.memory_space<hbm>> -> memref<128xf32, #tpu.memory_space<hbm>>
          %dma_wait3A_270 = tpu.memref_slice %arg5[%mul3A_268] : memref<320000xf32, #tpu.memory_space<hbm>> -> memref<128xf32, #tpu.memory_space<hbm>>
          tpu.wait_dma2 semaphore(%arg23 : memref<!tpu.dma_semaphore, #tpu.memory_space<semaphore_mem>>) src(%arg14 : memref<128xf32, #tpu.memory_space<vmem>>) dst(%dma_wait3A_270 : memref<128xf32, #tpu.memory_space<hbm>>)
        } else {
        }
        %parallel_loop3A = arith.constant 0 : i32
        %parallel_loop3A_252 = arith.constant 128 : i32
        %parallel_loop3A_253 = arith.constant 1 : i32
        scf.for %parallel_loop3A_263 = %parallel_loop3A to %parallel_loop3A_252 step %parallel_loop3A_253  : i32 {
          %parallel_loop3A_264 = arith.index_cast %parallel_loop3A_263 : i32 to index
          %parallel_loop3A_265 = arith.constant 0 : index
          %parallel_loop3A_266 = tpu.vector_load %arg10[%parallel_loop3A_264, %parallel_loop3A_265] {strides = array<i32>} : memref<128x128xf32, #tpu.memory_space<vmem>>, vector<1x16xf32>,
          %parallel_loop3A_267 = vector.shape_cast %parallel_loop3A_266 : vector<1x16xf32> to vector<16xf32>
          %parallel_loop3A_268 = arith.index_cast %parallel_loop3A_263 : i32 to index
          %parallel_loop3A_269 = arith.constant 0 : index
          %parallel_loop3A_270 = tpu.vector_load %arg12[%parallel_loop3A_268, %parallel_loop3A_269] {strides = array<i32>} : memref<128x128xf32, #tpu.memory_space<vmem>>, vector<1x16xf32>,
          %parallel_loop3A_271 = vector.shape_cast %parallel_loop3A_270 : vector<1x16xf32> to vector<16xf32>
          %parallel_loop3A_272 = arith.mulf %parallel_loop3A_267, %parallel_loop3A_271 : vector<16xf32>
          %parallel_loop3A_273 = arith.index_cast %parallel_loop3A_263 : i32 to index
          %parallel_loop3A_274 = arith.constant 16 : index
          %parallel_loop3A_275 = tpu.vector_load %arg10[%parallel_loop3A_273, %parallel_loop3A_274] {strides = array<i32>} : memref<128x128xf32, #tpu.memory_space<vmem>>, vector<1x16xf32>,
          %parallel_loop3A_276 = vector.shape_cast %parallel_loop3A_275 : vector<1x16xf32> to vector<16xf32>
          %parallel_loop3A_277 = arith.index_cast %parallel_loop3A_263 : i32 to index
          %parallel_loop3A_278 = arith.constant 16 : index
          %parallel_loop3A_279 = tpu.vector_load %arg12[%parallel_loop3A_277, %parallel_loop3A_278] {strides = array<i32>} : memref<128x128xf32, #tpu.memory_space<vmem>>, vector<1x16xf32>,
          %parallel_loop3A_280 = vector.shape_cast %parallel_loop3A_279 : vector<1x16xf32> to vector<16xf32>
          %parallel_loop3A_281 = arith.mulf %parallel_loop3A_276, %parallel_loop3A_280 : vector<16xf32>
          %parallel_loop3A_282 = arith.addf %parallel_loop3A_272, %parallel_loop3A_281 : vector<16xf32>
          %parallel_loop3A_283 = arith.index_cast %parallel_loop3A_263 : i32 to index
          %parallel_loop3A_284 = arith.constant 32 : index
          %parallel_loop3A_285 = tpu.vector_load %arg10[%parallel_loop3A_283, %parallel_loop3A_284] {strides = array<i32>} : memref<128x128xf32, #tpu.memory_space<vmem>>, vector<1x16xf32>,
          %parallel_loop3A_286 = vector.shape_cast %parallel_loop3A_285 : vector<1x16xf32> to vector<16xf32>
          %parallel_loop3A_287 = arith.index_cast %parallel_loop3A_263 : i32 to index
          %parallel_loop3A_288 = arith.constant 32 : index
          %parallel_loop3A_289 = tpu.vector_load %arg12[%parallel_loop3A_287, %parallel_loop3A_288] {strides = array<i32>} : memref<128x128xf32, #tpu.memory_space<vmem>>, vector<1x16xf32>,
          %parallel_loop3A_290 = vector.shape_cast %parallel_loop3A_289 : vector<1x16xf32> to vector<16xf32>
          %parallel_loop3A_291 = arith.mulf %parallel_loop3A_286, %parallel_loop3A_290 : vector<16xf32>
          %parallel_loop3A_292 = arith.addf %parallel_loop3A_282, %parallel_loop3A_291 : vector<16xf32>
          %parallel_loop3A_293 = arith.index_cast %parallel_loop3A_263 : i32 to index
          %parallel_loop3A_294 = arith.constant 48 : index
          %parallel_loop3A_295 = tpu.vector_load %arg10[%parallel_loop3A_293, %parallel_loop3A_294] {strides = array<i32>} : memref<128x128xf32, #tpu.memory_space<vmem>>, vector<1x16xf32>,
          %parallel_loop3A_296 = vector.shape_cast %parallel_loop3A_295 : vector<1x16xf32> to vector<16xf32>
          %parallel_loop3A_297 = arith.index_cast %parallel_loop3A_263 : i32 to index
          %parallel_loop3A_298 = arith.constant 48 : index
          %parallel_loop3A_299 = tpu.vector_load %arg12[%parallel_loop3A_297, %parallel_loop3A_298] {strides = array<i32>} : memref<128x128xf32, #tpu.memory_space<vmem>>, vector<1x16xf32>,
          %parallel_loop3A_300 = vector.shape_cast %parallel_loop3A_299 : vector<1x16xf32> to vector<16xf32>
          %parallel_loop3A_301 = arith.mulf %parallel_loop3A_296, %parallel_loop3A_300 : vector<16xf32>
          %parallel_loop3A_302 = arith.addf %parallel_loop3A_292, %parallel_loop3A_301 : vector<16xf32>
          %parallel_loop3A_303 = arith.index_cast %parallel_loop3A_263 : i32 to index
          %parallel_loop3A_304 = arith.constant 64 : index
          %parallel_loop3A_305 = tpu.vector_load %arg10[%parallel_loop3A_303, %parallel_loop3A_304] {strides = array<i32>} : memref<128x128xf32, #tpu.memory_space<vmem>>, vector<1x16xf32>,
          %parallel_loop3A_306 = vector.shape_cast %parallel_loop3A_305 : vector<1x16xf32> to vector<16xf32>
          %parallel_loop3A_307 = arith.index_cast %parallel_loop3A_263 : i32 to index
          %parallel_loop3A_308 = arith.constant 64 : index
          %parallel_loop3A_309 = tpu.vector_load %arg12[%parallel_loop3A_307, %parallel_loop3A_308] {strides = array<i32>} : memref<128x128xf32, #tpu.memory_space<vmem>>, vector<1x16xf32>,
          %parallel_loop3A_310 = vector.shape_cast %parallel_loop3A_309 : vector<1x16xf32> to vector<16xf32>
          %parallel_loop3A_311 = arith.mulf %parallel_loop3A_306, %parallel_loop3A_310 : vector<16xf32>
          %parallel_loop3A_312 = arith.addf %parallel_loop3A_302, %parallel_loop3A_311 : vector<16xf32>
          %parallel_loop3A_313 = arith.index_cast %parallel_loop3A_263 : i32 to index
          %parallel_loop3A_314 = arith.constant 80 : index
          %parallel_loop3A_315 = tpu.vector_load %arg10[%parallel_loop3A_313, %parallel_loop3A_314] {strides = array<i32>} : memref<128x128xf32, #tpu.memory_space<vmem>>, vector<1x16xf32>,
          %parallel_loop3A_316 = vector.shape_cast %parallel_loop3A_315 : vector<1x16xf32> to vector<16xf32>
          %parallel_loop3A_317 = arith.index_cast %parallel_loop3A_263 : i32 to index
          %parallel_loop3A_318 = arith.constant 80 : index
          %parallel_loop3A_319 = tpu.vector_load %arg12[%parallel_loop3A_317, %parallel_loop3A_318] {strides = array<i32>} : memref<128x128xf32, #tpu.memory_space<vmem>>, vector<1x16xf32>,
          %parallel_loop3A_320 = vector.shape_cast %parallel_loop3A_319 : vector<1x16xf32> to vector<16xf32>
          %parallel_loop3A_321 = arith.mulf %parallel_loop3A_316, %parallel_loop3A_320 : vector<16xf32>
          %parallel_loop3A_322 = arith.addf %parallel_loop3A_312, %parallel_loop3A_321 : vector<16xf32>
          %parallel_loop3A_323 = arith.index_cast %parallel_loop3A_263 : i32 to index
          %parallel_loop3A_324 = arith.constant 96 : index
          %parallel_loop3A_325 = tpu.vector_load %arg10[%parallel_loop3A_323, %parallel_loop3A_324] {strides = array<i32>} : memref<128x128xf32, #tpu.memory_space<vmem>>, vector<1x16xf32>,
          %parallel_loop3A_326 = vector.shape_cast %parallel_loop3A_325 : vector<1x16xf32> to vector<16xf32>
          %parallel_loop3A_327 = arith.index_cast %parallel_loop3A_263 : i32 to index
          %parallel_loop3A_328 = arith.constant 96 : index
          %parallel_loop3A_329 = tpu.vector_load %arg12[%parallel_loop3A_327, %parallel_loop3A_328] {strides = array<i32>} : memref<128x128xf32, #tpu.memory_space<vmem>>, vector<1x16xf32>,
          %parallel_loop3A_330 = vector.shape_cast %parallel_loop3A_329 : vector<1x16xf32> to vector<16xf32>
          %parallel_loop3A_331 = arith.mulf %parallel_loop3A_326, %parallel_loop3A_330 : vector<16xf32>
          %parallel_loop3A_332 = arith.addf %parallel_loop3A_322, %parallel_loop3A_331 : vector<16xf32>
          %parallel_loop3A_333 = arith.index_cast %parallel_loop3A_263 : i32 to index
          %parallel_loop3A_334 = arith.constant 112 : index
          %parallel_loop3A_335 = tpu.vector_load %arg10[%parallel_loop3A_333, %parallel_loop3A_334] {strides = array<i32>} : memref<128x128xf32, #tpu.memory_space<vmem>>, vector<1x16xf32>,
          %parallel_loop3A_336 = vector.shape_cast %parallel_loop3A_335 : vector<1x16xf32> to vector<16xf32>
          %parallel_loop3A_337 = arith.index_cast %parallel_loop3A_263 : i32 to index
          %parallel_loop3A_338 = arith.constant 112 : index
          %parallel_loop3A_339 = tpu.vector_load %arg12[%parallel_loop3A_337, %parallel_loop3A_338] {strides = array<i32>} : memref<128x128xf32, #tpu.memory_space<vmem>>, vector<1x16xf32>,
          %parallel_loop3A_340 = vector.shape_cast %parallel_loop3A_339 : vector<1x16xf32> to vector<16xf32>
          %parallel_loop3A_341 = arith.mulf %parallel_loop3A_336, %parallel_loop3A_340 : vector<16xf32>
          %parallel_loop3A_342 = arith.addf %parallel_loop3A_332, %parallel_loop3A_341 : vector<16xf32>
          %parallel_loop3A_343 = arith.index_cast %parallel_loop3A_263 : i32 to index
          %parallel_loop3A_344 = arith.constant 0 : index
          %parallel_loop3A_345 = tpu.vector_load %arg16[%parallel_loop3A_343, %parallel_loop3A_344] {strides = array<i32>} : memref<128x16xf32, #tpu.memory_space<vmem>>, vector<1x16xf32>,
          %parallel_loop3A_346 = vector.shape_cast %parallel_loop3A_345 : vector<1x16xf32> to vector<16xf32>
          %parallel_loop3A_347 = vector.shape_cast %parallel_loop3A_342 : vector<16xf32> to vector<1x16xf32>
          tpu.vector_store %arg16[%parallel_loop3A_343, %parallel_loop3A_344], %parallel_loop3A_347 {strides = array<i32>} : memref<128x16xf32, #tpu.memory_space<vmem>>, vector<1x16xf32>,
        } {sc.loop_unroll_factor = 2 : i64, sc.parallel_access}
        %parallel_loop3A_254 = arith.constant 0 : i32
        %parallel_loop3A_255 = arith.constant 128 : i32
        %parallel_loop3A_256 = arith.constant 16 : i32
        scf.for %parallel_loop3A_263 = %parallel_loop3A_254 to %parallel_loop3A_255 step %parallel_loop3A_256  : i32 {
          %parallel_loop3A_264 = arith.constant 0 : i32
          %parallel_loop3A_265 = arith.addi %parallel_loop3A_263, %parallel_loop3A_264 : i32
          %parallel_loop3A_266 = arith.index_cast %parallel_loop3A_265 : i32 to index
          %parallel_loop3A_267 = arith.constant 0 : index
          %parallel_loop3A_268 = tpu.vector_load %arg16[%parallel_loop3A_266, %parallel_loop3A_267] {strides = array<i32>} : memref<128x16xf32, #tpu.memory_space<vmem>>, vector<1x16xf32>,
          %parallel_loop3A_269 = vector.shape_cast %parallel_loop3A_268 : vector<1x16xf32> to vector<16xf32>
          %parallel_loop3A_270 = arith.constant 8 : i32
          %parallel_loop3A_271 = arith.addi %parallel_loop3A_263, %parallel_loop3A_270 : i32
          %parallel_loop3A_272 = arith.index_cast %parallel_loop3A_271 : i32 to index
          %parallel_loop3A_273 = arith.constant 0 : index
          %parallel_loop3A_274 = tpu.vector_load %arg16[%parallel_loop3A_272, %parallel_loop3A_273] {strides = array<i32>} : memref<128x16xf32, #tpu.memory_space<vmem>>, vector<1x16xf32>,
          %parallel_loop3A_275 = vector.shape_cast %parallel_loop3A_274 : vector<1x16xf32> to vector<16xf32>
          %parallel_loop3A_276 = vector.shape_cast %xor3A_2 : vector<16xi32> to vector<16x1xi32>
          %parallel_loop3A_277 = vector.shape_cast %parallel_loop3A_276 : vector<16x1xi32> to vector<16xi32>
          %parallel_loop3A_278 = tpu.dynamic_gather %parallel_loop3A_269[%parallel_loop3A_277] in [0] : vector<16xf32>, vector<16xi32> -> vector<16xf32>
          %parallel_loop3A_279 = arith.addf %parallel_loop3A_269, %parallel_loop3A_278 : vector<16xf32>
          %parallel_loop3A_280 = vector.shape_cast %xor3A_2 : vector<16xi32> to vector<16x1xi32>
          %parallel_loop3A_281 = vector.shape_cast %parallel_loop3A_280 : vector<16x1xi32> to vector<16xi32>
          %parallel_loop3A_282 = tpu.dynamic_gather %parallel_loop3A_275[%parallel_loop3A_281] in [0] : vector<16xf32>, vector<16xi32> -> vector<16xf32>
          %parallel_loop3A_283 = arith.addf %parallel_loop3A_275, %parallel_loop3A_282 : vector<16xf32>
          %parallel_loop3A_284 = arith.select %eq3A_15, %parallel_loop3A_279, %parallel_loop3A_283 : vector<16xi1>, vector<16xf32>
          %parallel_loop3A_285 = arith.constant 4 : i32
          %parallel_loop3A_286 = arith.addi %parallel_loop3A_263, %parallel_loop3A_285 : i32
          %parallel_loop3A_287 = arith.index_cast %parallel_loop3A_286 : i32 to index
          %parallel_loop3A_288 = arith.constant 0 : index
          %parallel_loop3A_289 = tpu.vector_load %arg16[%parallel_loop3A_287, %parallel_loop3A_288] {strides = array<i32>} : memref<128x16xf32, #tpu.memory_space<vmem>>, vector<1x16xf32>,
          %parallel_loop3A_290 = vector.shape_cast %parallel_loop3A_289 : vector<1x16xf32> to vector<16xf32>
          %parallel_loop3A_291 = arith.constant 12 : i32
          %parallel_loop3A_292 = arith.addi %parallel_loop3A_263, %parallel_loop3A_291 : i32
          %parallel_loop3A_293 = arith.index_cast %parallel_loop3A_292 : i32 to index
          %parallel_loop3A_294 = arith.constant 0 : index
          %parallel_loop3A_295 = tpu.vector_load %arg16[%parallel_loop3A_293, %parallel_loop3A_294] {strides = array<i32>} : memref<128x16xf32, #tpu.memory_space<vmem>>, vector<1x16xf32>,
          %parallel_loop3A_296 = vector.shape_cast %parallel_loop3A_295 : vector<1x16xf32> to vector<16xf32>
          %parallel_loop3A_297 = vector.shape_cast %xor3A_2 : vector<16xi32> to vector<16x1xi32>
          %parallel_loop3A_298 = vector.shape_cast %parallel_loop3A_297 : vector<16x1xi32> to vector<16xi32>
          %parallel_loop3A_299 = tpu.dynamic_gather %parallel_loop3A_290[%parallel_loop3A_298] in [0] : vector<16xf32>, vector<16xi32> -> vector<16xf32>
          %parallel_loop3A_300 = arith.addf %parallel_loop3A_290, %parallel_loop3A_299 : vector<16xf32>
          %parallel_loop3A_301 = vector.shape_cast %xor3A_2 : vector<16xi32> to vector<16x1xi32>
          %parallel_loop3A_302 = vector.shape_cast %parallel_loop3A_301 : vector<16x1xi32> to vector<16xi32>
          %parallel_loop3A_303 = tpu.dynamic_gather %parallel_loop3A_296[%parallel_loop3A_302] in [0] : vector<16xf32>, vector<16xi32> -> vector<16xf32>
          %parallel_loop3A_304 = arith.addf %parallel_loop3A_296, %parallel_loop3A_303 : vector<16xf32>
          %parallel_loop3A_305 = arith.select %eq3A_15, %parallel_loop3A_300, %parallel_loop3A_304 : vector<16xi1>, vector<16xf32>
          %parallel_loop3A_306 = vector.shape_cast %xor3A_5 : vector<16xi32> to vector<16x1xi32>
          %parallel_loop3A_307 = vector.shape_cast %parallel_loop3A_306 : vector<16x1xi32> to vector<16xi32>
          %parallel_loop3A_308 = tpu.dynamic_gather %parallel_loop3A_284[%parallel_loop3A_307] in [0] : vector<16xf32>, vector<16xi32> -> vector<16xf32>
          %parallel_loop3A_309 = arith.addf %parallel_loop3A_284, %parallel_loop3A_308 : vector<16xf32>
          %parallel_loop3A_310 = vector.shape_cast %xor3A_5 : vector<16xi32> to vector<16x1xi32>
          %parallel_loop3A_311 = vector.shape_cast %parallel_loop3A_310 : vector<16x1xi32> to vector<16xi32>
          %parallel_loop3A_312 = tpu.dynamic_gather %parallel_loop3A_305[%parallel_loop3A_311] in [0] : vector<16xf32>, vector<16xi32> -> vector<16xf32>
          %parallel_loop3A_313 = arith.addf %parallel_loop3A_305, %parallel_loop3A_312 : vector<16xf32>
          %parallel_loop3A_314 = arith.select %eq3A_21, %parallel_loop3A_309, %parallel_loop3A_313 : vector<16xi1>, vector<16xf32>
          %parallel_loop3A_315 = arith.constant 2 : i32
          %parallel_loop3A_316 = arith.addi %parallel_loop3A_263, %parallel_loop3A_315 : i32
          %parallel_loop3A_317 = arith.index_cast %parallel_loop3A_316 : i32 to index
          %parallel_loop3A_318 = arith.constant 0 : index
          %parallel_loop3A_319 = tpu.vector_load %arg16[%parallel_loop3A_317, %parallel_loop3A_318] {strides = array<i32>} : memref<128x16xf32, #tpu.memory_space<vmem>>, vector<1x16xf32>,
          %parallel_loop3A_320 = vector.shape_cast %parallel_loop3A_319 : vector<1x16xf32> to vector<16xf32>
          %parallel_loop3A_321 = arith.constant 10 : i32
          %parallel_loop3A_322 = arith.addi %parallel_loop3A_263, %parallel_loop3A_321 : i32
          %parallel_loop3A_323 = arith.index_cast %parallel_loop3A_322 : i32 to index
          %parallel_loop3A_324 = arith.constant 0 : index
          %parallel_loop3A_325 = tpu.vector_load %arg16[%parallel_loop3A_323, %parallel_loop3A_324] {strides = array<i32>} : memref<128x16xf32, #tpu.memory_space<vmem>>, vector<1x16xf32>,
          %parallel_loop3A_326 = vector.shape_cast %parallel_loop3A_325 : vector<1x16xf32> to vector<16xf32>
          %parallel_loop3A_327 = vector.shape_cast %xor3A_2 : vector<16xi32> to vector<16x1xi32>
          %parallel_loop3A_328 = vector.shape_cast %parallel_loop3A_327 : vector<16x1xi32> to vector<16xi32>
          %parallel_loop3A_329 = tpu.dynamic_gather %parallel_loop3A_320[%parallel_loop3A_328] in [0] : vector<16xf32>, vector<16xi32> -> vector<16xf32>
          %parallel_loop3A_330 = arith.addf %parallel_loop3A_320, %parallel_loop3A_329 : vector<16xf32>
          %parallel_loop3A_331 = vector.shape_cast %xor3A_2 : vector<16xi32> to vector<16x1xi32>
          %parallel_loop3A_332 = vector.shape_cast %parallel_loop3A_331 : vector<16x1xi32> to vector<16xi32>
          %parallel_loop3A_333 = tpu.dynamic_gather %parallel_loop3A_326[%parallel_loop3A_332] in [0] : vector<16xf32>, vector<16xi32> -> vector<16xf32>
          %parallel_loop3A_334 = arith.addf %parallel_loop3A_326, %parallel_loop3A_333 : vector<16xf32>
          %parallel_loop3A_335 = arith.select %eq3A_15, %parallel_loop3A_330, %parallel_loop3A_334 : vector<16xi1>, vector<16xf32>
          %parallel_loop3A_336 = arith.constant 6 : i32
          %parallel_loop3A_337 = arith.addi %parallel_loop3A_263, %parallel_loop3A_336 : i32
          %parallel_loop3A_338 = arith.index_cast %parallel_loop3A_337 : i32 to index
          %parallel_loop3A_339 = arith.constant 0 : index
          %parallel_loop3A_340 = tpu.vector_load %arg16[%parallel_loop3A_338, %parallel_loop3A_339] {strides = array<i32>} : memref<128x16xf32, #tpu.memory_space<vmem>>, vector<1x16xf32>,
          %parallel_loop3A_341 = vector.shape_cast %parallel_loop3A_340 : vector<1x16xf32> to vector<16xf32>
          %parallel_loop3A_342 = arith.constant 14 : i32
          %parallel_loop3A_343 = arith.addi %parallel_loop3A_263, %parallel_loop3A_342 : i32
          %parallel_loop3A_344 = arith.index_cast %parallel_loop3A_343 : i32 to index
          %parallel_loop3A_345 = arith.constant 0 : index
          %parallel_loop3A_346 = tpu.vector_load %arg16[%parallel_loop3A_344, %parallel_loop3A_345] {strides = array<i32>} : memref<128x16xf32, #tpu.memory_space<vmem>>, vector<1x16xf32>,
          %parallel_loop3A_347 = vector.shape_cast %parallel_loop3A_346 : vector<1x16xf32> to vector<16xf32>
          %parallel_loop3A_348 = vector.shape_cast %xor3A_2 : vector<16xi32> to vector<16x1xi32>
          %parallel_loop3A_349 = vector.shape_cast %parallel_loop3A_348 : vector<16x1xi32> to vector<16xi32>
          %parallel_loop3A_350 = tpu.dynamic_gather %parallel_loop3A_341[%parallel_loop3A_349] in [0] : vector<16xf32>, vector<16xi32> -> vector<16xf32>
          %parallel_loop3A_351 = arith.addf %parallel_loop3A_341, %parallel_loop3A_350 : vector<16xf32>
          %parallel_loop3A_352 = vector.shape_cast %xor3A_2 : vector<16xi32> to vector<16x1xi32>
          %parallel_loop3A_353 = vector.shape_cast %parallel_loop3A_352 : vector<16x1xi32> to vector<16xi32>
          %parallel_loop3A_354 = tpu.dynamic_gather %parallel_loop3A_347[%parallel_loop3A_353] in [0] : vector<16xf32>, vector<16xi32> -> vector<16xf32>
          %parallel_loop3A_355 = arith.addf %parallel_loop3A_347, %parallel_loop3A_354 : vector<16xf32>
          %parallel_loop3A_356 = arith.select %eq3A_15, %parallel_loop3A_351, %parallel_loop3A_355 : vector<16xi1>, vector<16xf32>
          %parallel_loop3A_357 = vector.shape_cast %xor3A_5 : vector<16xi32> to vector<16x1xi32>
          %parallel_loop3A_358 = vector.shape_cast %parallel_loop3A_357 : vector<16x1xi32> to vector<16xi32>
          %parallel_loop3A_359 = tpu.dynamic_gather %parallel_loop3A_335[%parallel_loop3A_358] in [0] : vector<16xf32>, vector<16xi32> -> vector<16xf32>
          %parallel_loop3A_360 = arith.addf %parallel_loop3A_335, %parallel_loop3A_359 : vector<16xf32>
          %parallel_loop3A_361 = vector.shape_cast %xor3A_5 : vector<16xi32> to vector<16x1xi32>
          %parallel_loop3A_362 = vector.shape_cast %parallel_loop3A_361 : vector<16x1xi32> to vector<16xi32>
          %parallel_loop3A_363 = tpu.dynamic_gather %parallel_loop3A_356[%parallel_loop3A_362] in [0] : vector<16xf32>, vector<16xi32> -> vector<16xf32>
          %parallel_loop3A_364 = arith.addf %parallel_loop3A_356, %parallel_loop3A_363 : vector<16xf32>
          %parallel_loop3A_365 = arith.select %eq3A_21, %parallel_loop3A_360, %parallel_loop3A_364 : vector<16xi1>, vector<16xf32>
          %parallel_loop3A_366 = vector.shape_cast %xor3A_8 : vector<16xi32> to vector<16x1xi32>
          %parallel_loop3A_367 = vector.shape_cast %parallel_loop3A_366 : vector<16x1xi32> to vector<16xi32>
          %parallel_loop3A_368 = tpu.dynamic_gather %parallel_loop3A_314[%parallel_loop3A_367] in [0] : vector<16xf32>, vector<16xi32> -> vector<16xf32>
          %parallel_loop3A_369 = arith.addf %parallel_loop3A_314, %parallel_loop3A_368 : vector<16xf32>
          %parallel_loop3A_370 = vector.shape_cast %xor3A_8 : vector<16xi32> to vector<16x1xi32>
          %parallel_loop3A_371 = vector.shape_cast %parallel_loop3A_370 : vector<16x1xi32> to vector<16xi32>
          %parallel_loop3A_372 = tpu.dynamic_gather %parallel_loop3A_365[%parallel_loop3A_371] in [0] : vector<16xf32>, vector<16xi32> -> vector<16xf32>
          %parallel_loop3A_373 = arith.addf %parallel_loop3A_365, %parallel_loop3A_372 : vector<16xf32>
          %parallel_loop3A_374 = arith.select %eq3A_27, %parallel_loop3A_369, %parallel_loop3A_373 : vector<16xi1>, vector<16xf32>
          %parallel_loop3A_375 = arith.constant 1 : i32
          %parallel_loop3A_376 = arith.addi %parallel_loop3A_263, %parallel_loop3A_375 : i32
          %parallel_loop3A_377 = arith.index_cast %parallel_loop3A_376 : i32 to index
          %parallel_loop3A_378 = arith.constant 0 : index
          %parallel_loop3A_379 = tpu.vector_load %arg16[%parallel_loop3A_377, %parallel_loop3A_378] {strides = array<i32>} : memref<128x16xf32, #tpu.memory_space<vmem>>, vector<1x16xf32>,
          %parallel_loop3A_380 = vector.shape_cast %parallel_loop3A_379 : vector<1x16xf32> to vector<16xf32>
          %parallel_loop3A_381 = arith.constant 9 : i32
          %parallel_loop3A_382 = arith.addi %parallel_loop3A_263, %parallel_loop3A_381 : i32
          %parallel_loop3A_383 = arith.index_cast %parallel_loop3A_382 : i32 to index
          %parallel_loop3A_384 = arith.constant 0 : index
          %parallel_loop3A_385 = tpu.vector_load %arg16[%parallel_loop3A_383, %parallel_loop3A_384] {strides = array<i32>} : memref<128x16xf32, #tpu.memory_space<vmem>>, vector<1x16xf32>,
          %parallel_loop3A_386 = vector.shape_cast %parallel_loop3A_385 : vector<1x16xf32> to vector<16xf32>
          %parallel_loop3A_387 = vector.shape_cast %xor3A_2 : vector<16xi32> to vector<16x1xi32>
          %parallel_loop3A_388 = vector.shape_cast %parallel_loop3A_387 : vector<16x1xi32> to vector<16xi32>
          %parallel_loop3A_389 = tpu.dynamic_gather %parallel_loop3A_380[%parallel_loop3A_388] in [0] : vector<16xf32>, vector<16xi32> -> vector<16xf32>
          %parallel_loop3A_390 = arith.addf %parallel_loop3A_380, %parallel_loop3A_389 : vector<16xf32>
          %parallel_loop3A_391 = vector.shape_cast %xor3A_2 : vector<16xi32> to vector<16x1xi32>
          %parallel_loop3A_392 = vector.shape_cast %parallel_loop3A_391 : vector<16x1xi32> to vector<16xi32>
          %parallel_loop3A_393 = tpu.dynamic_gather %parallel_loop3A_386[%parallel_loop3A_392] in [0] : vector<16xf32>, vector<16xi32> -> vector<16xf32>
          %parallel_loop3A_394 = arith.addf %parallel_loop3A_386, %parallel_loop3A_393 : vector<16xf32>
          %parallel_loop3A_395 = arith.select %eq3A_15, %parallel_loop3A_390, %parallel_loop3A_394 : vector<16xi1>, vector<16xf32>
          %parallel_loop3A_396 = arith.constant 5 : i32
          %parallel_loop3A_397 = arith.addi %parallel_loop3A_263, %parallel_loop3A_396 : i32
          %parallel_loop3A_398 = arith.index_cast %parallel_loop3A_397 : i32 to index
          %parallel_loop3A_399 = arith.constant 0 : index
          %parallel_loop3A_400 = tpu.vector_load %arg16[%parallel_loop3A_398, %parallel_loop3A_399] {strides = array<i32>} : memref<128x16xf32, #tpu.memory_space<vmem>>, vector<1x16xf32>,
          %parallel_loop3A_401 = vector.shape_cast %parallel_loop3A_400 : vector<1x16xf32> to vector<16xf32>
          %parallel_loop3A_402 = arith.constant 13 : i32
          %parallel_loop3A_403 = arith.addi %parallel_loop3A_263, %parallel_loop3A_402 : i32
          %parallel_loop3A_404 = arith.index_cast %parallel_loop3A_403 : i32 to index
          %parallel_loop3A_405 = arith.constant 0 : index
          %parallel_loop3A_406 = tpu.vector_load %arg16[%parallel_loop3A_404, %parallel_loop3A_405] {strides = array<i32>} : memref<128x16xf32, #tpu.memory_space<vmem>>, vector<1x16xf32>,
          %parallel_loop3A_407 = vector.shape_cast %parallel_loop3A_406 : vector<1x16xf32> to vector<16xf32>
          %parallel_loop3A_408 = vector.shape_cast %xor3A_2 : vector<16xi32> to vector<16x1xi32>
          %parallel_loop3A_409 = vector.shape_cast %parallel_loop3A_408 : vector<16x1xi32> to vector<16xi32>
          %parallel_loop3A_410 = tpu.dynamic_gather %parallel_loop3A_401[%parallel_loop3A_409] in [0] : vector<16xf32>, vector<16xi32> -> vector<16xf32>
          %parallel_loop3A_411 = arith.addf %parallel_loop3A_401, %parallel_loop3A_410 : vector<16xf32>
          %parallel_loop3A_412 = vector.shape_cast %xor3A_2 : vector<16xi32> to vector<16x1xi32>
          %parallel_loop3A_413 = vector.shape_cast %parallel_loop3A_412 : vector<16x1xi32> to vector<16xi32>
          %parallel_loop3A_414 = tpu.dynamic_gather %parallel_loop3A_407[%parallel_loop3A_413] in [0] : vector<16xf32>, vector<16xi32> -> vector<16xf32>
          %parallel_loop3A_415 = arith.addf %parallel_loop3A_407, %parallel_loop3A_414 : vector<16xf32>
          %parallel_loop3A_416 = arith.select %eq3A_15, %parallel_loop3A_411, %parallel_loop3A_415 : vector<16xi1>, vector<16xf32>
          %parallel_loop3A_417 = vector.shape_cast %xor3A_5 : vector<16xi32> to vector<16x1xi32>
          %parallel_loop3A_418 = vector.shape_cast %parallel_loop3A_417 : vector<16x1xi32> to vector<16xi32>
          %parallel_loop3A_419 = tpu.dynamic_gather %parallel_loop3A_395[%parallel_loop3A_418] in [0] : vector<16xf32>, vector<16xi32> -> vector<16xf32>
          %parallel_loop3A_420 = arith.addf %parallel_loop3A_395, %parallel_loop3A_419 : vector<16xf32>
          %parallel_loop3A_421 = vector.shape_cast %xor3A_5 : vector<16xi32> to vector<16x1xi32>
          %parallel_loop3A_422 = vector.shape_cast %parallel_loop3A_421 : vector<16x1xi32> to vector<16xi32>
          %parallel_loop3A_423 = tpu.dynamic_gather %parallel_loop3A_416[%parallel_loop3A_422] in [0] : vector<16xf32>, vector<16xi32> -> vector<16xf32>
          %parallel_loop3A_424 = arith.addf %parallel_loop3A_416, %parallel_loop3A_423 : vector<16xf32>
          %parallel_loop3A_425 = arith.select %eq3A_21, %parallel_loop3A_420, %parallel_loop3A_424 : vector<16xi1>, vector<16xf32>
          %parallel_loop3A_426 = arith.constant 3 : i32
          %parallel_loop3A_427 = arith.addi %parallel_loop3A_263, %parallel_loop3A_426 : i32
          %parallel_loop3A_428 = arith.index_cast %parallel_loop3A_427 : i32 to index
          %parallel_loop3A_429 = arith.constant 0 : index
          %parallel_loop3A_430 = tpu.vector_load %arg16[%parallel_loop3A_428, %parallel_loop3A_429] {strides = array<i32>} : memref<128x16xf32, #tpu.memory_space<vmem>>, vector<1x16xf32>,
          %parallel_loop3A_431 = vector.shape_cast %parallel_loop3A_430 : vector<1x16xf32> to vector<16xf32>
          %parallel_loop3A_432 = arith.constant 11 : i32
          %parallel_loop3A_433 = arith.addi %parallel_loop3A_263, %parallel_loop3A_432 : i32
          %parallel_loop3A_434 = arith.index_cast %parallel_loop3A_433 : i32 to index
          %parallel_loop3A_435 = arith.constant 0 : index
          %parallel_loop3A_436 = tpu.vector_load %arg16[%parallel_loop3A_434, %parallel_loop3A_435] {strides = array<i32>} : memref<128x16xf32, #tpu.memory_space<vmem>>, vector<1x16xf32>,
          %parallel_loop3A_437 = vector.shape_cast %parallel_loop3A_436 : vector<1x16xf32> to vector<16xf32>
          %parallel_loop3A_438 = vector.shape_cast %xor3A_2 : vector<16xi32> to vector<16x1xi32>
          %parallel_loop3A_439 = vector.shape_cast %parallel_loop3A_438 : vector<16x1xi32> to vector<16xi32>
          %parallel_loop3A_440 = tpu.dynamic_gather %parallel_loop3A_431[%parallel_loop3A_439] in [0] : vector<16xf32>, vector<16xi32> -> vector<16xf32>
          %parallel_loop3A_441 = arith.addf %parallel_loop3A_431, %parallel_loop3A_440 : vector<16xf32>
          %parallel_loop3A_442 = vector.shape_cast %xor3A_2 : vector<16xi32> to vector<16x1xi32>
          %parallel_loop3A_443 = vector.shape_cast %parallel_loop3A_442 : vector<16x1xi32> to vector<16xi32>
          %parallel_loop3A_444 = tpu.dynamic_gather %parallel_loop3A_437[%parallel_loop3A_443] in [0] : vector<16xf32>, vector<16xi32> -> vector<16xf32>
          %parallel_loop3A_445 = arith.addf %parallel_loop3A_437, %parallel_loop3A_444 : vector<16xf32>
          %parallel_loop3A_446 = arith.select %eq3A_15, %parallel_loop3A_441, %parallel_loop3A_445 : vector<16xi1>, vector<16xf32>
          %parallel_loop3A_447 = arith.constant 7 : i32
          %parallel_loop3A_448 = arith.addi %parallel_loop3A_263, %parallel_loop3A_447 : i32
          %parallel_loop3A_449 = arith.index_cast %parallel_loop3A_448 : i32 to index
          %parallel_loop3A_450 = arith.constant 0 : index
          %parallel_loop3A_451 = tpu.vector_load %arg16[%parallel_loop3A_449, %parallel_loop3A_450] {strides = array<i32>} : memref<128x16xf32, #tpu.memory_space<vmem>>, vector<1x16xf32>,
          %parallel_loop3A_452 = vector.shape_cast %parallel_loop3A_451 : vector<1x16xf32> to vector<16xf32>
          %parallel_loop3A_453 = arith.constant 15 : i32
          %parallel_loop3A_454 = arith.addi %parallel_loop3A_263, %parallel_loop3A_453 : i32
          %parallel_loop3A_455 = arith.index_cast %parallel_loop3A_454 : i32 to index
          %parallel_loop3A_456 = arith.constant 0 : index
          %parallel_loop3A_457 = tpu.vector_load %arg16[%parallel_loop3A_455, %parallel_loop3A_456] {strides = array<i32>} : memref<128x16xf32, #tpu.memory_space<vmem>>, vector<1x16xf32>,
          %parallel_loop3A_458 = vector.shape_cast %parallel_loop3A_457 : vector<1x16xf32> to vector<16xf32>
          %parallel_loop3A_459 = vector.shape_cast %xor3A_2 : vector<16xi32> to vector<16x1xi32>
          %parallel_loop3A_460 = vector.shape_cast %parallel_loop3A_459 : vector<16x1xi32> to vector<16xi32>
          %parallel_loop3A_461 = tpu.dynamic_gather %parallel_loop3A_452[%parallel_loop3A_460] in [0] : vector<16xf32>, vector<16xi32> -> vector<16xf32>
          %parallel_loop3A_462 = arith.addf %parallel_loop3A_452, %parallel_loop3A_461 : vector<16xf32>
          %parallel_loop3A_463 = vector.shape_cast %xor3A_2 : vector<16xi32> to vector<16x1xi32>
          %parallel_loop3A_464 = vector.shape_cast %parallel_loop3A_463 : vector<16x1xi32> to vector<16xi32>
          %parallel_loop3A_465 = tpu.dynamic_gather %parallel_loop3A_458[%parallel_loop3A_464] in [0] : vector<16xf32>, vector<16xi32> -> vector<16xf32>
          %parallel_loop3A_466 = arith.addf %parallel_loop3A_458, %parallel_loop3A_465 : vector<16xf32>
          %parallel_loop3A_467 = arith.select %eq3A_15, %parallel_loop3A_462, %parallel_loop3A_466 : vector<16xi1>, vector<16xf32>
          %parallel_loop3A_468 = vector.shape_cast %xor3A_5 : vector<16xi32> to vector<16x1xi32>
          %parallel_loop3A_469 = vector.shape_cast %parallel_loop3A_468 : vector<16x1xi32> to vector<16xi32>
          %parallel_loop3A_470 = tpu.dynamic_gather %parallel_loop3A_446[%parallel_loop3A_469] in [0] : vector<16xf32>, vector<16xi32> -> vector<16xf32>
          %parallel_loop3A_471 = arith.addf %parallel_loop3A_446, %parallel_loop3A_470 : vector<16xf32>
          %parallel_loop3A_472 = vector.shape_cast %xor3A_5 : vector<16xi32> to vector<16x1xi32>
          %parallel_loop3A_473 = vector.shape_cast %parallel_loop3A_472 : vector<16x1xi32> to vector<16xi32>
          %parallel_loop3A_474 = tpu.dynamic_gather %parallel_loop3A_467[%parallel_loop3A_473] in [0] : vector<16xf32>, vector<16xi32> -> vector<16xf32>
          %parallel_loop3A_475 = arith.addf %parallel_loop3A_467, %parallel_loop3A_474 : vector<16xf32>
          %parallel_loop3A_476 = arith.select %eq3A_21, %parallel_loop3A_471, %parallel_loop3A_475 : vector<16xi1>, vector<16xf32>
          %parallel_loop3A_477 = vector.shape_cast %xor3A_8 : vector<16xi32> to vector<16x1xi32>
          %parallel_loop3A_478 = vector.shape_cast %parallel_loop3A_477 : vector<16x1xi32> to vector<16xi32>
          %parallel_loop3A_479 = tpu.dynamic_gather %parallel_loop3A_425[%parallel_loop3A_478] in [0] : vector<16xf32>, vector<16xi32> -> vector<16xf32>
          %parallel_loop3A_480 = arith.addf %parallel_loop3A_425, %parallel_loop3A_479 : vector<16xf32>
          %parallel_loop3A_481 = vector.shape_cast %xor3A_8 : vector<16xi32> to vector<16x1xi32>
          %parallel_loop3A_482 = vector.shape_cast %parallel_loop3A_481 : vector<16x1xi32> to vector<16xi32>
          %parallel_loop3A_483 = tpu.dynamic_gather %parallel_loop3A_476[%parallel_loop3A_482] in [0] : vector<16xf32>, vector<16xi32> -> vector<16xf32>
          %parallel_loop3A_484 = arith.addf %parallel_loop3A_476, %parallel_loop3A_483 : vector<16xf32>
          %parallel_loop3A_485 = arith.select %eq3A_27, %parallel_loop3A_480, %parallel_loop3A_484 : vector<16xi1>, vector<16xf32>
          %parallel_loop3A_486 = vector.shape_cast %xor3A_11 : vector<16xi32> to vector<16x1xi32>
          %parallel_loop3A_487 = vector.shape_cast %parallel_loop3A_486 : vector<16x1xi32> to vector<16xi32>
          %parallel_loop3A_488 = tpu.dynamic_gather %parallel_loop3A_374[%parallel_loop3A_487] in [0] : vector<16xf32>, vector<16xi32> -> vector<16xf32>
          %parallel_loop3A_489 = arith.addf %parallel_loop3A_374, %parallel_loop3A_488 : vector<16xf32>
          %parallel_loop3A_490 = vector.shape_cast %xor3A_11 : vector<16xi32> to vector<16x1xi32>
          %parallel_loop3A_491 = vector.shape_cast %parallel_loop3A_490 : vector<16x1xi32> to vector<16xi32>
          %parallel_loop3A_492 = tpu.dynamic_gather %parallel_loop3A_485[%parallel_loop3A_491] in [0] : vector<16xf32>, vector<16xi32> -> vector<16xf32>
          %parallel_loop3A_493 = arith.addf %parallel_loop3A_485, %parallel_loop3A_492 : vector<16xf32>
          %parallel_loop3A_494 = arith.select %eq3A_33, %parallel_loop3A_489, %parallel_loop3A_493 : vector<16xi1>, vector<16xf32>
          %parallel_loop3A_495 = arith.index_cast %parallel_loop3A_263 : i32 to index
          %parallel_loop3A_496 = tpu.vector_load %arg14[%parallel_loop3A_495] {strides = array<i32>} : memref<128xf32, #tpu.memory_space<vmem>>, vector<16xf32>,
          %parallel_loop3A_497 = vector.shape_cast %parallel_loop3A_496 : vector<16xf32> to vector<16xf32>
          %parallel_loop3A_498 = vector.shape_cast %parallel_loop3A_494 : vector<16xf32> to vector<16xf32>
          tpu.vector_store %arg14[%parallel_loop3A_495], %parallel_loop3A_498 {strides = array<i32>} : memref<128xf32, #tpu.memory_space<vmem>>, vector<16xf32>,
        } {sc.loop_unroll_factor = 1 : i64, sc.parallel_access}
        %mul3A_257 = arith.constant 32 : i32
        %mul3A_258 = arith.muli %add3A_176, %mul3A_257 : i32
        %add3A_259 = arith.addi %add3A, %mul3A_258 : i32
        %mul3A_260 = arith.constant 128 : i32
        %mul3A_261 = arith.muli %add3A_259, %mul3A_260 : i32
        %dma_start3A = tpu.memref_slice %arg5[%mul3A_261] : memref<320000xf32, #tpu.memory_space<hbm>> -> memref<128xf32, #tpu.memory_space<hbm>>
        %dma_start3A_262 = tpu.memref_slice %arg5[%mul3A_261] : memref<320000xf32, #tpu.memory_space<hbm>> -> memref<128xf32, #tpu.memory_space<hbm>>
        tpu.enqueue_dma source(%arg14 : memref<128xf32, #tpu.memory_space<vmem>>) target(%dma_start3A_262 : memref<128xf32, #tpu.memory_space<hbm>>) target_semaphore(%arg23 : memref<!tpu.dma_semaphore, #tpu.memory_space<semaphore_mem>>)
      } else {
      }
      %add3A_205 = arith.constant 3 : i32
      %add3A_206 = arith.addi %mul3A_114, %add3A_205 : i32
      %add3A_207 = arith.constant 2 : i32
      %add3A_208 = arith.addi %add3A_206, %add3A_207 : i32
      %mul3A_209 = arith.constant 32 : i32
      %mul3A_210 = arith.muli %add3A_208, %mul3A_209 : i32
      %add3A_211 = arith.addi %add3A, %mul3A_210 : i32
      %lt3A_212 = arith.constant 2500 : i32
      %lt3A_213 = arith.cmpi slt, %add3A_211, %lt3A_212 : i32
      %convert_element_type3A_214 = arith.extui %lt3A_213 : i1 to i32
      %cond3A_215 = arith.constant 0 : i32
      %cond3A_216 = arith.cmpi ne, %convert_element_type3A_214, %cond3A_215 : i32
      scf.if %cond3A_216 {
        %mul3A_235 = arith.constant 32 : i32
        %mul3A_236 = arith.muli %add3A_208, %mul3A_235 : i32
        %add3A_237 = arith.addi %add3A, %mul3A_236 : i32
        %mul3A_238 = arith.constant 128 : i32
        %mul3A_239 = arith.muli %add3A_237, %mul3A_238 : i32
        %dma_start3A = arith.constant 0 : i32
        %dma_start3A_240 = tpu.memref_slice %arg4[%dma_start3A, %mul3A_239] : memref<2x320000xi32, #tpu.memory_space<hbm>> -> memref<2x128xi32, #tpu.memory_space<hbm>>
        %dma_start3A_241 = arith.constant 0 : i32
        %dma_start3A_242 = tpu.memref_slice %arg4[%dma_start3A_241, %mul3A_239] : memref<2x320000xi32, #tpu.memory_space<hbm>> -> memref<2x128xi32, #tpu.memory_space<hbm>>
        tpu.enqueue_dma source(%dma_start3A_242 : memref<2x128xi32, #tpu.memory_space<hbm>>) target(%arg7 : memref<2x128xi32, #tpu.memory_space<vmem>>) target_semaphore(%arg18 : memref<!tpu.dma_semaphore, #tpu.memory_space<semaphore_mem>>)
      } else {
      }
      %add3A_217 = arith.constant 1 : i32
      %add3A_218 = arith.addi %add3A_206, %add3A_217 : i32
      %mul3A_219 = arith.constant 32 : i32
      %mul3A_220 = arith.muli %add3A_218, %mul3A_219 : i32
      %add3A_221 = arith.addi %add3A, %mul3A_220 : i32
      %lt3A_222 = arith.constant 2500 : i32
      %lt3A_223 = arith.cmpi slt, %add3A_221, %lt3A_222 : i32
      %convert_element_type3A_224 = arith.extui %lt3A_223 : i1 to i32
      %cond3A_225 = arith.constant 0 : i32
      %cond3A_226 = arith.cmpi ne, %convert_element_type3A_224, %cond3A_225 : i32
      scf.if %cond3A_226 {
        %mul3A_235 = arith.constant 32 : i32
        %mul3A_236 = arith.muli %add3A_218, %mul3A_235 : i32
        %add3A_237 = arith.addi %add3A, %mul3A_236 : i32
        %mul3A_238 = arith.constant 128 : i32
        %mul3A_239 = arith.muli %add3A_237, %mul3A_238 : i32
        %dma_wait3A = arith.constant 0 : i32
        %dma_wait3A_240 = tpu.memref_slice %arg4[%dma_wait3A, %mul3A_239] : memref<2x320000xi32, #tpu.memory_space<hbm>> -> memref<2x128xi32, #tpu.memory_space<hbm>>
        %dma_wait3A_241 = arith.constant 0 : i32
        %dma_wait3A_242 = tpu.memref_slice %arg4[%dma_wait3A_241, %mul3A_239] : memref<2x320000xi32, #tpu.memory_space<hbm>> -> memref<2x128xi32, #tpu.memory_space<hbm>>
        tpu.wait_dma2 semaphore(%arg17 : memref<!tpu.dma_semaphore, #tpu.memory_space<semaphore_mem>>) src(%dma_wait3A_242 : memref<2x128xi32, #tpu.memory_space<hbm>>) dst(%arg6 : memref<2x128xi32, #tpu.memory_space<vmem>>)
        %dma_start3A = arith.constant 0 : i32
        %dma_start3A_243 = arith.constant 0 : i32
        %dma_start3A_244 = tpu.memref_slice %arg6[%dma_start3A, %dma_start3A_243] : memref<2x128xi32, #tpu.memory_space<vmem>> -> memref<1x128xi32, #tpu.memory_space<vmem>>
        %dma_start3A_245 = tpu.memref_squeeze %dma_start3A_244 : memref<1x128xi32, #tpu.memory_space<vmem>> -> memref<128xi32, #tpu.memory_space<vmem>>
        %dma_start3A_246 = arith.constant 0 : i32
        %dma_start3A_247 = arith.constant 0 : i32
        %dma_start3A_248 = tpu.memref_slice %arg2[%dma_start3A_246, %dma_start3A_247] : memref<10000x128xf32, #tpu.memory_space<hbm>> -> memref<10000x128xf32, #tpu.memory_space<hbm>>
        tpu.enqueue_indirect_dma source(%dma_start3A_248 : memref<10000x128xf32, #tpu.memory_space<hbm>>) target(%arg10 : memref<128x128xf32, #tpu.memory_space<vmem>>) offsets(%dma_start3A_245 : memref<128xi32, #tpu.memory_space<vmem>>) semaphore(%arg21 : memref<!tpu.dma_semaphore, #tpu.memory_space<semaphore_mem>>)
        %dma_start3A_249 = arith.constant 1 : i32
        %dma_start3A_250 = arith.constant 0 : i32
        %dma_start3A_251 = tpu.memref_slice %arg6[%dma_start3A_249, %dma_start3A_250] : memref<2x128xi32, #tpu.memory_space<vmem>> -> memref<1x128xi32, #tpu.memory_space<vmem>>
        %dma_start3A_252 = tpu.memref_squeeze %dma_start3A_251 : memref<1x128xi32, #tpu.memory_space<vmem>> -> memref<128xi32, #tpu.memory_space<vmem>>
        %dma_start3A_253 = arith.constant 0 : i32
        %dma_start3A_254 = arith.constant 0 : i32
        %dma_start3A_255 = tpu.memref_slice %arg3[%dma_start3A_253, %dma_start3A_254] : memref<10000x128xf32, #tpu.memory_space<hbm>> -> memref<10000x128xf32, #tpu.memory_space<hbm>>
        tpu.enqueue_indirect_dma source(%dma_start3A_255 : memref<10000x128xf32, #tpu.memory_space<hbm>>) target(%arg12 : memref<128x128xf32, #tpu.memory_space<vmem>>) offsets(%dma_start3A_252 : memref<128xi32, #tpu.memory_space<vmem>>) semaphore(%arg21 : memref<!tpu.dma_semaphore, #tpu.memory_space<semaphore_mem>>)
      } else {
      }
      %mul3A_227 = arith.constant 32 : i32
      %mul3A_228 = arith.muli %add3A_206, %mul3A_227 : i32
      %add3A_229 = arith.addi %add3A, %mul3A_228 : i32
      %lt3A_230 = arith.constant 2500 : i32
      %lt3A_231 = arith.cmpi slt, %add3A_229, %lt3A_230 : i32
      %convert_element_type3A_232 = arith.extui %lt3A_231 : i1 to i32
      %cond3A_233 = arith.constant 0 : i32
      %cond3A_234 = arith.cmpi ne, %convert_element_type3A_232, %cond3A_233 : i32
      scf.if %cond3A_234 {
        %dma_wait3A = arith.constant 0 : i32
        %dma_wait3A_235 = arith.constant 0 : i32
        %dma_wait3A_236 = tpu.memref_slice %arg9[%dma_wait3A, %dma_wait3A_235] : memref<2x128xi32, #tpu.memory_space<vmem>> -> memref<1x128xi32, #tpu.memory_space<vmem>>
        %dma_wait3A_237 = tpu.memref_squeeze %dma_wait3A_236 : memref<1x128xi32, #tpu.memory_space<vmem>> -> memref<128xi32, #tpu.memory_space<vmem>>
        %dma_wait3A_238 = arith.constant 0 : i32
        %dma_wait3A_239 = arith.constant 0 : i32
        %dma_wait3A_240 = tpu.memref_slice %arg2[%dma_wait3A_238, %dma_wait3A_239] : memref<10000x128xf32, #tpu.memory_space<hbm>> -> memref<10000x128xf32, #tpu.memory_space<hbm>>
        tpu.wait_indirect_dma semaphore(%arg22 : memref<!tpu.dma_semaphore, #tpu.memory_space<semaphore_mem>>) src(%dma_wait3A_240 : memref<10000x128xf32, #tpu.memory_space<hbm>>) dst(%arg11 : memref<128x128xf32, #tpu.memory_space<vmem>>)
        %dma_wait3A_241 = arith.constant 1 : i32
        %dma_wait3A_242 = arith.constant 0 : i32
        %dma_wait3A_243 = tpu.memref_slice %arg9[%dma_wait3A_241, %dma_wait3A_242] : memref<2x128xi32, #tpu.memory_space<vmem>> -> memref<1x128xi32, #tpu.memory_space<vmem>>
        %dma_wait3A_244 = tpu.memref_squeeze %dma_wait3A_243 : memref<1x128xi32, #tpu.memory_space<vmem>> -> memref<128xi32, #tpu.memory_space<vmem>>
        %dma_wait3A_245 = arith.constant 0 : i32
        %dma_wait3A_246 = arith.constant 0 : i32
        %dma_wait3A_247 = tpu.memref_slice %arg3[%dma_wait3A_245, %dma_wait3A_246] : memref<10000x128xf32, #tpu.memory_space<hbm>> -> memref<10000x128xf32, #tpu.memory_space<hbm>>
        tpu.wait_indirect_dma semaphore(%arg22 : memref<!tpu.dma_semaphore, #tpu.memory_space<semaphore_mem>>) src(%dma_wait3A_247 : memref<10000x128xf32, #tpu.memory_space<hbm>>) dst(%arg13 : memref<128x128xf32, #tpu.memory_space<vmem>>)
        %ge3A = arith.constant 2 : i32
        %ge3A_248 = arith.cmpi sge, %add3A_206, %ge3A : i32
        %convert_element_type3A_249 = arith.extui %ge3A_248 : i1 to i32
        %cond3A_250 = arith.constant 0 : i32
        %cond3A_251 = arith.cmpi ne, %convert_element_type3A_249, %cond3A_250 : i32
        scf.if %cond3A_251 {
          %sub3A = arith.constant 2 : i32
          %sub3A_263 = arith.subi %add3A_206, %sub3A : i32
          %mul3A_264 = arith.constant 32 : i32
          %mul3A_265 = arith.muli %sub3A_263, %mul3A_264 : i32
          %add3A_266 = arith.addi %add3A, %mul3A_265 : i32
          %mul3A_267 = arith.constant 128 : i32
          %mul3A_268 = arith.muli %add3A_266, %mul3A_267 : i32
          %dma_wait3A_269 = tpu.memref_slice %arg5[%mul3A_268] : memref<320000xf32, #tpu.memory_space<hbm>> -> memref<128xf32, #tpu.memory_space<hbm>>
          %dma_wait3A_270 = tpu.memref_slice %arg5[%mul3A_268] : memref<320000xf32, #tpu.memory_space<hbm>> -> memref<128xf32, #tpu.memory_space<hbm>>
          tpu.wait_dma2 semaphore(%arg24 : memref<!tpu.dma_semaphore, #tpu.memory_space<semaphore_mem>>) src(%arg15 : memref<128xf32, #tpu.memory_space<vmem>>) dst(%dma_wait3A_270 : memref<128xf32, #tpu.memory_space<hbm>>)
        } else {
        }
        %parallel_loop3A = arith.constant 0 : i32
        %parallel_loop3A_252 = arith.constant 128 : i32
        %parallel_loop3A_253 = arith.constant 1 : i32
        scf.for %parallel_loop3A_263 = %parallel_loop3A to %parallel_loop3A_252 step %parallel_loop3A_253  : i32 {
          %parallel_loop3A_264 = arith.index_cast %parallel_loop3A_263 : i32 to index
          %parallel_loop3A_265 = arith.constant 0 : index
          %parallel_loop3A_266 = tpu.vector_load %arg11[%parallel_loop3A_264, %parallel_loop3A_265] {strides = array<i32>} : memref<128x128xf32, #tpu.memory_space<vmem>>, vector<1x16xf32>,
          %parallel_loop3A_267 = vector.shape_cast %parallel_loop3A_266 : vector<1x16xf32> to vector<16xf32>
          %parallel_loop3A_268 = arith.index_cast %parallel_loop3A_263 : i32 to index
          %parallel_loop3A_269 = arith.constant 0 : index
          %parallel_loop3A_270 = tpu.vector_load %arg13[%parallel_loop3A_268, %parallel_loop3A_269] {strides = array<i32>} : memref<128x128xf32, #tpu.memory_space<vmem>>, vector<1x16xf32>,
          %parallel_loop3A_271 = vector.shape_cast %parallel_loop3A_270 : vector<1x16xf32> to vector<16xf32>
          %parallel_loop3A_272 = arith.mulf %parallel_loop3A_267, %parallel_loop3A_271 : vector<16xf32>
          %parallel_loop3A_273 = arith.index_cast %parallel_loop3A_263 : i32 to index
          %parallel_loop3A_274 = arith.constant 16 : index
          %parallel_loop3A_275 = tpu.vector_load %arg11[%parallel_loop3A_273, %parallel_loop3A_274] {strides = array<i32>} : memref<128x128xf32, #tpu.memory_space<vmem>>, vector<1x16xf32>,
          %parallel_loop3A_276 = vector.shape_cast %parallel_loop3A_275 : vector<1x16xf32> to vector<16xf32>
          %parallel_loop3A_277 = arith.index_cast %parallel_loop3A_263 : i32 to index
          %parallel_loop3A_278 = arith.constant 16 : index
          %parallel_loop3A_279 = tpu.vector_load %arg13[%parallel_loop3A_277, %parallel_loop3A_278] {strides = array<i32>} : memref<128x128xf32, #tpu.memory_space<vmem>>, vector<1x16xf32>,
          %parallel_loop3A_280 = vector.shape_cast %parallel_loop3A_279 : vector<1x16xf32> to vector<16xf32>
          %parallel_loop3A_281 = arith.mulf %parallel_loop3A_276, %parallel_loop3A_280 : vector<16xf32>
          %parallel_loop3A_282 = arith.addf %parallel_loop3A_272, %parallel_loop3A_281 : vector<16xf32>
          %parallel_loop3A_283 = arith.index_cast %parallel_loop3A_263 : i32 to index
          %parallel_loop3A_284 = arith.constant 32 : index
          %parallel_loop3A_285 = tpu.vector_load %arg11[%parallel_loop3A_283, %parallel_loop3A_284] {strides = array<i32>} : memref<128x128xf32, #tpu.memory_space<vmem>>, vector<1x16xf32>,
          %parallel_loop3A_286 = vector.shape_cast %parallel_loop3A_285 : vector<1x16xf32> to vector<16xf32>
          %parallel_loop3A_287 = arith.index_cast %parallel_loop3A_263 : i32 to index
          %parallel_loop3A_288 = arith.constant 32 : index
          %parallel_loop3A_289 = tpu.vector_load %arg13[%parallel_loop3A_287, %parallel_loop3A_288] {strides = array<i32>} : memref<128x128xf32, #tpu.memory_space<vmem>>, vector<1x16xf32>,
          %parallel_loop3A_290 = vector.shape_cast %parallel_loop3A_289 : vector<1x16xf32> to vector<16xf32>
          %parallel_loop3A_291 = arith.mulf %parallel_loop3A_286, %parallel_loop3A_290 : vector<16xf32>
          %parallel_loop3A_292 = arith.addf %parallel_loop3A_282, %parallel_loop3A_291 : vector<16xf32>
          %parallel_loop3A_293 = arith.index_cast %parallel_loop3A_263 : i32 to index
          %parallel_loop3A_294 = arith.constant 48 : index
          %parallel_loop3A_295 = tpu.vector_load %arg11[%parallel_loop3A_293, %parallel_loop3A_294] {strides = array<i32>} : memref<128x128xf32, #tpu.memory_space<vmem>>, vector<1x16xf32>,
          %parallel_loop3A_296 = vector.shape_cast %parallel_loop3A_295 : vector<1x16xf32> to vector<16xf32>
          %parallel_loop3A_297 = arith.index_cast %parallel_loop3A_263 : i32 to index
          %parallel_loop3A_298 = arith.constant 48 : index
          %parallel_loop3A_299 = tpu.vector_load %arg13[%parallel_loop3A_297, %parallel_loop3A_298] {strides = array<i32>} : memref<128x128xf32, #tpu.memory_space<vmem>>, vector<1x16xf32>,
          %parallel_loop3A_300 = vector.shape_cast %parallel_loop3A_299 : vector<1x16xf32> to vector<16xf32>
          %parallel_loop3A_301 = arith.mulf %parallel_loop3A_296, %parallel_loop3A_300 : vector<16xf32>
          %parallel_loop3A_302 = arith.addf %parallel_loop3A_292, %parallel_loop3A_301 : vector<16xf32>
          %parallel_loop3A_303 = arith.index_cast %parallel_loop3A_263 : i32 to index
          %parallel_loop3A_304 = arith.constant 64 : index
          %parallel_loop3A_305 = tpu.vector_load %arg11[%parallel_loop3A_303, %parallel_loop3A_304] {strides = array<i32>} : memref<128x128xf32, #tpu.memory_space<vmem>>, vector<1x16xf32>,
          %parallel_loop3A_306 = vector.shape_cast %parallel_loop3A_305 : vector<1x16xf32> to vector<16xf32>
          %parallel_loop3A_307 = arith.index_cast %parallel_loop3A_263 : i32 to index
          %parallel_loop3A_308 = arith.constant 64 : index
          %parallel_loop3A_309 = tpu.vector_load %arg13[%parallel_loop3A_307, %parallel_loop3A_308] {strides = array<i32>} : memref<128x128xf32, #tpu.memory_space<vmem>>, vector<1x16xf32>,
          %parallel_loop3A_310 = vector.shape_cast %parallel_loop3A_309 : vector<1x16xf32> to vector<16xf32>
          %parallel_loop3A_311 = arith.mulf %parallel_loop3A_306, %parallel_loop3A_310 : vector<16xf32>
          %parallel_loop3A_312 = arith.addf %parallel_loop3A_302, %parallel_loop3A_311 : vector<16xf32>
          %parallel_loop3A_313 = arith.index_cast %parallel_loop3A_263 : i32 to index
          %parallel_loop3A_314 = arith.constant 80 : index
          %parallel_loop3A_315 = tpu.vector_load %arg11[%parallel_loop3A_313, %parallel_loop3A_314] {strides = array<i32>} : memref<128x128xf32, #tpu.memory_space<vmem>>, vector<1x16xf32>,
          %parallel_loop3A_316 = vector.shape_cast %parallel_loop3A_315 : vector<1x16xf32> to vector<16xf32>
          %parallel_loop3A_317 = arith.index_cast %parallel_loop3A_263 : i32 to index
          %parallel_loop3A_318 = arith.constant 80 : index
          %parallel_loop3A_319 = tpu.vector_load %arg13[%parallel_loop3A_317, %parallel_loop3A_318] {strides = array<i32>} : memref<128x128xf32, #tpu.memory_space<vmem>>, vector<1x16xf32>,
          %parallel_loop3A_320 = vector.shape_cast %parallel_loop3A_319 : vector<1x16xf32> to vector<16xf32>
          %parallel_loop3A_321 = arith.mulf %parallel_loop3A_316, %parallel_loop3A_320 : vector<16xf32>
          %parallel_loop3A_322 = arith.addf %parallel_loop3A_312, %parallel_loop3A_321 : vector<16xf32>
          %parallel_loop3A_323 = arith.index_cast %parallel_loop3A_263 : i32 to index
          %parallel_loop3A_324 = arith.constant 96 : index
          %parallel_loop3A_325 = tpu.vector_load %arg11[%parallel_loop3A_323, %parallel_loop3A_324] {strides = array<i32>} : memref<128x128xf32, #tpu.memory_space<vmem>>, vector<1x16xf32>,
          %parallel_loop3A_326 = vector.shape_cast %parallel_loop3A_325 : vector<1x16xf32> to vector<16xf32>
          %parallel_loop3A_327 = arith.index_cast %parallel_loop3A_263 : i32 to index
          %parallel_loop3A_328 = arith.constant 96 : index
          %parallel_loop3A_329 = tpu.vector_load %arg13[%parallel_loop3A_327, %parallel_loop3A_328] {strides = array<i32>} : memref<128x128xf32, #tpu.memory_space<vmem>>, vector<1x16xf32>,
          %parallel_loop3A_330 = vector.shape_cast %parallel_loop3A_329 : vector<1x16xf32> to vector<16xf32>
          %parallel_loop3A_331 = arith.mulf %parallel_loop3A_326, %parallel_loop3A_330 : vector<16xf32>
          %parallel_loop3A_332 = arith.addf %parallel_loop3A_322, %parallel_loop3A_331 : vector<16xf32>
          %parallel_loop3A_333 = arith.index_cast %parallel_loop3A_263 : i32 to index
          %parallel_loop3A_334 = arith.constant 112 : index
          %parallel_loop3A_335 = tpu.vector_load %arg11[%parallel_loop3A_333, %parallel_loop3A_334] {strides = array<i32>} : memref<128x128xf32, #tpu.memory_space<vmem>>, vector<1x16xf32>,
          %parallel_loop3A_336 = vector.shape_cast %parallel_loop3A_335 : vector<1x16xf32> to vector<16xf32>
          %parallel_loop3A_337 = arith.index_cast %parallel_loop3A_263 : i32 to index
          %parallel_loop3A_338 = arith.constant 112 : index
          %parallel_loop3A_339 = tpu.vector_load %arg13[%parallel_loop3A_337, %parallel_loop3A_338] {strides = array<i32>} : memref<128x128xf32, #tpu.memory_space<vmem>>, vector<1x16xf32>,
          %parallel_loop3A_340 = vector.shape_cast %parallel_loop3A_339 : vector<1x16xf32> to vector<16xf32>
          %parallel_loop3A_341 = arith.mulf %parallel_loop3A_336, %parallel_loop3A_340 : vector<16xf32>
          %parallel_loop3A_342 = arith.addf %parallel_loop3A_332, %parallel_loop3A_341 : vector<16xf32>
          %parallel_loop3A_343 = arith.index_cast %parallel_loop3A_263 : i32 to index
          %parallel_loop3A_344 = arith.constant 0 : index
          %parallel_loop3A_345 = tpu.vector_load %arg16[%parallel_loop3A_343, %parallel_loop3A_344] {strides = array<i32>} : memref<128x16xf32, #tpu.memory_space<vmem>>, vector<1x16xf32>,
          %parallel_loop3A_346 = vector.shape_cast %parallel_loop3A_345 : vector<1x16xf32> to vector<16xf32>
          %parallel_loop3A_347 = vector.shape_cast %parallel_loop3A_342 : vector<16xf32> to vector<1x16xf32>
          tpu.vector_store %arg16[%parallel_loop3A_343, %parallel_loop3A_344], %parallel_loop3A_347 {strides = array<i32>} : memref<128x16xf32, #tpu.memory_space<vmem>>, vector<1x16xf32>,
        } {sc.loop_unroll_factor = 2 : i64, sc.parallel_access}
        %parallel_loop3A_254 = arith.constant 0 : i32
        %parallel_loop3A_255 = arith.constant 128 : i32
        %parallel_loop3A_256 = arith.constant 16 : i32
        scf.for %parallel_loop3A_263 = %parallel_loop3A_254 to %parallel_loop3A_255 step %parallel_loop3A_256  : i32 {
          %parallel_loop3A_264 = arith.constant 0 : i32
          %parallel_loop3A_265 = arith.addi %parallel_loop3A_263, %parallel_loop3A_264 : i32
          %parallel_loop3A_266 = arith.index_cast %parallel_loop3A_265 : i32 to index
          %parallel_loop3A_267 = arith.constant 0 : index
          %parallel_loop3A_268 = tpu.vector_load %arg16[%parallel_loop3A_266, %parallel_loop3A_267] {strides = array<i32>} : memref<128x16xf32, #tpu.memory_space<vmem>>, vector<1x16xf32>,
          %parallel_loop3A_269 = vector.shape_cast %parallel_loop3A_268 : vector<1x16xf32> to vector<16xf32>
          %parallel_loop3A_270 = arith.constant 8 : i32
          %parallel_loop3A_271 = arith.addi %parallel_loop3A_263, %parallel_loop3A_270 : i32
          %parallel_loop3A_272 = arith.index_cast %parallel_loop3A_271 : i32 to index
          %parallel_loop3A_273 = arith.constant 0 : index
          %parallel_loop3A_274 = tpu.vector_load %arg16[%parallel_loop3A_272, %parallel_loop3A_273] {strides = array<i32>} : memref<128x16xf32, #tpu.memory_space<vmem>>, vector<1x16xf32>,
          %parallel_loop3A_275 = vector.shape_cast %parallel_loop3A_274 : vector<1x16xf32> to vector<16xf32>
          %parallel_loop3A_276 = vector.shape_cast %xor3A_2 : vector<16xi32> to vector<16x1xi32>
          %parallel_loop3A_277 = vector.shape_cast %parallel_loop3A_276 : vector<16x1xi32> to vector<16xi32>
          %parallel_loop3A_278 = tpu.dynamic_gather %parallel_loop3A_269[%parallel_loop3A_277] in [0] : vector<16xf32>, vector<16xi32> -> vector<16xf32>
          %parallel_loop3A_279 = arith.addf %parallel_loop3A_269, %parallel_loop3A_278 : vector<16xf32>
          %parallel_loop3A_280 = vector.shape_cast %xor3A_2 : vector<16xi32> to vector<16x1xi32>
          %parallel_loop3A_281 = vector.shape_cast %parallel_loop3A_280 : vector<16x1xi32> to vector<16xi32>
          %parallel_loop3A_282 = tpu.dynamic_gather %parallel_loop3A_275[%parallel_loop3A_281] in [0] : vector<16xf32>, vector<16xi32> -> vector<16xf32>
          %parallel_loop3A_283 = arith.addf %parallel_loop3A_275, %parallel_loop3A_282 : vector<16xf32>
          %parallel_loop3A_284 = arith.select %eq3A_15, %parallel_loop3A_279, %parallel_loop3A_283 : vector<16xi1>, vector<16xf32>
          %parallel_loop3A_285 = arith.constant 4 : i32
          %parallel_loop3A_286 = arith.addi %parallel_loop3A_263, %parallel_loop3A_285 : i32
          %parallel_loop3A_287 = arith.index_cast %parallel_loop3A_286 : i32 to index
          %parallel_loop3A_288 = arith.constant 0 : index
          %parallel_loop3A_289 = tpu.vector_load %arg16[%parallel_loop3A_287, %parallel_loop3A_288] {strides = array<i32>} : memref<128x16xf32, #tpu.memory_space<vmem>>, vector<1x16xf32>,
          %parallel_loop3A_290 = vector.shape_cast %parallel_loop3A_289 : vector<1x16xf32> to vector<16xf32>
          %parallel_loop3A_291 = arith.constant 12 : i32
          %parallel_loop3A_292 = arith.addi %parallel_loop3A_263, %parallel_loop3A_291 : i32
          %parallel_loop3A_293 = arith.index_cast %parallel_loop3A_292 : i32 to index
          %parallel_loop3A_294 = arith.constant 0 : index
          %parallel_loop3A_295 = tpu.vector_load %arg16[%parallel_loop3A_293, %parallel_loop3A_294] {strides = array<i32>} : memref<128x16xf32, #tpu.memory_space<vmem>>, vector<1x16xf32>,
          %parallel_loop3A_296 = vector.shape_cast %parallel_loop3A_295 : vector<1x16xf32> to vector<16xf32>
          %parallel_loop3A_297 = vector.shape_cast %xor3A_2 : vector<16xi32> to vector<16x1xi32>
          %parallel_loop3A_298 = vector.shape_cast %parallel_loop3A_297 : vector<16x1xi32> to vector<16xi32>
          %parallel_loop3A_299 = tpu.dynamic_gather %parallel_loop3A_290[%parallel_loop3A_298] in [0] : vector<16xf32>, vector<16xi32> -> vector<16xf32>
          %parallel_loop3A_300 = arith.addf %parallel_loop3A_290, %parallel_loop3A_299 : vector<16xf32>
          %parallel_loop3A_301 = vector.shape_cast %xor3A_2 : vector<16xi32> to vector<16x1xi32>
          %parallel_loop3A_302 = vector.shape_cast %parallel_loop3A_301 : vector<16x1xi32> to vector<16xi32>
          %parallel_loop3A_303 = tpu.dynamic_gather %parallel_loop3A_296[%parallel_loop3A_302] in [0] : vector<16xf32>, vector<16xi32> -> vector<16xf32>
          %parallel_loop3A_304 = arith.addf %parallel_loop3A_296, %parallel_loop3A_303 : vector<16xf32>
          %parallel_loop3A_305 = arith.select %eq3A_15, %parallel_loop3A_300, %parallel_loop3A_304 : vector<16xi1>, vector<16xf32>
          %parallel_loop3A_306 = vector.shape_cast %xor3A_5 : vector<16xi32> to vector<16x1xi32>
          %parallel_loop3A_307 = vector.shape_cast %parallel_loop3A_306 : vector<16x1xi32> to vector<16xi32>
          %parallel_loop3A_308 = tpu.dynamic_gather %parallel_loop3A_284[%parallel_loop3A_307] in [0] : vector<16xf32>, vector<16xi32> -> vector<16xf32>
          %parallel_loop3A_309 = arith.addf %parallel_loop3A_284, %parallel_loop3A_308 : vector<16xf32>
          %parallel_loop3A_310 = vector.shape_cast %xor3A_5 : vector<16xi32> to vector<16x1xi32>
          %parallel_loop3A_311 = vector.shape_cast %parallel_loop3A_310 : vector<16x1xi32> to vector<16xi32>
          %parallel_loop3A_312 = tpu.dynamic_gather %parallel_loop3A_305[%parallel_loop3A_311] in [0] : vector<16xf32>, vector<16xi32> -> vector<16xf32>
          %parallel_loop3A_313 = arith.addf %parallel_loop3A_305, %parallel_loop3A_312 : vector<16xf32>
          %parallel_loop3A_314 = arith.select %eq3A_21, %parallel_loop3A_309, %parallel_loop3A_313 : vector<16xi1>, vector<16xf32>
          %parallel_loop3A_315 = arith.constant 2 : i32
          %parallel_loop3A_316 = arith.addi %parallel_loop3A_263, %parallel_loop3A_315 : i32
          %parallel_loop3A_317 = arith.index_cast %parallel_loop3A_316 : i32 to index
          %parallel_loop3A_318 = arith.constant 0 : index
          %parallel_loop3A_319 = tpu.vector_load %arg16[%parallel_loop3A_317, %parallel_loop3A_318] {strides = array<i32>} : memref<128x16xf32, #tpu.memory_space<vmem>>, vector<1x16xf32>,
          %parallel_loop3A_320 = vector.shape_cast %parallel_loop3A_319 : vector<1x16xf32> to vector<16xf32>
          %parallel_loop3A_321 = arith.constant 10 : i32
          %parallel_loop3A_322 = arith.addi %parallel_loop3A_263, %parallel_loop3A_321 : i32
          %parallel_loop3A_323 = arith.index_cast %parallel_loop3A_322 : i32 to index
          %parallel_loop3A_324 = arith.constant 0 : index
          %parallel_loop3A_325 = tpu.vector_load %arg16[%parallel_loop3A_323, %parallel_loop3A_324] {strides = array<i32>} : memref<128x16xf32, #tpu.memory_space<vmem>>, vector<1x16xf32>,
          %parallel_loop3A_326 = vector.shape_cast %parallel_loop3A_325 : vector<1x16xf32> to vector<16xf32>
          %parallel_loop3A_327 = vector.shape_cast %xor3A_2 : vector<16xi32> to vector<16x1xi32>
          %parallel_loop3A_328 = vector.shape_cast %parallel_loop3A_327 : vector<16x1xi32> to vector<16xi32>
          %parallel_loop3A_329 = tpu.dynamic_gather %parallel_loop3A_320[%parallel_loop3A_328] in [0] : vector<16xf32>, vector<16xi32> -> vector<16xf32>
          %parallel_loop3A_330 = arith.addf %parallel_loop3A_320, %parallel_loop3A_329 : vector<16xf32>
          %parallel_loop3A_331 = vector.shape_cast %xor3A_2 : vector<16xi32> to vector<16x1xi32>
          %parallel_loop3A_332 = vector.shape_cast %parallel_loop3A_331 : vector<16x1xi32> to vector<16xi32>
          %parallel_loop3A_333 = tpu.dynamic_gather %parallel_loop3A_326[%parallel_loop3A_332] in [0] : vector<16xf32>, vector<16xi32> -> vector<16xf32>
          %parallel_loop3A_334 = arith.addf %parallel_loop3A_326, %parallel_loop3A_333 : vector<16xf32>
          %parallel_loop3A_335 = arith.select %eq3A_15, %parallel_loop3A_330, %parallel_loop3A_334 : vector<16xi1>, vector<16xf32>
          %parallel_loop3A_336 = arith.constant 6 : i32
          %parallel_loop3A_337 = arith.addi %parallel_loop3A_263, %parallel_loop3A_336 : i32
          %parallel_loop3A_338 = arith.index_cast %parallel_loop3A_337 : i32 to index
          %parallel_loop3A_339 = arith.constant 0 : index
          %parallel_loop3A_340 = tpu.vector_load %arg16[%parallel_loop3A_338, %parallel_loop3A_339] {strides = array<i32>} : memref<128x16xf32, #tpu.memory_space<vmem>>, vector<1x16xf32>,
          %parallel_loop3A_341 = vector.shape_cast %parallel_loop3A_340 : vector<1x16xf32> to vector<16xf32>
          %parallel_loop3A_342 = arith.constant 14 : i32
          %parallel_loop3A_343 = arith.addi %parallel_loop3A_263, %parallel_loop3A_342 : i32
          %parallel_loop3A_344 = arith.index_cast %parallel_loop3A_343 : i32 to index
          %parallel_loop3A_345 = arith.constant 0 : index
          %parallel_loop3A_346 = tpu.vector_load %arg16[%parallel_loop3A_344, %parallel_loop3A_345] {strides = array<i32>} : memref<128x16xf32, #tpu.memory_space<vmem>>, vector<1x16xf32>,
          %parallel_loop3A_347 = vector.shape_cast %parallel_loop3A_346 : vector<1x16xf32> to vector<16xf32>
          %parallel_loop3A_348 = vector.shape_cast %xor3A_2 : vector<16xi32> to vector<16x1xi32>
          %parallel_loop3A_349 = vector.shape_cast %parallel_loop3A_348 : vector<16x1xi32> to vector<16xi32>
          %parallel_loop3A_350 = tpu.dynamic_gather %parallel_loop3A_341[%parallel_loop3A_349] in [0] : vector<16xf32>, vector<16xi32> -> vector<16xf32>
          %parallel_loop3A_351 = arith.addf %parallel_loop3A_341, %parallel_loop3A_350 : vector<16xf32>
          %parallel_loop3A_352 = vector.shape_cast %xor3A_2 : vector<16xi32> to vector<16x1xi32>
          %parallel_loop3A_353 = vector.shape_cast %parallel_loop3A_352 : vector<16x1xi32> to vector<16xi32>
          %parallel_loop3A_354 = tpu.dynamic_gather %parallel_loop3A_347[%parallel_loop3A_353] in [0] : vector<16xf32>, vector<16xi32> -> vector<16xf32>
          %parallel_loop3A_355 = arith.addf %parallel_loop3A_347, %parallel_loop3A_354 : vector<16xf32>
          %parallel_loop3A_356 = arith.select %eq3A_15, %parallel_loop3A_351, %parallel_loop3A_355 : vector<16xi1>, vector<16xf32>
          %parallel_loop3A_357 = vector.shape_cast %xor3A_5 : vector<16xi32> to vector<16x1xi32>
          %parallel_loop3A_358 = vector.shape_cast %parallel_loop3A_357 : vector<16x1xi32> to vector<16xi32>
          %parallel_loop3A_359 = tpu.dynamic_gather %parallel_loop3A_335[%parallel_loop3A_358] in [0] : vector<16xf32>, vector<16xi32> -> vector<16xf32>
          %parallel_loop3A_360 = arith.addf %parallel_loop3A_335, %parallel_loop3A_359 : vector<16xf32>
          %parallel_loop3A_361 = vector.shape_cast %xor3A_5 : vector<16xi32> to vector<16x1xi32>
          %parallel_loop3A_362 = vector.shape_cast %parallel_loop3A_361 : vector<16x1xi32> to vector<16xi32>
          %parallel_loop3A_363 = tpu.dynamic_gather %parallel_loop3A_356[%parallel_loop3A_362] in [0] : vector<16xf32>, vector<16xi32> -> vector<16xf32>
          %parallel_loop3A_364 = arith.addf %parallel_loop3A_356, %parallel_loop3A_363 : vector<16xf32>
          %parallel_loop3A_365 = arith.select %eq3A_21, %parallel_loop3A_360, %parallel_loop3A_364 : vector<16xi1>, vector<16xf32>
          %parallel_loop3A_366 = vector.shape_cast %xor3A_8 : vector<16xi32> to vector<16x1xi32>
          %parallel_loop3A_367 = vector.shape_cast %parallel_loop3A_366 : vector<16x1xi32> to vector<16xi32>
          %parallel_loop3A_368 = tpu.dynamic_gather %parallel_loop3A_314[%parallel_loop3A_367] in [0] : vector<16xf32>, vector<16xi32> -> vector<16xf32>
          %parallel_loop3A_369 = arith.addf %parallel_loop3A_314, %parallel_loop3A_368 : vector<16xf32>
          %parallel_loop3A_370 = vector.shape_cast %xor3A_8 : vector<16xi32> to vector<16x1xi32>
          %parallel_loop3A_371 = vector.shape_cast %parallel_loop3A_370 : vector<16x1xi32> to vector<16xi32>
          %parallel_loop3A_372 = tpu.dynamic_gather %parallel_loop3A_365[%parallel_loop3A_371] in [0] : vector<16xf32>, vector<16xi32> -> vector<16xf32>
          %parallel_loop3A_373 = arith.addf %parallel_loop3A_365, %parallel_loop3A_372 : vector<16xf32>
          %parallel_loop3A_374 = arith.select %eq3A_27, %parallel_loop3A_369, %parallel_loop3A_373 : vector<16xi1>, vector<16xf32>
          %parallel_loop3A_375 = arith.constant 1 : i32
          %parallel_loop3A_376 = arith.addi %parallel_loop3A_263, %parallel_loop3A_375 : i32
          %parallel_loop3A_377 = arith.index_cast %parallel_loop3A_376 : i32 to index
          %parallel_loop3A_378 = arith.constant 0 : index
          %parallel_loop3A_379 = tpu.vector_load %arg16[%parallel_loop3A_377, %parallel_loop3A_378] {strides = array<i32>} : memref<128x16xf32, #tpu.memory_space<vmem>>, vector<1x16xf32>,
          %parallel_loop3A_380 = vector.shape_cast %parallel_loop3A_379 : vector<1x16xf32> to vector<16xf32>
          %parallel_loop3A_381 = arith.constant 9 : i32
          %parallel_loop3A_382 = arith.addi %parallel_loop3A_263, %parallel_loop3A_381 : i32
          %parallel_loop3A_383 = arith.index_cast %parallel_loop3A_382 : i32 to index
          %parallel_loop3A_384 = arith.constant 0 : index
          %parallel_loop3A_385 = tpu.vector_load %arg16[%parallel_loop3A_383, %parallel_loop3A_384] {strides = array<i32>} : memref<128x16xf32, #tpu.memory_space<vmem>>, vector<1x16xf32>,
          %parallel_loop3A_386 = vector.shape_cast %parallel_loop3A_385 : vector<1x16xf32> to vector<16xf32>
          %parallel_loop3A_387 = vector.shape_cast %xor3A_2 : vector<16xi32> to vector<16x1xi32>
          %parallel_loop3A_388 = vector.shape_cast %parallel_loop3A_387 : vector<16x1xi32> to vector<16xi32>
          %parallel_loop3A_389 = tpu.dynamic_gather %parallel_loop3A_380[%parallel_loop3A_388] in [0] : vector<16xf32>, vector<16xi32> -> vector<16xf32>
          %parallel_loop3A_390 = arith.addf %parallel_loop3A_380, %parallel_loop3A_389 : vector<16xf32>
          %parallel_loop3A_391 = vector.shape_cast %xor3A_2 : vector<16xi32> to vector<16x1xi32>
          %parallel_loop3A_392 = vector.shape_cast %parallel_loop3A_391 : vector<16x1xi32> to vector<16xi32>
          %parallel_loop3A_393 = tpu.dynamic_gather %parallel_loop3A_386[%parallel_loop3A_392] in [0] : vector<16xf32>, vector<16xi32> -> vector<16xf32>
          %parallel_loop3A_394 = arith.addf %parallel_loop3A_386, %parallel_loop3A_393 : vector<16xf32>
          %parallel_loop3A_395 = arith.select %eq3A_15, %parallel_loop3A_390, %parallel_loop3A_394 : vector<16xi1>, vector<16xf32>
          %parallel_loop3A_396 = arith.constant 5 : i32
          %parallel_loop3A_397 = arith.addi %parallel_loop3A_263, %parallel_loop3A_396 : i32
          %parallel_loop3A_398 = arith.index_cast %parallel_loop3A_397 : i32 to index
          %parallel_loop3A_399 = arith.constant 0 : index
          %parallel_loop3A_400 = tpu.vector_load %arg16[%parallel_loop3A_398, %parallel_loop3A_399] {strides = array<i32>} : memref<128x16xf32, #tpu.memory_space<vmem>>, vector<1x16xf32>,
          %parallel_loop3A_401 = vector.shape_cast %parallel_loop3A_400 : vector<1x16xf32> to vector<16xf32>
          %parallel_loop3A_402 = arith.constant 13 : i32
          %parallel_loop3A_403 = arith.addi %parallel_loop3A_263, %parallel_loop3A_402 : i32
          %parallel_loop3A_404 = arith.index_cast %parallel_loop3A_403 : i32 to index
          %parallel_loop3A_405 = arith.constant 0 : index
          %parallel_loop3A_406 = tpu.vector_load %arg16[%parallel_loop3A_404, %parallel_loop3A_405] {strides = array<i32>} : memref<128x16xf32, #tpu.memory_space<vmem>>, vector<1x16xf32>,
          %parallel_loop3A_407 = vector.shape_cast %parallel_loop3A_406 : vector<1x16xf32> to vector<16xf32>
          %parallel_loop3A_408 = vector.shape_cast %xor3A_2 : vector<16xi32> to vector<16x1xi32>
          %parallel_loop3A_409 = vector.shape_cast %parallel_loop3A_408 : vector<16x1xi32> to vector<16xi32>
          %parallel_loop3A_410 = tpu.dynamic_gather %parallel_loop3A_401[%parallel_loop3A_409] in [0] : vector<16xf32>, vector<16xi32> -> vector<16xf32>
          %parallel_loop3A_411 = arith.addf %parallel_loop3A_401, %parallel_loop3A_410 : vector<16xf32>
          %parallel_loop3A_412 = vector.shape_cast %xor3A_2 : vector<16xi32> to vector<16x1xi32>
          %parallel_loop3A_413 = vector.shape_cast %parallel_loop3A_412 : vector<16x1xi32> to vector<16xi32>
          %parallel_loop3A_414 = tpu.dynamic_gather %parallel_loop3A_407[%parallel_loop3A_413] in [0] : vector<16xf32>, vector<16xi32> -> vector<16xf32>
          %parallel_loop3A_415 = arith.addf %parallel_loop3A_407, %parallel_loop3A_414 : vector<16xf32>
          %parallel_loop3A_416 = arith.select %eq3A_15, %parallel_loop3A_411, %parallel_loop3A_415 : vector<16xi1>, vector<16xf32>
          %parallel_loop3A_417 = vector.shape_cast %xor3A_5 : vector<16xi32> to vector<16x1xi32>
          %parallel_loop3A_418 = vector.shape_cast %parallel_loop3A_417 : vector<16x1xi32> to vector<16xi32>
          %parallel_loop3A_419 = tpu.dynamic_gather %parallel_loop3A_395[%parallel_loop3A_418] in [0] : vector<16xf32>, vector<16xi32> -> vector<16xf32>
          %parallel_loop3A_420 = arith.addf %parallel_loop3A_395, %parallel_loop3A_419 : vector<16xf32>
          %parallel_loop3A_421 = vector.shape_cast %xor3A_5 : vector<16xi32> to vector<16x1xi32>
          %parallel_loop3A_422 = vector.shape_cast %parallel_loop3A_421 : vector<16x1xi32> to vector<16xi32>
          %parallel_loop3A_423 = tpu.dynamic_gather %parallel_loop3A_416[%parallel_loop3A_422] in [0] : vector<16xf32>, vector<16xi32> -> vector<16xf32>
          %parallel_loop3A_424 = arith.addf %parallel_loop3A_416, %parallel_loop3A_423 : vector<16xf32>
          %parallel_loop3A_425 = arith.select %eq3A_21, %parallel_loop3A_420, %parallel_loop3A_424 : vector<16xi1>, vector<16xf32>
          %parallel_loop3A_426 = arith.constant 3 : i32
          %parallel_loop3A_427 = arith.addi %parallel_loop3A_263, %parallel_loop3A_426 : i32
          %parallel_loop3A_428 = arith.index_cast %parallel_loop3A_427 : i32 to index
          %parallel_loop3A_429 = arith.constant 0 : index
          %parallel_loop3A_430 = tpu.vector_load %arg16[%parallel_loop3A_428, %parallel_loop3A_429] {strides = array<i32>} : memref<128x16xf32, #tpu.memory_space<vmem>>, vector<1x16xf32>,
          %parallel_loop3A_431 = vector.shape_cast %parallel_loop3A_430 : vector<1x16xf32> to vector<16xf32>
          %parallel_loop3A_432 = arith.constant 11 : i32
          %parallel_loop3A_433 = arith.addi %parallel_loop3A_263, %parallel_loop3A_432 : i32
          %parallel_loop3A_434 = arith.index_cast %parallel_loop3A_433 : i32 to index
          %parallel_loop3A_435 = arith.constant 0 : index
          %parallel_loop3A_436 = tpu.vector_load %arg16[%parallel_loop3A_434, %parallel_loop3A_435] {strides = array<i32>} : memref<128x16xf32, #tpu.memory_space<vmem>>, vector<1x16xf32>,
          %parallel_loop3A_437 = vector.shape_cast %parallel_loop3A_436 : vector<1x16xf32> to vector<16xf32>
          %parallel_loop3A_438 = vector.shape_cast %xor3A_2 : vector<16xi32> to vector<16x1xi32>
          %parallel_loop3A_439 = vector.shape_cast %parallel_loop3A_438 : vector<16x1xi32> to vector<16xi32>
          %parallel_loop3A_440 = tpu.dynamic_gather %parallel_loop3A_431[%parallel_loop3A_439] in [0] : vector<16xf32>, vector<16xi32> -> vector<16xf32>
          %parallel_loop3A_441 = arith.addf %parallel_loop3A_431, %parallel_loop3A_440 : vector<16xf32>
          %parallel_loop3A_442 = vector.shape_cast %xor3A_2 : vector<16xi32> to vector<16x1xi32>
          %parallel_loop3A_443 = vector.shape_cast %parallel_loop3A_442 : vector<16x1xi32> to vector<16xi32>
          %parallel_loop3A_444 = tpu.dynamic_gather %parallel_loop3A_437[%parallel_loop3A_443] in [0] : vector<16xf32>, vector<16xi32> -> vector<16xf32>
          %parallel_loop3A_445 = arith.addf %parallel_loop3A_437, %parallel_loop3A_444 : vector<16xf32>
          %parallel_loop3A_446 = arith.select %eq3A_15, %parallel_loop3A_441, %parallel_loop3A_445 : vector<16xi1>, vector<16xf32>
          %parallel_loop3A_447 = arith.constant 7 : i32
          %parallel_loop3A_448 = arith.addi %parallel_loop3A_263, %parallel_loop3A_447 : i32
          %parallel_loop3A_449 = arith.index_cast %parallel_loop3A_448 : i32 to index
          %parallel_loop3A_450 = arith.constant 0 : index
          %parallel_loop3A_451 = tpu.vector_load %arg16[%parallel_loop3A_449, %parallel_loop3A_450] {strides = array<i32>} : memref<128x16xf32, #tpu.memory_space<vmem>>, vector<1x16xf32>,
          %parallel_loop3A_452 = vector.shape_cast %parallel_loop3A_451 : vector<1x16xf32> to vector<16xf32>
          %parallel_loop3A_453 = arith.constant 15 : i32
          %parallel_loop3A_454 = arith.addi %parallel_loop3A_263, %parallel_loop3A_453 : i32
          %parallel_loop3A_455 = arith.index_cast %parallel_loop3A_454 : i32 to index
          %parallel_loop3A_456 = arith.constant 0 : index
          %parallel_loop3A_457 = tpu.vector_load %arg16[%parallel_loop3A_455, %parallel_loop3A_456] {strides = array<i32>} : memref<128x16xf32, #tpu.memory_space<vmem>>, vector<1x16xf32>,
          %parallel_loop3A_458 = vector.shape_cast %parallel_loop3A_457 : vector<1x16xf32> to vector<16xf32>
          %parallel_loop3A_459 = vector.shape_cast %xor3A_2 : vector<16xi32> to vector<16x1xi32>
          %parallel_loop3A_460 = vector.shape_cast %parallel_loop3A_459 : vector<16x1xi32> to vector<16xi32>
          %parallel_loop3A_461 = tpu.dynamic_gather %parallel_loop3A_452[%parallel_loop3A_460] in [0] : vector<16xf32>, vector<16xi32> -> vector<16xf32>
          %parallel_loop3A_462 = arith.addf %parallel_loop3A_452, %parallel_loop3A_461 : vector<16xf32>
          %parallel_loop3A_463 = vector.shape_cast %xor3A_2 : vector<16xi32> to vector<16x1xi32>
          %parallel_loop3A_464 = vector.shape_cast %parallel_loop3A_463 : vector<16x1xi32> to vector<16xi32>
          %parallel_loop3A_465 = tpu.dynamic_gather %parallel_loop3A_458[%parallel_loop3A_464] in [0] : vector<16xf32>, vector<16xi32> -> vector<16xf32>
          %parallel_loop3A_466 = arith.addf %parallel_loop3A_458, %parallel_loop3A_465 : vector<16xf32>
          %parallel_loop3A_467 = arith.select %eq3A_15, %parallel_loop3A_462, %parallel_loop3A_466 : vector<16xi1>, vector<16xf32>
          %parallel_loop3A_468 = vector.shape_cast %xor3A_5 : vector<16xi32> to vector<16x1xi32>
          %parallel_loop3A_469 = vector.shape_cast %parallel_loop3A_468 : vector<16x1xi32> to vector<16xi32>
          %parallel_loop3A_470 = tpu.dynamic_gather %parallel_loop3A_446[%parallel_loop3A_469] in [0] : vector<16xf32>, vector<16xi32> -> vector<16xf32>
          %parallel_loop3A_471 = arith.addf %parallel_loop3A_446, %parallel_loop3A_470 : vector<16xf32>
          %parallel_loop3A_472 = vector.shape_cast %xor3A_5 : vector<16xi32> to vector<16x1xi32>
          %parallel_loop3A_473 = vector.shape_cast %parallel_loop3A_472 : vector<16x1xi32> to vector<16xi32>
          %parallel_loop3A_474 = tpu.dynamic_gather %parallel_loop3A_467[%parallel_loop3A_473] in [0] : vector<16xf32>, vector<16xi32> -> vector<16xf32>
          %parallel_loop3A_475 = arith.addf %parallel_loop3A_467, %parallel_loop3A_474 : vector<16xf32>
          %parallel_loop3A_476 = arith.select %eq3A_21, %parallel_loop3A_471, %parallel_loop3A_475 : vector<16xi1>, vector<16xf32>
          %parallel_loop3A_477 = vector.shape_cast %xor3A_8 : vector<16xi32> to vector<16x1xi32>
          %parallel_loop3A_478 = vector.shape_cast %parallel_loop3A_477 : vector<16x1xi32> to vector<16xi32>
          %parallel_loop3A_479 = tpu.dynamic_gather %parallel_loop3A_425[%parallel_loop3A_478] in [0] : vector<16xf32>, vector<16xi32> -> vector<16xf32>
          %parallel_loop3A_480 = arith.addf %parallel_loop3A_425, %parallel_loop3A_479 : vector<16xf32>
          %parallel_loop3A_481 = vector.shape_cast %xor3A_8 : vector<16xi32> to vector<16x1xi32>
          %parallel_loop3A_482 = vector.shape_cast %parallel_loop3A_481 : vector<16x1xi32> to vector<16xi32>
          %parallel_loop3A_483 = tpu.dynamic_gather %parallel_loop3A_476[%parallel_loop3A_482] in [0] : vector<16xf32>, vector<16xi32> -> vector<16xf32>
          %parallel_loop3A_484 = arith.addf %parallel_loop3A_476, %parallel_loop3A_483 : vector<16xf32>
          %parallel_loop3A_485 = arith.select %eq3A_27, %parallel_loop3A_480, %parallel_loop3A_484 : vector<16xi1>, vector<16xf32>
          %parallel_loop3A_486 = vector.shape_cast %xor3A_11 : vector<16xi32> to vector<16x1xi32>
          %parallel_loop3A_487 = vector.shape_cast %parallel_loop3A_486 : vector<16x1xi32> to vector<16xi32>
          %parallel_loop3A_488 = tpu.dynamic_gather %parallel_loop3A_374[%parallel_loop3A_487] in [0] : vector<16xf32>, vector<16xi32> -> vector<16xf32>
          %parallel_loop3A_489 = arith.addf %parallel_loop3A_374, %parallel_loop3A_488 : vector<16xf32>
          %parallel_loop3A_490 = vector.shape_cast %xor3A_11 : vector<16xi32> to vector<16x1xi32>
          %parallel_loop3A_491 = vector.shape_cast %parallel_loop3A_490 : vector<16x1xi32> to vector<16xi32>
          %parallel_loop3A_492 = tpu.dynamic_gather %parallel_loop3A_485[%parallel_loop3A_491] in [0] : vector<16xf32>, vector<16xi32> -> vector<16xf32>
          %parallel_loop3A_493 = arith.addf %parallel_loop3A_485, %parallel_loop3A_492 : vector<16xf32>
          %parallel_loop3A_494 = arith.select %eq3A_33, %parallel_loop3A_489, %parallel_loop3A_493 : vector<16xi1>, vector<16xf32>
          %parallel_loop3A_495 = arith.index_cast %parallel_loop3A_263 : i32 to index
          %parallel_loop3A_496 = tpu.vector_load %arg15[%parallel_loop3A_495] {strides = array<i32>} : memref<128xf32, #tpu.memory_space<vmem>>, vector<16xf32>,
          %parallel_loop3A_497 = vector.shape_cast %parallel_loop3A_496 : vector<16xf32> to vector<16xf32>
          %parallel_loop3A_498 = vector.shape_cast %parallel_loop3A_494 : vector<16xf32> to vector<16xf32>
          tpu.vector_store %arg15[%parallel_loop3A_495], %parallel_loop3A_498 {strides = array<i32>} : memref<128xf32, #tpu.memory_space<vmem>>, vector<16xf32>,
        } {sc.loop_unroll_factor = 1 : i64, sc.parallel_access}
        %mul3A_257 = arith.constant 32 : i32
        %mul3A_258 = arith.muli %add3A_206, %mul3A_257 : i32
        %add3A_259 = arith.addi %add3A, %mul3A_258 : i32
        %mul3A_260 = arith.constant 128 : i32
        %mul3A_261 = arith.muli %add3A_259, %mul3A_260 : i32
        %dma_start3A = tpu.memref_slice %arg5[%mul3A_261] : memref<320000xf32, #tpu.memory_space<hbm>> -> memref<128xf32, #tpu.memory_space<hbm>>
        %dma_start3A_262 = tpu.memref_slice %arg5[%mul3A_261] : memref<320000xf32, #tpu.memory_space<hbm>> -> memref<128xf32, #tpu.memory_space<hbm>>
        tpu.enqueue_dma source(%arg15 : memref<128xf32, #tpu.memory_space<vmem>>) target(%dma_start3A_262 : memref<128xf32, #tpu.memory_space<hbm>>) target_semaphore(%arg24 : memref<!tpu.dma_semaphore, #tpu.memory_space<semaphore_mem>>)
      } else {
      }
    }
    %scan3A_56 = arith.constant 20 : i32
    %add3A_57 = arith.constant 2432 : i32
    %add3A_58 = arith.addi %add3A, %add3A_57 : i32
    %lt3A_59 = arith.constant 2500 : i32
    %lt3A_60 = arith.cmpi slt, %add3A_58, %lt3A_59 : i32
    %add3A_61 = arith.constant 2496 : i32
    %add3A_62 = arith.addi %add3A, %add3A_61 : i32
    %lt3A_63 = arith.constant 2500 : i32
    %lt3A_64 = arith.cmpi slt, %add3A_62, %lt3A_63 : i32
    %not3A = arith.constant true
    %not3A_65 = arith.xori %lt3A_64, %not3A : i1
    %and3A_66 = arith.andi %lt3A_60, %not3A_65 : i1
    %convert_element_type3A_67 = arith.extui %and3A_66 : i1 to i32
    %cond3A_68 = arith.constant 0 : i32
    %cond3A_69 = arith.cmpi ne, %convert_element_type3A_67, %cond3A_68 : i32
    scf.if %cond3A_69 {
      %add3A_112 = arith.constant 2432 : i32
      %add3A_113 = arith.addi %add3A, %add3A_112 : i32
      %mul3A_114 = arith.constant 128 : i32
      %mul3A_115 = arith.muli %add3A_113, %mul3A_114 : i32
      %dma_wait3A = tpu.memref_slice %arg5[%mul3A_115] : memref<320000xf32, #tpu.memory_space<hbm>> -> memref<128xf32, #tpu.memory_space<hbm>>
      %dma_wait3A_116 = tpu.memref_slice %arg5[%mul3A_115] : memref<320000xf32, #tpu.memory_space<hbm>> -> memref<128xf32, #tpu.memory_space<hbm>>
      tpu.wait_dma2 semaphore(%arg23 : memref<!tpu.dma_semaphore, #tpu.memory_space<semaphore_mem>>) src(%arg14 : memref<128xf32, #tpu.memory_space<vmem>>) dst(%dma_wait3A_116 : memref<128xf32, #tpu.memory_space<hbm>>)
    } else {
    }
    %add3A_70 = arith.constant 2464 : i32
    %add3A_71 = arith.addi %add3A, %add3A_70 : i32
    %lt3A_72 = arith.constant 2500 : i32
    %lt3A_73 = arith.cmpi slt, %add3A_71, %lt3A_72 : i32
    %add3A_74 = arith.constant 2528 : i32
    %add3A_75 = arith.addi %add3A, %add3A_74 : i32
    %lt3A_76 = arith.constant 2500 : i32
    %lt3A_77 = arith.cmpi slt, %add3A_75, %lt3A_76 : i32
    %not3A_78 = arith.constant true
    %not3A_79 = arith.xori %lt3A_77, %not3A_78 : i1
    %and3A_80 = arith.andi %lt3A_73, %not3A_79 : i1
    %convert_element_type3A_81 = arith.extui %and3A_80 : i1 to i32
    %cond3A_82 = arith.constant 0 : i32
    %cond3A_83 = arith.cmpi ne, %convert_element_type3A_81, %cond3A_82 : i32
    scf.if %cond3A_83 {
      %add3A_112 = arith.constant 2464 : i32
      %add3A_113 = arith.addi %add3A, %add3A_112 : i32
      %mul3A_114 = arith.constant 128 : i32
      %mul3A_115 = arith.muli %add3A_113, %mul3A_114 : i32
      %dma_wait3A = tpu.memref_slice %arg5[%mul3A_115] : memref<320000xf32, #tpu.memory_space<hbm>> -> memref<128xf32, #tpu.memory_space<hbm>>
      %dma_wait3A_116 = tpu.memref_slice %arg5[%mul3A_115] : memref<320000xf32, #tpu.memory_space<hbm>> -> memref<128xf32, #tpu.memory_space<hbm>>
      tpu.wait_dma2 semaphore(%arg24 : memref<!tpu.dma_semaphore, #tpu.memory_space<semaphore_mem>>) src(%arg15 : memref<128xf32, #tpu.memory_space<vmem>>) dst(%dma_wait3A_116 : memref<128xf32, #tpu.memory_space<hbm>>)
    } else {
    }
    %add3A_84 = arith.constant 2496 : i32
    %add3A_85 = arith.addi %add3A, %add3A_84 : i32
    %lt3A_86 = arith.constant 2500 : i32
    %lt3A_87 = arith.cmpi slt, %add3A_85, %lt3A_86 : i32
    %add3A_88 = arith.constant 2560 : i32
    %add3A_89 = arith.addi %add3A, %add3A_88 : i32
    %lt3A_90 = arith.constant 2500 : i32
    %lt3A_91 = arith.cmpi slt, %add3A_89, %lt3A_90 : i32
    %not3A_92 = arith.constant true
    %not3A_93 = arith.xori %lt3A_91, %not3A_92 : i1
    %and3A_94 = arith.andi %lt3A_87, %not3A_93 : i1
    %convert_element_type3A_95 = arith.extui %and3A_94 : i1 to i32
    %cond3A_96 = arith.constant 0 : i32
    %cond3A_97 = arith.cmpi ne, %convert_element_type3A_95, %cond3A_96 : i32
    scf.if %cond3A_97 {
      %add3A_112 = arith.constant 2496 : i32
      %add3A_113 = arith.addi %add3A, %add3A_112 : i32
      %mul3A_114 = arith.constant 128 : i32
      %mul3A_115 = arith.muli %add3A_113, %mul3A_114 : i32
      %dma_wait3A = tpu.memref_slice %arg5[%mul3A_115] : memref<320000xf32, #tpu.memory_space<hbm>> -> memref<128xf32, #tpu.memory_space<hbm>>
      %dma_wait3A_116 = tpu.memref_slice %arg5[%mul3A_115] : memref<320000xf32, #tpu.memory_space<hbm>> -> memref<128xf32, #tpu.memory_space<hbm>>
      tpu.wait_dma2 semaphore(%arg23 : memref<!tpu.dma_semaphore, #tpu.memory_space<semaphore_mem>>) src(%arg14 : memref<128xf32, #tpu.memory_space<vmem>>) dst(%dma_wait3A_116 : memref<128xf32, #tpu.memory_space<hbm>>)
    } else {
    }
    %add3A_98 = arith.constant 2528 : i32
    %add3A_99 = arith.addi %add3A, %add3A_98 : i32
    %lt3A_100 = arith.constant 2500 : i32
    %lt3A_101 = arith.cmpi slt, %add3A_99, %lt3A_100 : i32
    %add3A_102 = arith.constant 2592 : i32
    %add3A_103 = arith.addi %add3A, %add3A_102 : i32
    %lt3A_104 = arith.constant 2500 : i32
    %lt3A_105 = arith.cmpi slt, %add3A_103, %lt3A_104 : i32
    %not3A_106 = arith.constant true
    %not3A_107 = arith.xori %lt3A_105, %not3A_106 : i1
    %and3A_108 = arith.andi %lt3A_101, %not3A_107 : i1
    %convert_element_type3A_109 = arith.extui %and3A_108 : i1 to i32
    %cond3A_110 = arith.constant 0 : i32
    %cond3A_111 = arith.cmpi ne, %convert_element_type3A_109, %cond3A_110 : i32
    scf.if %cond3A_111 {
      %add3A_112 = arith.constant 2528 : i32
      %add3A_113 = arith.addi %add3A, %add3A_112 : i32
      %mul3A_114 = arith.constant 128 : i32
      %mul3A_115 = arith.muli %add3A_113, %mul3A_114 : i32
      %dma_wait3A = tpu.memref_slice %arg5[%mul3A_115] : memref<320000xf32, #tpu.memory_space<hbm>> -> memref<128xf32, #tpu.memory_space<hbm>>
      %dma_wait3A_116 = tpu.memref_slice %arg5[%mul3A_115] : memref<320000xf32, #tpu.memory_space<hbm>> -> memref<128xf32, #tpu.memory_space<hbm>>
      tpu.wait_dma2 semaphore(%arg24 : memref<!tpu.dma_semaphore, #tpu.memory_space<semaphore_mem>>) src(%arg15 : memref<128xf32, #tpu.memory_space<vmem>>) dst(%dma_wait3A_116 : memref<128xf32, #tpu.memory_space<hbm>>)
    } else {
    }
    return
  }
}

</mosaic_0001>

<sc_bundles>
// kernel: kernel.3.cloned.1.call-start
scs
__scs_entry_jumppad:
0x0: {  	(pc) =	sbr.rel $0x88, $3  }
0x1: {  	(tag) =	ssettag $0x0;
	lr =	simm.s32 $0x1  }
0x2: {  	[smem:$0x3F9E] =	sst lr;
	_ =	strace $0xD0000000  }
0x3: {  	_ = 	snop  }
0x4: {  	_ = 	snop  }
0x5: {  	_ = 	snop  }
0x6: {  	_ = 	snop  }
0x7: {  	_ = 	snop  }
__scs_overlays_trampoline_lowered:
0x8: {  	[smem:$0x3FAD] =	sst s0  }
0x9: {  	[smem:$0x3FAE] =	sst s1  }
0xa: {  	[smem:$0x3FAF] =	sst s2  }
0xb: {  	[smem:$0x3FB0] =	sst s3  }
0xc: {  	[smem:$0x3FB1] =	sst s4  }
0xd: {  	[smem:$0x3FB2] =	sst s5  }
0xe: {  	[smem:$0x3FB3] =	sst s6  }
0xf: {  	[smem:$0x3FB4] =	sst s7  }
0x10: {  	[smem:$0x3FB5] =	sst s8  }
0x11: {  	[smem:$0x3FB6] =	sst s9;
	s0 =	simm.s32 @!p0 $0x0  }
0x12: {  	s1 =	sld [smem:$0x3F9C];
	s0 =	simm.s32 @p0 $0x1  }
0x13: {  	[smem:$0x3FB7] =	sst s0;
	s0 =	simm.s32 @!p1 $0x0  }
0x14: {  	s2 =	sld [smem:$0x3F9B];
	s0 =	simm.s32 @p1 $0x1  }
0x15: {  	[smem:$0x3FB8] =	sst s0;
	s0 =	simm.s32 @!p2 $0x0  }
0x16: {  	s3 =	sld [smem:$0x3FDB];
	s0 =	simm.s32 @p2 $0x1  }
0x17: {  	s4 =	simm.s32 $0x1BF5;
	[smem:$0x3FBA] =	sst s0  }
0x18: {  	s0 =	sld [smem:$0x3F9D];
	_ =	swait.ge [sflag:s4], $0x0  }
0x19: {  	s7 =	sld [smem:$0x3F9E]  }
0x1a: {  	s8 =	sadd.s32 $0xFFFFE003, lr  }
0x1b: {  	s9 =	sadd.s32 $0xFFFFFEF7, lr;
	s5 =	simm.s32 $0xFFFFFFFF;
	p2 =	slt.u32 s8, $0xFFFFF086  }
0x1c: {  	p1 =	slt.u32 s9, $0xF7A;
	s5 =	simm.s32 @!p2 $0x0  }
0x1d: {  	s5 =	simm.s32 @p1 $0x1;
	p0 =	seq.s32 s7, s2  }
0x1e: {  	s7 =	smul.u32 @!p0 $0xF7A, s2;
	p2 =	seq.s32 @!p0 s5, $0x0  }
0x1f: {  	s9 =	smul.u32 $0xF7A, s1;
	s8 =	simm.s32 @!p0 $0x1BF5;
	p2 =	por !p2, p0  }
0x20: {  	[sflag:s8] =	ssyncset.s32 @!p0 $0xFFFFF086;
	s6 =	sadd.s32 @!p0 s3, s7;
	s7 =	simm.s32 @!p0 $0x108  }
0x21: {  	s3 =	sadd.s32 s3, s9;
	s6 =	sadd.s32 @!p0 $0x88, s6;
	s7 =	simm.s32 @p2 $0x1082  }
0x22: {  	[simem:s7], [sflag:s8] =	dma.local @!p0 [hbm:s6], $0xF7A  }
0x23: {  	s9 =	sor.u32 $0xD0000000, s2;
	s6 =	simm.s32 $0x108;
	_ =	swait.ge @!p0 [sflag:s8], $0x0  }
0x24: {  	s3 =	sadd.s32 $0x88, s3;
	s6 =	simm.s32 @!p1 $0x1082;
	[sflag:s4] =	ssyncset.s32 $0xFFFFF086  }
0x25: {  	[simem:s6], [sflag:s4] =	dma.local [hbm:s3], $0xF7A  }
0x26: {  	[smem:$0x3F9E] =	sst s1;
	(tag) =	ssettag s2;
	_ =	strace s9  }
0x27: {  	s1 =	sld [smem:$0x3FAE]  }
0x28: {  	s2 =	sld [smem:$0x3FAF]  }
0x29: {  	s4 =	sld [smem:$0x3FB1]  }
0x2a: {  	p0 =	seq.s32 s5, $0x0;
	s5 =	sld [smem:$0x3FB2]  }
0x2b: {  	s6 =	sld [smem:$0x3FB3]  }
0x2c: {  	s7 =	sld [smem:$0x3FB4]  }
0x2d: {  	s3 =	simm.s32 $0x108;
	s8 =	sld [smem:$0x3FB5]  }
0x2e: {  	s3 =	simm.s32 @!p0 $0x1082;
	s9 =	sld [smem:$0x3FB6]  }
0x2f: {  	lr =	sadd.s32 s0, s3;
	s0 =	sld [smem:$0x3FAD]  }
0x30: {  	s3 =	sld [smem:$0x3FB0]  }
0x31: {  	[smem:$0x3FB9] =	sst s10  }
0x32: {  	s10 =	sld [smem:$0x3FB7];
	_ =	sdelay $0x3  }
0x33: {  	p0 =	seq.s32 s10, $0x1;
	s10 =	sld [smem:$0x3FB9];
	_ =	sdelay $0x3  }
0x34: {  	[smem:$0x3FB9] =	sst s10  }
0x35: {  	s10 =	sld [smem:$0x3FB8];
	_ =	sdelay $0x3  }
0x36: {  	p1 =	seq.s32 s10, $0x1;
	s10 =	sld [smem:$0x3FB9];
	_ =	sdelay $0x3  }
0x37: {  	[smem:$0x3FB9] =	sst s10  }
0x38: {  	s10 =	sld [smem:$0x3FBA]  }
0x39: {  	_ = 	snop;
	(pc) =	sbr.ind lr, $3  }
0x3a: {  	_ = 	snop  }
0x3b: {  	_ = 	snop  }
0x3c: {  	p2 =	seq.s32 s10, $0x1;
	s10 =	sld [smem:$0x3FB9]  }
0x3d: {  	_ =	shalt  }
0x3e: {  	_ =	shalt  }
0x3f: {  	_ =	shalt  }
0x40: {  	_ =	shalt  }
0x41: {  	_ =	shalt  }
0x42: {  	_ =	shalt  }
0x43: {  	_ =	shalt  }
0x44: {  	_ =	shalt  }
0x45: {  	_ =	shalt  }
0x46: {  	_ =	shalt  }
0x47: {  	_ =	shalt  }
0x48: {  	_ =	shalt  }
0x49: {  	_ =	shalt  }
0x4a: {  	_ =	shalt  }
0x4b: {  	_ =	shalt  }
0x4c: {  	_ =	shalt  }
0x4d: {  	_ =	shalt  }
0x4e: {  	_ =	shalt  }
0x4f: {  	_ =	shalt  }
0x50: {  	_ =	shalt  }
0x51: {  	_ =	shalt  }
0x52: {  	_ =	shalt  }
0x53: {  	_ =	shalt  }
0x54: {  	_ =	shalt  }
0x55: {  	_ =	shalt  }
0x56: {  	_ =	shalt  }
0x57: {  	_ =	shalt  }
0x58: {  	_ =	shalt  }
0x59: {  	_ =	shalt  }
0x5a: {  	_ =	shalt  }
0x5b: {  	_ =	shalt  }
0x5c: {  	_ =	shalt  }
0x5d: {  	_ =	shalt  }
0x5e: {  	_ =	shalt  }
0x5f: {  	_ =	shalt  }
0x60: {  	_ =	shalt  }
0x61: {  	_ =	shalt  }
0x62: {  	_ =	shalt  }
0x63: {  	_ =	shalt  }
0x64: {  	_ =	shalt  }
0x65: {  	_ =	shalt  }
0x66: {  	_ =	shalt  }
0x67: {  	_ =	shalt  }
0x68: {  	_ =	shalt  }
0x69: {  	_ =	shalt  }
0x6a: {  	_ =	shalt  }
0x6b: {  	_ =	shalt  }
0x6c: {  	_ =	shalt  }
0x6d: {  	_ =	shalt  }
0x6e: {  	_ =	shalt  }
0x6f: {  	_ =	shalt  }
0x70: {  	_ =	shalt  }
0x71: {  	_ =	shalt  }
0x72: {  	_ =	shalt  }
0x73: {  	_ =	shalt  }
0x74: {  	_ =	shalt  }
0x75: {  	_ =	shalt  }
0x76: {  	_ =	shalt  }
0x77: {  	_ =	shalt  }
0x78: {  	_ =	shalt  }
0x79: {  	_ =	shalt  }
0x7a: {  	_ =	shalt  }
0x7b: {  	_ =	shalt  }
0x7c: {  	_ =	shalt  }
0x7d: {  	_ =	shalt  }
0x7e: {  	_ =	shalt  }
0x7f: {  	_ =	shalt  }
0x80: {  	_ =	shalt  }
0x81: {  	_ =	shalt  }
0x82: {  	_ =	shalt  }
0x83: {  	_ =	shalt  }
0x84: {  	_ =	shalt  }
0x85: {  	_ =	shalt  }
0x86: {  	_ =	shalt  }
0x87: {  	_ =	shalt  }
.Lfunc_end0:
.L_simem_size_0:
called_computation_lowered:
.L_overlay_start_0:
0x88: {  	s2 =	sld [smem:$0x3FD9]  }
0x89: {  	s3 =	sld [smem:$0x3FFE];
	_ =	sdelay $0x1  }
0x8a: {  	s1 =	srdreg.scid  }
0x8b: {  	s0 =	sand.u32 $0x1, s1  }
0x8c: {  	s18 =	sshll.u32 s0, $0xA;
	s2 =	sadd.s32 s3, s2  }
0x8d: {  	s2 =	sadd.s32 s2, s18  }
0x8e: {  	[smem:$0x3FC5] =	sst s2  }
0x8f: {  	_ = 	snop  }
0x90: {  	s2 =	sld [smem:$0x3FC9]  }
0x91: {  	s19 =	sld [smem:$0x3FC8]  }
0x92: {  	s4 =	sld [smem:$0x3FC7]  }
0x93: {  	s5 =	sld [smem:$0x3FD0];
	(tm) =	ssettm $0x1  }
0x94: {  	s6 =	sld [smem:$0x3FFB];
	_ =	sdelay $0x3  }
0x95: {  	_ =	strace s6  }
0x96: {  	s6 =	sld [smem:$0x3FFC];
	_ =	sdelay $0x3  }
0x97: {  	_ =	strace s6  }
0x98: {  	s6 =	sld [smem:$0x3FFD];
	_ =	sdelay $0x3  }
0x99: {  	_ =	strace s6  }
0x9a: {  	_ =	strace $0x8FFFFFFF  }
0x9b: {  	s20 =	sld [smem:$0x3FDB];
	_ =	sdelay $0x1  }
0x9c: {  	s7 =	simm.s32 $_scs_section_size  }
0x9d: {  	s8 =	simm.s32 $_size__tile_overlayer_lowered;
	s9 =	simm.s32 $_tile_overlayer_lowered  }
0x9e: {  	s23 =	simm.s32 $0x1BFF;
	s22 =	sshll.u32 s9, $0x1;
	s6 =	sadd.s32 s7, s20  }
0x9f: {  	s10 =	simm.s32 $0x0;
	s21 =	sshll.u32 s8, $0x1;
	s8 =	sadd.s32 s22, s6  }
0xa0: {  	[timem:s10], [sflag:s23] =	dma.local [hbm:s8], s21  }
0xa1: {  	_ =	swait.ge [sflag:s23], s21  }
0xa2: {  	s7 =	ssub.s32 $0x0, s21;
	[sflag:s23] =	ssyncset.done $0x0  }
0xa3: {  	[sflag:s23] =	ssyncadd.s32 s7;
	_ =	sdelay $0x1  }
0xa4: {  	s24 =	simm.s32 $0x1B8B  }
0xa5: {  	_ =	swait.ge [sflag:s24], $0x1  }
0xa6: {  	[sflag:s24] =	ssyncset.done $0x0  }
0xa7: {  	s25 =	simm.s32 $0x1B8E;
	[sflag:s24] =	ssyncadd.s32 $0xFFFFFFFF  }
0xa8: {  	s26 =	simm.s32 $execute0_lowered;
	[smem:$0x3FD2] =	sst s25  }
0xa9: {  	s7 =	sshll.u32 s26, $0x1;
	_ =	strace $0x80000046;
	[dreg:$0x1] =	wrdreg $0xFFFFFFFF  }
0xaa: {  	s28 =	simm.s32 $_size_execute0_lowered;
	s6 =	sadd.s32 s6, s7;
	[dreg:$0x0] =	wrdreg $0x0  }
0xab: {  	s7 =	sshll.u32 s28, $0x1;
	[dreg:$0x2] =	wrdreg s6  }
0xac: {  	[dreg:$0x3] =	wrdreg s7  }
0xad: {  	[dreg:$0x4] =	wrdreg $0xC0  }
0xae: {  	_ =	task [dreg:s10], $0x5FFFF  }
0xaf: {  	[dreg:$0x1] =	wrdreg $0xFFFFFFFF  }
0xb0: {  	[dreg:$0x0] =	wrdreg $0x60  }
0xb1: {  	[dreg:$0x2] =	wrdreg s2  }
0xb2: {  	[dreg:$0x3] =	wrdreg s19  }
0xb3: {  	[dreg:$0x4] =	wrdreg s4  }
0xb4: {  	[dreg:$0x5] =	wrdreg s5  }
0xb5: {  	[dreg:$0x6] =	wrdreg $0x9  }
0xb6: {  	_ =	task.clear_ibuf [dreg:s10], $0x7FFFF;
	_ =	strace $0x90000046  }
0xb7: {  	s29 =	simm.s32 $0x9;
	_ =	strace $0x80000048  }
0xb8: {  	_ =	swait.ge [sflag:s29], $0x1  }
0xb9: {  	[sflag:s29] =	ssyncadd.s32 $0xFFFFFFFF  }
0xba: {  	_ =	strace $0x90000048  }
0xbb: {  	_ =	sfence  }
0xbc: {  	s30 =	sld [smem:$0x0];
	_ =	sdelay $0x2  }
0xbd: {  	s31 =	sshll.u32 s1, $0xD;
	s1 =	sshrl.u32 s1, $0x2  }
0xbe: {  	s3 =	sand.u32 $0x4000, s31;
	s1 =	sadd.s32 s1, s30  }
0xbf: {  	s0 =	sor.u32 s3, s0;
	s1 =	sshll.u32 s1, $0x11  }
0xc0: {  	s0 =	sor.u32 s1, s0  }
0xc1: {  	s0 =	sadd.s32 $0x8F2B, s0  }
0xc2: {  	[sflag:s0] =	ssyncadd.remote.s32 $0x1  }
0xc3: {  	_ =	sfence.sel $0xFFFF  }
0xc4: {  	[dreg:$0x0] =	wrdreg $0xFFFFFFFF;
	(pc) =	sbr.abs _section_cstart, $3  }
0xc5: {  	[dreg:$0x1] =	wrdreg $0xFFFFFFFF  }
0xc6: {  	_ =	task.clear_ibuf [dreg:s10], $0x2FFFF;
	_ =	strace $0x9FFFFFFF  }
0xc7: {  	(tm) =	ssettm $0x7FFFFFFF  }
tec
execute0_lowered:
.L_overlay_start_1:
0x0: {  	(tag) =	ssettag $0x1  }
0x1: {  	v0 =	vimm.s32 $0x76543210;
	v1 =	vimm.s32 $0xFEDCBA98;
	v2 =	vimm.s32 $0xBA98FEDC  }
0x2: {  	v3 =	vimm.s32 $0x32107654;
	v4 =	vimm.s32 $0xDCFE98BA;
	v5 =	vimm.s32 $0x54761032  }
0x3: {  	vm0 =	vcmask $0x2F20;
	vm1 =	vcmask $0xF00;
	vm2 =	vcmask $0x1710  }
0x4: {  	s0 =	rddreg [dreg:$0x0];
	vm3 =	vcmask $0x700;
	vm4 =	vcmask $0x300;
	v1 =	vunpack.c.l.s4.s8 v1  }
0x5: {  	s1 =	rddreg [dreg:$0x1];
	v0 =	vunpack.c.l.s4.s8 v0;
	v2 =	vunpack.c.l.s4.s8 v2;
	v3 =	vunpack.c.l.s4.s8 v3  }
0x6: {  	s2 =	rddreg [dreg:$0x2];
	s3 =	srdreg.scid;
	v4 =	vunpack.c.l.s4.s8 v4;
	vm0 =	vmor vm1, vm0;
	v1 =	vunpack.c.0.s8.s32 v1  }
0x7: {  	s9 =	stileid.u32;
	s5 =	rddreg [dreg:$0x3];
	v0 =	vunpack.c.0.s8.s32 v0;
	v2 =	vunpack.c.0.s8.s32 v2;
	v3 =	vunpack.c.0.s8.s32 v3  }
0x8: {  	s7 =	simm.s32 $0x0;
	s13 =	simm.s32 $0x7;
	s15 =	simm.s32 $0x8;
	vm1 =	vmor vm3, vm2;
	vm3 =	vcmask $0xB08;
	v1 =	vand.u32 $0xF, v1  }
0x9: {  	s17 =	simm.s32 $0x100;
	s19 =	simm.s32 $0x80;
	s22 =	simm.s32 $0x2;
	v0 =	vcombine.low v1, v0;
	v1 =	vcombine.low v3, v2;
	v2 =	vunpack.c.l.s4.s8 v5  }
0xa: {  	s23 =	simm.s32 $0x4400;
	s24 =	simm.s32 $0x180;
	s25 =	simm.s32 $0xC400;
	vm2 =	vcmask $0x2720;
	vm3 =	vmor vm4, vm3  }
0xb: {  	s26 =	simm.s32 $0x5;
	s3 =	sand.u32 $0x1, s3;
	s4 =	sshll.u32 s9, $0x1;
	vm4 =	vcmask $0x1310;
	v3 =	vunpack.c.0.s8.s32 v4;
	v2 =	vunpack.c.0.s8.s32 v2  }
0xc: {  	s28 =	simm.s32 $0x10400;
	s6 =	sor.u32 s3, s4;
	s3 =	ssub.s32 $0x2, s3;
	vm1 =	vmor vm1, vm2;
	vm2 =	vcmask $0x3730;
	vm3 =	vmor vm3, vm4  }
0xd: {  	s29 =	simm.s32 $0x6;
	[smem:$0x7FF] =	sst s7;
	s8 =	sshrl.u32 s3, $0x1;
	v4 =	vimm.s32 $0x67452301;
	v2 =	vcombine.low v2, v3;
	v3 =	vimm.s32 $0xEFCDAB89  }
0xe: {  	p0 =	sgt.u32 s9, $0x1;
	s4 =	sshll.u32 s6, $0x5;
	vm4 =	vcmask $0x1B18;
	s3 =	ssub.s32 s3, s8;
	v4 =	vunpack.c.l.s4.s8 v4;
	v3 =	vunpack.c.l.s4.s8 v3  }
0xf: {  	_ =	strace $0x80000047;
	vm1 =	vmor vm1, vm2;
	s4 =	sadd.s32 s2, s4;
	vm2 =	vmor vm3, vm4;
	s3 =	smax.u32 s3, $0x1  }
.Ltmp0:
0x10: {  	vm3 =	vcmask $0x2320;
	[dreg:$0x7] =	wrdreg s3;
	s3 =	simm.s32 $0x7;
	v4 =	vunpack.c.0.s8.s32 v4;
	v3 =	vunpack.c.0.s8.s32 v3;
	(pc) =	sbr.rel .LBB2_1-.Ltmp0, $4  }
0x11: {  	s30 =	simm.s32 $0x10480;
	vm4 =	vcmask $0x2B28;
	[dreg:$0x5] =	wrdreg s4;
	vm3 =	vmor vm2, vm3;
	vm2 =	vmmov $0xff;
	s3 =	simm.s32 @!p0 $0x8  }
0x12: {  	s4 =	sadd.s32 $0x400, s4;
	vm3 =	vmor vm3, vm4;
	vm4 =	vcmask $0x3330;
	[dreg:$0x8] =	wrdreg s3;
	s3 =	simm.s32 $0x8;
	v3 =	vcombine.low v4, v3  }
0x13: {  	s10 =	sor.u32 $0x80, s6;
	[dreg:$0x6] =	wrdreg s4;
	vm3 =	vmor vm3, vm4;
	vm4 =	vcmask $0x3B38;
	v1 =	vand.u32 $0xF, v1;
	s3 =	simm.s32 @!p0 $0x7  }
0x14: {  	s11 =	sor.u32 $0xA0, s6;
	s8 =	simm.s32 $0x0;
	vm3 =	vmor vm3, vm4;
	[dreg:$0x9] =	wrdreg s3;
	v2 =	vand.u32 $0xF, v2;
	v3 =	vand.u32 $0xF, v3  }
.LBB2_23:
0x15: {  	s3 =	rddreg [dreg:$0x8]  }
0x16: {  	_ =	swait.ge [sflag:s3], $0x80  }
0x17: {  	[sflag:s3] =	ssyncset.done $0x0  }
0x18: {  	s4 =	rddreg [dreg:$0x9];
	[sflag:s3] =	ssyncadd.s32 $0xFFFFFF80  }
0x19: {  	_ =	swait.ge [sflag:s4], $0x80  }
0x1a: {  	s8 =	rddreg [dreg:$0xa]  }
0x1b: {  	s31 =	rddreg [dreg:$0x7];
	s8 =	sadd.s32 $0x1, s8  }
0x1c: {  	p0 =	sne.s32 s8, s31  }
.Ltmp1:
0x1d: {  	_ = 	snop;
	(pc) =	sbr.rel @!p0 .LBB2_24-.Ltmp1, $3  }
0x1e: {  	_ =	sdelay $0x1  }
0x1f: {  	[sflag:s4] =	ssyncset.done $0x0  }
0x20: {  	[sflag:s4] =	ssyncadd.s32 $0xFFFFFF80  }
.LBB2_1:
0x21: {  	[dreg:$0xa] =	wrdreg s8  }
0x22: {  	s3 =	rddreg [dreg:$0x5]  }
0x23: {  	[tilespmem:s7], [sflag:$0x1] =	stream.linear.gather [hbm4b:s3+s7], $0x100, $0x38;
	[tilespmem:$0x14500] =	vst v63  }
0x24: {  	s18 =	rddreg [dreg:$0x6];
	s20 =	simm.s32 $0x1  }
0x25: {  	[tilespmem:s17], [sflag:$0x2] =	stream.linear.gather [hbm4b:s18+s7], $0x100, $0x38;
	[tilespmem:$0x14500] =	vst v63  }
0x26: {  	_ =	swait.ge [sflag:s20], $0x100  }
.Ltmp2:
0x27: {  	[sflag:s20] =	ssyncset.done $0x0;
	(pc) =	sbr.rel .LBB2_2-.Ltmp2, $4  }
0x28: {  	s21 =	simm.s32 $0x400;
	[sflag:s20] =	ssyncadd.s32 $0xFFFFFF00  }
0x29: {  	[tilespmem:s21], [sflag:$0x5] =	stream.indirect.gather [hbm4b:s0+s19], $0x80, s7, s19, $0xb8;
	[tilespmem:$0x14500] =	vst v63  }
0x2a: {  	s31 =	simm.s32 $0x8400;
	s4 =	simm.s32 $0x0  }
0x2b: {  	[tilespmem:s31], [sflag:$0x5] =	stream.indirect.gather [hbm4b:s1+s19], $0x80, s19, s19, $0xb8;
	[tilespmem:$0x14500] =	vst v63  }
.LBB2_22:
0x2c: {  	s4 =	sadd.s32 $0x1, s4  }
0x2d: {  	p0 =	sne.s32 s4, $0x14  }
.Ltmp3:
0x2e: {  	_ = 	snop;
	(pc) =	sbr.rel @!p0 .LBB2_23-.Ltmp3, $1  }
0x2f: {  	_ =	sdelay $0x3  }
.LBB2_2:
0x30: {  	s3 =	sshll.u32 s4, $0x7  }
0x31: {  	s20 =	sor.u32 s3, s6  }
0x32: {  	s21 =	sor.u32 $0x40, s20  }
0x33: {  	p1 =	sgt.u32 s21, $0x9C3  }
0x34: {  	s8 =	sshll.u32 @!p1 s21, $0x5  }
0x35: {  	s9 =	simm.s32 @!p1 $0x0;
	s12 =	simm.s32 @!p1 $0x200;
	s8 =	sadd.s32 @!p1 s2, s8  }
0x36: {  	[tilespmem:s12], [sflag:$0x3] =	stream.linear.gather @!p1 [hbm4b:s8+s9], $0x100, $0x38;
	[tilespmem:$0x14500] =	vst v63  }
0x37: {  	_ =	swait.ge [sflag:s22], $0x100  }
0x38: {  	[sflag:s22] =	ssyncset.done $0x0  }
0x39: {  	[sflag:s22] =	ssyncadd.s32 $0xFFFFFF00  }
0x3a: {  	[tilespmem:s23], [sflag:$0x6] =	stream.indirect.gather [hbm4b:s0+s19], $0x80, s17, s19, $0xb8;
	[tilespmem:$0x14500] =	vst v63  }
0x3b: {  	_ = 	snop  }
0x3c: {  	[tilespmem:s25], [sflag:$0x6] =	stream.indirect.gather [hbm4b:s1+s19], $0x80, s24, s19, $0xb8;
	[tilespmem:$0x14500] =	vst v63  }
0x3d: {  	_ =	swait.ge [sflag:s26], $0x4000  }
0x3e: {  	[sflag:s26] =	ssyncset.done $0x0  }
0x3f: {  	[sflag:s26] =	ssyncadd.s32 $0xFFFFC000  }
0x40: {  	_ =	swait.ge [sflag:s26], $0x4000  }
0x41: {  	p2 =	seq.s32 s4, $0x0;
	[sflag:s26] =	ssyncset.done $0x0  }
0x42: {  	s8 =	simm.s32 @!p2 $0x7;
	[sflag:s26] =	ssyncadd.s32 $0xFFFFC000  }
0x43: {  	_ =	swait.ge @!p2 [sflag:s8], $0x80  }
0x44: {  	[sflag:s8] =	ssyncset.done @!p2 $0x0  }
0x45: {  	s31 =	simm.s32 $0x480;
	[sflag:s8] =	ssyncadd.s32 @!p2 $0xFFFFFF80  }
0x46: {  	s8 =	simm.s32 $0x8480;
	v4 =	vld [tilespmem:s31+$0x0]  }
0x47: {  	v5 =	vld [tilespmem:s8+$0x0]  }
0x48: {  	v6 =	vld [tilespmem:s31+$0x10]  }
0x49: {  	v7 =	vld [tilespmem:s8+$0x10]  }
0x4a: {  	v8 =	vld [tilespmem:s31+$0x20]  }
0x4b: {  	v9 =	vld [tilespmem:s8+$0x20]  }
0x4c: {  	v10 =	vld [tilespmem:s31+$0x30]  }
0x4d: {  	v11 =	vld [tilespmem:s8+$0x30]  }
0x4e: {  	v12 =	vld [tilespmem:s31+$0x40]  }
0x4f: {  	v13 =	vld [tilespmem:s8+$0x40]  }
0x50: {  	v14 =	vld [tilespmem:s31+$0x50]  }
0x51: {  	v15 =	vld [tilespmem:s8+$0x50]  }
0x52: {  	v16 =	vld [tilespmem:s31+$0x60]  }
0x53: {  	v17 =	vld [tilespmem:s8+$0x60]  }
0x54: {  	v58 =	vld [tilespmem:s31+$0xFFFFFFA0];
	v4 =	vmul.f32 v5, v4;
	v5 =	vmul.f32 v7, v6  }
0x55: {  	v6 =	vld [tilespmem:s31+$0x70]  }
0x56: {  	v4 =	vadd.f32 v5, v4;
	v5 =	vmul.f32 v9, v8;
	v8 =	vld [tilespmem:s8+$0xFFFFFF80]  }
0x57: {  	v9 =	vld [tilespmem:s31+$0xFFFFFF90]  }
0x58: {  	v4 =	vadd.f32 v5, v4;
	v5 =	vmul.f32 v11, v10;
	v10 =	vld [tilespmem:s8+$0xFFFFFF90]  }
0x59: {  	v11 =	vld [tilespmem:s31+$0xFFFFFF80]  }
0x5a: {  	v7 =	vld [tilespmem:s8+$0x70];
	v4 =	vadd.f32 v5, v4;
	v5 =	vmul.f32 v13, v12  }
0x5b: {  	v59 =	vld [tilespmem:s8+$0xFFFFFFA0]  }
0x5c: {  	v60 =	vld [tilespmem:s31+$0xFFFFFFB0];
	v4 =	vadd.f32 v5, v4;
	v5 =	vmul.f32 v15, v14  }
0x5d: {  	v61 =	vld [tilespmem:s8+$0xFFFFFFB0];
	v9 =	vmul.f32 v10, v9  }
0x5e: {  	v62 =	vld [tilespmem:s31+$0xFFFFFFC0];
	v8 =	vmul.f32 v8, v11;
	v4 =	vadd.f32 v5, v4;
	v5 =	vmul.f32 v17, v16  }
0x5f: {  	v6 =	vmul.f32 v7, v6;
	v11 =	vld [tilespmem:s8+$0xFFFFFFC0]  }
0x60: {  	v7 =	vld [tilespmem:s8+$0xFFFFFFD0];
	v8 =	vadd.f32 v9, v8;
	v9 =	vmul.f32 v59, v58;
	v10 =	vadd.f32 v5, v4  }
0x61: {  	v4 =	vld [tilespmem:s31+$0xFFFFFFD0]  }
0x62: {  	v63 =	vmul.f32 v61, v60;
	v5 =	vld [tilespmem:s31+$0xFFFFFFE0];
	v9 =	vadd.f32 v9, v8;
	v10 =	vadd.f32 v6, v10  }
0x63: {  	s14 =	simm.s32 $0x10580;
	v8 =	vld [tilespmem:s8+$0xFFFFFFE0]  }
0x64: {  	v6 =	vld [tilespmem:s31+$0xFFFFFFF0];
	v11 =	vmul.f32 v11, v62;
	[tilespmem:s14+$0x0] =	vst v10;
	v10 =	vadd.f32 v63, v9  }
0x65: {  	s18 =	simm.s32 $0x0;
	s16 =	simm.s32 $0x580;
	s12 =	simm.s32 $0x10900;
	v9 =	vld [tilespmem:s8+$0xFFFFFFF0]  }
.LBB2_3:
0x66: {  	v12 =	vld [tilespmem:s16+$0x0];
	v10 =	vadd.f32 v11, v10;
	v4 =	vmul.f32 v7, v4;
	s8 =	sadd.s32 $0x100, s8  }
0x67: {  	v7 =	vld [tilespmem:s8+$0x0]  }
0x68: {  	v11 =	vld [tilespmem:s16+$0x10];
	v4 =	vadd.f32 v4, v10;
	v5 =	vmul.f32 v8, v5  }
0x69: {  	s18 =	sadd.s32 $0x2, s18;
	v8 =	vld [tilespmem:s8+$0x10]  }
0x6a: {  	p0 =	slt.u32 s18, $0x7E;
	v10 =	vld [tilespmem:s16+$0x20];
	v4 =	vadd.f32 v5, v4;
	v5 =	vmul.f32 v9, v6  }
0x6b: {  	v6 =	vld [tilespmem:s8+$0x20]  }
0x6c: {  	v9 =	vld [tilespmem:s16+$0x30];
	v4 =	vadd.f32 v5, v4  }
0x6d: {  	v5 =	vld [tilespmem:s8+$0x30]  }
0x6e: {  	v7 =	vmul.f32 v7, v12;
	v8 =	vmul.f32 v8, v11;
	v11 =	vld [tilespmem:s16+$0x40];
	[tilespmem:s14+$0xFFFFFF80] =	vst v4  }
0x6f: {  	v4 =	vld [tilespmem:s8+$0x40]  }
0x70: {  	v7 =	vadd.f32 v8, v7;
	v6 =	vmul.f32 v6, v10;
	v8 =	vld [tilespmem:s16+$0x50]  }
0x71: {  	v10 =	vld [tilespmem:s8+$0x50]  }
0x72: {  	v6 =	vadd.f32 v6, v7;
	v5 =	vmul.f32 v5, v9;
	v7 =	vld [tilespmem:s16+$0x60]  }
0x73: {  	v9 =	vld [tilespmem:s8+$0x60]  }
0x74: {  	v5 =	vadd.f32 v5, v6;
	v4 =	vmul.f32 v4, v11;
	v6 =	vld [tilespmem:s16+$0x70]  }
0x75: {  	v11 =	vld [tilespmem:s8+$0x70]  }
0x76: {  	v12 =	vld [tilespmem:s8+$0xFFFFFF80];
	v4 =	vadd.f32 v4, v5;
	v5 =	vmul.f32 v10, v8  }
0x77: {  	v8 =	vld [tilespmem:s16+$0xFFFFFF90]  }
0x78: {  	v10 =	vld [tilespmem:s8+$0xFFFFFF90];
	v4 =	vadd.f32 v5, v4;
	v5 =	vmul.f32 v9, v7  }
0x79: {  	v7 =	vld [tilespmem:s16+$0xFFFFFF80]  }
0x7a: {  	v9 =	vld [tilespmem:s16+$0xFFFFFFA0];
	v4 =	vadd.f32 v5, v4;
	v5 =	vmul.f32 v11, v6  }
0x7b: {  	v6 =	vld [tilespmem:s8+$0xFFFFFFA0]  }
0x7c: {  	v11 =	vld [tilespmem:s16+$0xFFFFFFB0];
	v4 =	vadd.f32 v5, v4  }
0x7d: {  	s14 =	sadd.s32 $0x100, s14;
	v5 =	vmul.f32 v10, v8;
	v8 =	vld [tilespmem:s8+$0xFFFFFFB0]  }
0x7e: {  	s9 =	simm.s32 $0x10400;
	v7 =	vmul.f32 v12, v7;
	v12 =	vld [tilespmem:s16+$0xFFFFFFC0];
	[tilespmem:s14+$0x0] =	vst v4  }
0x7f: {  	v13 =	vld [tilespmem:s8+$0xFFFFFFC0]  }
0x80: {  	v5 =	vadd.f32 v5, v7;
	v6 =	vmul.f32 v6, v9;
	v4 =	vld [tilespmem:s16+$0xFFFFFFD0]  }
.Ltmp4:
0x81: {  	v7 =	vld [tilespmem:s8+$0xFFFFFFD0];
	(pc) =	sbr.rel @p0 .LBB2_3-.Ltmp4, $4  }
0x82: {  	v6 =	vadd.f32 v6, v5;
	v9 =	vmul.f32 v8, v11;
	v5 =	vld [tilespmem:s16+$0xFFFFFFE0]  }
0x83: {  	v8 =	vld [tilespmem:s8+$0xFFFFFFE0]  }
0x84: {  	v10 =	vadd.f32 v9, v6;
	v11 =	vmul.f32 v13, v12;
	v6 =	vld [tilespmem:s16+$0xFFFFFFF0]  }
0x85: {  	s16 =	sadd.s32 $0x100, s16;
	v9 =	vld [tilespmem:s8+$0xFFFFFFF0]  }
0x86: {  	v10 =	vadd.f32 v11, v10;
	v4 =	vmul.f32 v7, v4;
	_ =	sdelay $0x1  }
0x87: {  	v4 =	vadd.f32 v4, v10;
	v5 =	vmul.f32 v8, v5;
	_ =	sdelay $0x1  }
0x88: {  	v4 =	vadd.f32 v5, v4;
	v5 =	vmul.f32 v9, v6;
	_ =	sdelay $0x1  }
0x89: {  	v4 =	vadd.f32 v5, v4;
	_ =	sdelay $0x1  }
0x8a: {  	[tilespmem:s14+$0xFFFFFF80] =	vst v4  }
0x8b: {  	v4 =	vld [tilespmem:s12+$0xFFFFFF00]  }
0x8c: {  	v5 =	vld [tilespmem:s12+$0x380]  }
0x8d: {  	v6 =	vld [tilespmem:s12+$0xFFFFFF80]  }
0x8e: {  	v7 =	vld [tilespmem:s12+$0x180]  }
0x8f: {  	v8 =	vld [tilespmem:s12+$0x280]  }
0x90: {  	v9 =	vld [tilespmem:s12+$0xFFFFFD80]  }
0x91: {  	v11 =	vld [tilespmem:s12+$0x80]  }
0x92: {  	v12 =	vld [tilespmem:s12+$0x300]  }
0x93: {  	v10 =	vld [tilespmem:s12+$0xFFFFFC80]  }
0x94: {  	v19 =	vld [tilespmem:s12+$0xFFFFFC00]  }
0x95: {  	v23 =	vld [tilespmem:s12+$0xFFFFFD00];
	v13 =	vperm.xlane v4, v0;
	v15 =	vperm.xlane v5, v0  }
0x96: {  	v14 =	vld [tilespmem:s12+$0x0];
	v18 =	vperm.xlane v9, v0;
	v20 =	vperm.xlane v11, v0  }
0x97: {  	v16 =	vld [tilespmem:s12+$0xFFFFFE00];
	v22 =	vperm.xlane v12, v0;
	v4 =	vadd.f32 v13, v4;
	v13 =	vperm.xlane v7, v0  }
0x98: {  	v17 =	vld [tilespmem:s12+$0x200];
	v5 =	vadd.f32 v15, v5;
	v15 =	vperm.xlane v8, v0;
	v9 =	vadd.f32 v18, v9  }
0x99: {  	v18 =	vld [tilespmem:s12+$0x100];
	v11 =	vadd.f32 v20, v11;
	v20 =	vperm.xlane v19, v0;
	v12 =	vadd.f32 v22, v12  }
0x9a: {  	v21 =	vld [tilespmem:s12+$0xFFFFFE80];
	v22 =	vperm.xlane v23, v0;
	v7 =	vadd.f32 v13, v7;
	v13 =	vperm.xlane v10, v0  }
0x9b: {  	v8 =	vadd.f32 v15, v8;
	v15 =	vperm.xlane v6, v0;
	v19 =	vadd.f32 v20, v19  }
0x9c: {  	v12 =	vsel vm2, v4, v12;
	v10 =	vadd.f32 v13, v10;
	v13 =	vperm.xlane v16, v0  }
0x9d: {  	v6 =	vadd.f32 v15, v6;
	v15 =	vperm.xlane v17, v0;
	v7 =	vsel vm2, v9, v7  }
0x9e: {  	s31 =	simm.s32 $0x11100;
	v20 =	vperm.xlane v18, v0;
	v25 =	vperm.xlane v7, v1;
	v13 =	vadd.f32 v13, v16  }
0x9f: {  	v4 =	vld [tilespmem:s31+$0xFFFFFF00];
	v16 =	vperm.xlane v14, v0;
	v15 =	vadd.f32 v15, v17;
	v17 =	vperm.xlane v21, v0  }
0xa0: {  	v24 =	vld [tilespmem:s31+$0x80];
	v10 =	vsel vm2, v10, v11;
	v5 =	vsel vm2, v6, v5;
	v6 =	vadd.f32 v22, v23  }
0xa1: {  	v11 =	vadd.f32 v20, v18;
	v18 =	vld [tilespmem:s31+$0x180];
	v20 =	vperm.xlane v5, v1;
	v9 =	vsel vm2, v13, v15  }
0xa2: {  	v7 =	vadd.f32 v25, v7;
	v15 =	vld [tilespmem:s31+$0x380];
	v14 =	vadd.f32 v16, v14;
	v16 =	vperm.xlane v9, v1  }
0xa3: {  	v22 =	vld [tilespmem:s31+$0xFFFFFC80];
	v13 =	vperm.xlane v12, v1;
	v17 =	vadd.f32 v17, v21;
	v6 =	vsel vm2, v6, v11  }
0xa4: {  	v11 =	vperm.xlane v4, v0;
	v19 =	vsel vm2, v19, v14;
	v9 =	vadd.f32 v16, v9;
	v16 =	vld [tilespmem:s31+$0x280]  }
0xa5: {  	v26 =	vld [tilespmem:s31+$0xFFFFFF80];
	v14 =	vperm.xlane v10, v1;
	v12 =	vadd.f32 v13, v12;
	v13 =	vperm.xlane v24, v0  }
0xa6: {  	v21 =	vld [tilespmem:s31+$0xFFFFFD80];
	v8 =	vsel vm2, v17, v8;
	v17 =	vperm.xlane v19, v1;
	v27 =	vperm.xlane v18, v0  }
0xa7: {  	v30 =	vld [tilespmem:s31+$0x200];
	v11 =	vadd.f32 v11, v4;
	v10 =	vadd.f32 v14, v10;
	v23 =	vperm.xlane v15, v0  }
0xa8: {  	v25 =	vld [tilespmem:s31+$0xFFFFFE00];
	v29 =	vperm.xlane v22, v0;
	v27 =	vadd.f32 v27, v18;
	v18 =	vadd.f32 v20, v5  }
0xa9: {  	v20 =	vld [tilespmem:s31+$0x300];
	v4 =	vadd.f32 v23, v15;
	v15 =	vperm.xlane v6, v1;
	v23 =	vperm.xlane v16, v0  }
0xaa: {  	v63 =	vld [tilespmem:s31+$0x0];
	v14 =	vperm.xlane v8, v1;
	v32 =	vadd.f32 v13, v24;
	v29 =	vadd.f32 v29, v22  }
0xab: {  	v28 =	vperm.xlane v21, v0;
	v6 =	vadd.f32 v15, v6;
	v5 =	vadd.f32 v23, v16;
	v23 =	vld [tilespmem:s31+$0xFFFFFC00]  }
0xac: {  	v8 =	vadd.f32 v14, v8;
	v14 =	vld [tilespmem:s31+$0x100];
	v15 =	vsel vm0, v7, v18;
	v16 =	vperm.xlane v26, v0  }
0xad: {  	v7 =	vperm.xlane v25, v0;
	v22 =	vperm.xlane v15, v2;
	v6 =	vsel vm0, v6, v12  }
0xae: {  	v18 =	vperm.xlane v20, v0;
	v12 =	vadd.f32 v16, v26;
	v26 =	vperm.xlane v30, v0  }
0xaf: {  	v31 =	vld [tilespmem:s31+$0xFFFFFE80];
	v7 =	vadd.f32 v7, v25;
	v16 =	vadd.f32 v17, v19;
	v17 =	vsel vm0, v10, v8  }
0xb0: {  	v20 =	vadd.f32 v18, v20;
	v25 =	vadd.f32 v26, v30;
	v8 =	vperm.xlane v23, v0  }
0xb1: {  	v21 =	vadd.f32 v28, v21;
	v24 =	vperm.xlane v14, v0;
	v10 =	vperm.xlane v63, v0  }
0xb2: {  	v18 =	vadd.f32 v8, v23;
	v23 =	vsel vm2, v7, v25;
	v7 =	vsel vm2, v11, v20;
	v11 =	vld [tilespmem:s31+$0xFFFFFD00]  }
0xb3: {  	v15 =	vadd.f32 v22, v15;
	v19 =	vperm.xlane v17, v2;
	v13 =	vsel vm0, v16, v9  }
0xb4: {  	v26 =	vperm.xlane v31, v0;
	v9 =	vsel vm2, v21, v27;
	v22 =	vadd.f32 v10, v63  }
0xb5: {  	v10 =	vsel vm2, v29, v32;
	v21 =	vperm.xlane v6, v2;
	v16 =	vperm.xlane v13, v2  }
0xb6: {  	s8 =	simm.s32 $0x10;
	s18 =	simm.s32 $0x11900;
	s12 =	simm.s32 $0x10400;
	v20 =	vadd.f32 v26, v31;
	v8 =	vperm.xlane v7, v1;
	v25 =	vperm.xlane v23, v1  }
.LBB2_5:
0xb7: {  	v26 =	vld [tilespmem:s18+$0xFFFFFF00];
	s8 =	sadd.s32 $0x10, s8;
	v27 =	vperm.xlane v11, v0;
	v14 =	vadd.f32 v24, v14;
	v17 =	vadd.f32 v19, v17;
	s9 =	sadd.s32 $0x10, s9  }
0xb8: {  	v12 =	vsel vm2, v12, v4;
	v4 =	vadd.f32 v16, v13;
	v19 =	vld [tilespmem:s18+$0x380];
	p0 =	slt.u32 s8, $0x70;
	v23 =	vadd.f32 v25, v23  }
0xb9: {  	v6 =	vadd.f32 v21, v6;
	v13 =	vld [tilespmem:s18+$0xFFFFFF80];
	v11 =	vadd.f32 v27, v11;
	v15 =	vsel vm1, v17, v15  }
0xba: {  	v21 =	vperm.xlane v12, v1;
	v17 =	vsel vm2, v18, v22;
	v18 =	vperm.xlane v10, v1;
	v16 =	vld [tilespmem:s18+$0x180]  }
0xbb: {  	v4 =	vsel vm1, v4, v6;
	v6 =	vperm.xlane v15, v3;
	v22 =	vld [tilespmem:s18+$0x280];
	v14 =	vsel vm2, v11, v14  }
0xbc: {  	v20 =	vsel vm2, v20, v5;
	v5 =	vperm.xlane v4, v3;
	v11 =	vperm.xlane v26, v0;
	v24 =	vld [tilespmem:s18+$0xFFFFFD80]  }
0xbd: {  	v28 =	vperm.xlane v17, v1;
	v6 =	vadd.f32 v6, v15;
	v25 =	vld [tilespmem:s18+$0xFFFFFC80];
	v27 =	vperm.xlane v19, v0  }
0xbe: {  	v5 =	vadd.f32 v5, v4;
	v15 =	vadd.f32 v11, v26;
	v26 =	vld [tilespmem:s18+$0x80];
	v11 =	vperm.xlane v9, v1  }
0xbf: {  	v29 =	vld [tilespmem:s18+$0x300];
	v30 =	vperm.xlane v16, v0;
	v4 =	vadd.f32 v27, v19;
	v19 =	vperm.xlane v14, v1  }
0xc0: {  	v5 =	vsel vm3, v5, v6;
	v27 =	vld [tilespmem:s18+$0x0];
	v31 =	vperm.xlane v22, v0;
	v9 =	vadd.f32 v11, v9  }
0xc1: {  	v12 =	vadd.f32 v21, v12;
	v32 =	vld [tilespmem:s18+$0xFFFFFE00];
	v6 =	vperm.xlane v24, v0;
	v30 =	vadd.f32 v30, v16;
	[tilespmem:s12+$0x0] =	vst v5;
	s12 =	smov.u32 s9  }
0xc2: {  	v7 =	vadd.f32 v8, v7;
	v8 =	vadd.f32 v18, v10;
	v11 =	vld [tilespmem:s18+$0xFFFFFD00];
	v16 =	vperm.xlane v25, v0  }
0xc3: {  	v21 =	vperm.xlane v20, v1;
	v5 =	vadd.f32 v31, v22;
	v10 =	vld [tilespmem:s18+$0x200];
	v18 =	vperm.xlane v26, v0  }
0xc4: {  	v31 =	vadd.f32 v6, v24;
	v24 =	vperm.xlane v13, v0;
	v6 =	vadd.f32 v19, v14;
	v22 =	vld [tilespmem:s18+$0xFFFFFC00]  }
0xc5: {  	v33 =	vadd.f32 v16, v25;
	v16 =	vadd.f32 v21, v20;
	v20 =	vsel vm0, v9, v12  }
0xc6: {  	v6 =	vsel vm0, v6, v7;
	v25 =	vperm.xlane v20, v2;
	v9 =	vperm.xlane v32, v0;
	v21 =	vld [tilespmem:s18+$0xFFFFFE80]  }
0xc7: {  	v7 =	vperm.xlane v29, v0;
	v12 =	vadd.f32 v24, v13;
	v13 =	vadd.f32 v28, v17;
	v14 =	vld [tilespmem:s18+$0x100]  }
0xc8: {  	v26 =	vadd.f32 v18, v26;
	v17 =	vsel vm0, v8, v16;
	v24 =	vperm.xlane v10, v0  }
0xc9: {  	v19 =	vperm.xlane v17, v2;
	v28 =	vadd.f32 v9, v32;
	v8 =	vperm.xlane v22, v0  }
0xca: {  	v7 =	vadd.f32 v7, v29;
	v13 =	vsel vm0, v13, v23;
	v32 =	vperm.xlane v27, v0  }
.Ltmp5:
0xcb: {  	v16 =	vperm.xlane v13, v2;
	v10 =	vadd.f32 v24, v10;
	v29 =	vperm.xlane v21, v0;
	(pc) =	sbr.rel @p0 .LBB2_5-.Ltmp5, $4  }
0xcc: {  	v9 =	vsel vm2, v31, v30;
	v18 =	vadd.f32 v8, v22;
	v24 =	vperm.xlane v14, v0  }
0xcd: {  	v7 =	vsel vm2, v15, v7;
	v15 =	vadd.f32 v25, v20;
	v23 =	vsel vm2, v28, v10  }
0xce: {  	v22 =	vadd.f32 v32, v27;
	v8 =	vperm.xlane v7, v1;
	v20 =	vadd.f32 v29, v21  }
0xcf: {  	s18 =	sadd.s32 $0x800, s18;
	v10 =	vsel vm2, v33, v26;
	v25 =	vperm.xlane v23, v1;
	v21 =	vperm.xlane v6, v2  }
0xd0: {  	v26 =	vperm.xlane v11, v0;
	v14 =	vadd.f32 v24, v14;
	v17 =	vadd.f32 v19, v17  }
0xd1: {  	v4 =	vsel vm2, v12, v4;
	v44 =	vsel vm2, v18, v22;
	v46 =	vperm.xlane v9, v1  }
0xd2: {  	v47 =	vperm.xlane v10, v1;
	v5 =	vsel vm2, v20, v5;
	v11 =	vadd.f32 v26, v11  }
0xd3: {  	v7 =	vadd.f32 v8, v7;
	v43 =	vadd.f32 v25, v23;
	v45 =	vperm.xlane v4, v1  }
0xd4: {  	v49 =	vperm.xlane v5, v1;
	v50 =	vperm.xlane v44, v1;
	v11 =	vsel vm2, v11, v14  }
0xd5: {  	v9 =	vadd.f32 v46, v9;
	v4 =	vadd.f32 v45, v4;
	v48 =	vperm.xlane v11, v1  }
0xd6: {  	v8 =	vadd.f32 v47, v10;
	v5 =	vadd.f32 v49, v5  }
0xd7: {  	v12 =	vadd.f32 v50, v44;
	v4 =	vsel vm0, v9, v4;
	v10 =	vadd.f32 v48, v11  }
0xd8: {  	v6 =	vadd.f32 v21, v6;
	v5 =	vsel vm0, v8, v5;
	v8 =	vperm.xlane v4, v2  }
0xd9: {  	v9 =	vperm.xlane v5, v2;
	v7 =	vsel vm0, v10, v7;
	v10 =	vsel vm0, v12, v43  }
0xda: {  	v11 =	vadd.f32 v16, v13;
	v12 =	vperm.xlane v10, v2;
	v51 =	vperm.xlane v7, v2  }
0xdb: {  	v4 =	vadd.f32 v8, v4;
	v5 =	vadd.f32 v9, v5  }
0xdc: {  	v6 =	vsel vm1, v11, v6;
	v9 =	vadd.f32 v12, v10;
	v7 =	vadd.f32 v51, v7  }
0xdd: {  	v8 =	vsel vm1, v17, v15;
	v11 =	vperm.xlane v6, v3  }
0xde: {  	v4 =	vsel vm1, v5, v4;
	v10 =	vperm.xlane v8, v3;
	v5 =	vsel vm1, v9, v7  }
0xdf: {  	v7 =	vperm.xlane v4, v3;
	v9 =	vperm.xlane v5, v3  }
0xe0: {  	v6 =	vadd.f32 v11, v6;
	v8 =	vadd.f32 v10, v8  }
0xe1: {  	v4 =	vadd.f32 v7, v4;
	v5 =	vadd.f32 v9, v5  }
0xe2: {  	s8 =	sadd.s32 $0x10, s9;
	s9 =	sshll.u32 s20, $0x4;
	s20 =	sor.u32 $0x60, s20;
	v6 =	vsel vm3, v6, v8  }
0xe3: {  	p0 =	sgt.u32 s20, $0x9C3;
	[tilespmem:s12+$0x0] =	vst v6;
	v4 =	vsel vm3, v5, v4  }
0xe4: {  	s18 =	sadd.s32 s5, s9;
	[tilespmem:s8+$0x0] =	vst v4;
	s8 =	sshll.u32 @!p0 s20, $0x5  }
0xe5: {  	[hbm4b:s18+s7] =	stream.linear.scatter [tilespmem:s28], [sflag:$0x7], $0x80, $0x38;
	[tilespmem:$0x14500] =	vst v63  }
0xe6: {  	s14 =	simm.s32 @!p0 $0x300;
	s12 =	simm.s32 @!p0 $0x0;
	s8 =	sadd.s32 @!p0 s2, s8  }
0xe7: {  	[tilespmem:s14], [sflag:$0x4] =	stream.linear.gather @!p0 [hbm4b:s8+s12], $0x100, $0x38;
	[tilespmem:$0x14500] =	vst v63  }
0xe8: {  	s8 =	simm.s32 @!p1 $0x3  }
0xe9: {  	_ =	swait.ge @!p1 [sflag:s8], $0x100  }
0xea: {  	s12 =	simm.s32 @!p1 $0x200;
	[sflag:s8] =	ssyncset.done @!p1 $0x0  }
0xeb: {  	s14 =	simm.s32 @!p1 $0x400;
	[sflag:s8] =	ssyncadd.s32 @!p1 $0xFFFFFF00;
	s8 =	simm.s32 @!p1 $0x80  }
0xec: {  	[tilespmem:s14], [sflag:$0x5] =	stream.indirect.gather @!p1 [hbm4b:s0+s8], $0x80, s12, s8, $0xb8;
	[tilespmem:$0x14500] =	vst v63  }
0xed: {  	s12 =	simm.s32 @!p1 $0x280;
	s14 =	simm.s32 @!p1 $0x8400  }
0xee: {  	[tilespmem:s14], [sflag:$0x5] =	stream.indirect.gather @!p1 [hbm4b:s1+s8], $0x80, s12, s8, $0xb8;
	[tilespmem:$0x14500] =	vst v63  }
0xef: {  	_ =	swait.ge [sflag:s29], $0x4000  }
0xf0: {  	[sflag:s29] =	ssyncset.done $0x0  }
0xf1: {  	[sflag:s29] =	ssyncadd.s32 $0xFFFFC000  }
0xf2: {  	_ =	swait.ge [sflag:s29], $0x4000  }
0xf3: {  	[sflag:s29] =	ssyncset.done $0x0  }
0xf4: {  	s8 =	simm.s32 @!p2 $0x8;
	[sflag:s29] =	ssyncadd.s32 $0xFFFFC000  }
0xf5: {  	_ =	swait.ge @!p2 [sflag:s8], $0x80  }
0xf6: {  	[sflag:s8] =	ssyncset.done @!p2 $0x0  }
0xf7: {  	s31 =	simm.s32 $0x4480;
	[sflag:s8] =	ssyncadd.s32 @!p2 $0xFFFFFF80  }
0xf8: {  	s8 =	simm.s32 $0xC480;
	v4 =	vld [tilespmem:s31+$0x0]  }
0xf9: {  	v5 =	vld [tilespmem:s8+$0x0]  }
0xfa: {  	v6 =	vld [tilespmem:s31+$0x10]  }
0xfb: {  	v7 =	vld [tilespmem:s8+$0x10]  }
0xfc: {  	v8 =	vld [tilespmem:s31+$0x20]  }
0xfd: {  	v9 =	vld [tilespmem:s8+$0x20]  }
0xfe: {  	v10 =	vld [tilespmem:s31+$0x30]  }
0xff: {  	v11 =	vld [tilespmem:s8+$0x30]  }
0x100: {  	v52 =	vld [tilespmem:s31+$0x40]  }
0x101: {  	v53 =	vld [tilespmem:s8+$0x40]  }
0x102: {  	v54 =	vld [tilespmem:s31+$0x50]  }
0x103: {  	v55 =	vld [tilespmem:s8+$0x50]  }
0x104: {  	v56 =	vld [tilespmem:s31+$0x60]  }
0x105: {  	v57 =	vld [tilespmem:s8+$0x60]  }
0x106: {  	v58 =	vld [tilespmem:s31+$0xFFFFFFA0];
	v4 =	vmul.f32 v5, v4;
	v5 =	vmul.f32 v7, v6  }
0x107: {  	v6 =	vld [tilespmem:s31+$0x70]  }
0x108: {  	v4 =	vadd.f32 v5, v4;
	v5 =	vmul.f32 v9, v8;
	v8 =	vld [tilespmem:s8+$0xFFFFFF80]  }
0x109: {  	v9 =	vld [tilespmem:s31+$0xFFFFFF90]  }
0x10a: {  	v4 =	vadd.f32 v5, v4;
	v5 =	vmul.f32 v11, v10;
	v10 =	vld [tilespmem:s8+$0xFFFFFF90]  }
0x10b: {  	v11 =	vld [tilespmem:s31+$0xFFFFFF80]  }
0x10c: {  	v7 =	vld [tilespmem:s8+$0x70];
	v4 =	vadd.f32 v5, v4;
	v5 =	vmul.f32 v53, v52  }
0x10d: {  	v59 =	vld [tilespmem:s8+$0xFFFFFFA0]  }
0x10e: {  	v60 =	vld [tilespmem:s31+$0xFFFFFFB0];
	v4 =	vadd.f32 v5, v4;
	v5 =	vmul.f32 v55, v54  }
0x10f: {  	v61 =	vld [tilespmem:s8+$0xFFFFFFB0];
	v9 =	vmul.f32 v10, v9  }
0x110: {  	v62 =	vld [tilespmem:s31+$0xFFFFFFC0];
	v8 =	vmul.f32 v8, v11;
	v4 =	vadd.f32 v5, v4;
	v5 =	vmul.f32 v57, v56  }
0x111: {  	v6 =	vmul.f32 v7, v6;
	v11 =	vld [tilespmem:s8+$0xFFFFFFC0]  }
0x112: {  	v7 =	vld [tilespmem:s8+$0xFFFFFFD0];
	v8 =	vadd.f32 v9, v8;
	v9 =	vmul.f32 v59, v58;
	v10 =	vadd.f32 v5, v4  }
0x113: {  	v4 =	vld [tilespmem:s31+$0xFFFFFFD0]  }
0x114: {  	v63 =	vmul.f32 v61, v60;
	v5 =	vld [tilespmem:s31+$0xFFFFFFE0];
	v9 =	vadd.f32 v9, v8;
	v10 =	vadd.f32 v6, v10  }
0x115: {  	s14 =	simm.s32 $0x10580;
	v8 =	vld [tilespmem:s8+$0xFFFFFFE0]  }
0x116: {  	v6 =	vld [tilespmem:s31+$0xFFFFFFF0];
	v11 =	vmul.f32 v11, v62;
	[tilespmem:s14+$0x0] =	vst v10;
	v10 =	vadd.f32 v63, v9  }
0x117: {  	s16 =	simm.s32 $0x4580;
	s18 =	simm.s32 $0x0;
	v9 =	vld [tilespmem:s8+$0xFFFFFFF0]  }
.LBB2_7:
0x118: {  	v12 =	vld [tilespmem:s16+$0x0];
	v10 =	vadd.f32 v11, v10;
	v4 =	vmul.f32 v7, v4;
	s8 =	sadd.s32 $0x100, s8  }
0x119: {  	v7 =	vld [tilespmem:s8+$0x0]  }
0x11a: {  	v11 =	vld [tilespmem:s16+$0x10];
	v4 =	vadd.f32 v4, v10;
	v5 =	vmul.f32 v8, v5  }
0x11b: {  	s18 =	sadd.s32 $0x2, s18;
	v8 =	vld [tilespmem:s8+$0x10]  }
0x11c: {  	p2 =	slt.u32 s18, $0x7E;
	v10 =	vld [tilespmem:s16+$0x20];
	v4 =	vadd.f32 v5, v4;
	v5 =	vmul.f32 v9, v6  }
0x11d: {  	v6 =	vld [tilespmem:s8+$0x20]  }
0x11e: {  	v9 =	vld [tilespmem:s16+$0x30];
	v4 =	vadd.f32 v5, v4  }
0x11f: {  	v5 =	vld [tilespmem:s8+$0x30]  }
0x120: {  	v7 =	vmul.f32 v7, v12;
	v8 =	vmul.f32 v8, v11;
	v11 =	vld [tilespmem:s16+$0x40];
	[tilespmem:s14+$0xFFFFFF80] =	vst v4  }
0x121: {  	v4 =	vld [tilespmem:s8+$0x40]  }
0x122: {  	v7 =	vadd.f32 v8, v7;
	v6 =	vmul.f32 v6, v10;
	v8 =	vld [tilespmem:s16+$0x50]  }
0x123: {  	v10 =	vld [tilespmem:s8+$0x50]  }
0x124: {  	v6 =	vadd.f32 v6, v7;
	v5 =	vmul.f32 v5, v9;
	v7 =	vld [tilespmem:s16+$0x60]  }
0x125: {  	v9 =	vld [tilespmem:s8+$0x60]  }
0x126: {  	v5 =	vadd.f32 v5, v6;
	v4 =	vmul.f32 v4, v11;
	v6 =	vld [tilespmem:s16+$0x70]  }
0x127: {  	v11 =	vld [tilespmem:s8+$0x70]  }
0x128: {  	v12 =	vld [tilespmem:s8+$0xFFFFFF80];
	v4 =	vadd.f32 v4, v5;
	v5 =	vmul.f32 v10, v8  }
0x129: {  	v8 =	vld [tilespmem:s16+$0xFFFFFF90]  }
0x12a: {  	v10 =	vld [tilespmem:s8+$0xFFFFFF90];
	v4 =	vadd.f32 v5, v4;
	v5 =	vmul.f32 v9, v7  }
0x12b: {  	v7 =	vld [tilespmem:s16+$0xFFFFFF80]  }
0x12c: {  	v9 =	vld [tilespmem:s16+$0xFFFFFFA0];
	v4 =	vadd.f32 v5, v4;
	v5 =	vmul.f32 v11, v6  }
0x12d: {  	v6 =	vld [tilespmem:s8+$0xFFFFFFA0]  }
0x12e: {  	v11 =	vld [tilespmem:s16+$0xFFFFFFB0];
	v4 =	vadd.f32 v5, v4  }
0x12f: {  	s14 =	sadd.s32 $0x100, s14;
	v5 =	vmul.f32 v10, v8;
	v8 =	vld [tilespmem:s8+$0xFFFFFFB0]  }
0x130: {  	s12 =	simm.s32 $0x10480;
	s31 =	simm.s32 $0x10900;
	v7 =	vmul.f32 v12, v7;
	v12 =	vld [tilespmem:s16+$0xFFFFFFC0];
	[tilespmem:s14+$0x0] =	vst v4  }
0x131: {  	v13 =	vld [tilespmem:s8+$0xFFFFFFC0]  }
0x132: {  	v5 =	vadd.f32 v5, v7;
	v6 =	vmul.f32 v6, v9;
	v4 =	vld [tilespmem:s16+$0xFFFFFFD0]  }
.Ltmp6:
0x133: {  	v7 =	vld [tilespmem:s8+$0xFFFFFFD0];
	(pc) =	sbr.rel @p2 .LBB2_7-.Ltmp6, $4  }
0x134: {  	v6 =	vadd.f32 v6, v5;
	v9 =	vmul.f32 v8, v11;
	v5 =	vld [tilespmem:s16+$0xFFFFFFE0]  }
0x135: {  	v8 =	vld [tilespmem:s8+$0xFFFFFFE0]  }
0x136: {  	v10 =	vadd.f32 v9, v6;
	v11 =	vmul.f32 v13, v12;
	v6 =	vld [tilespmem:s16+$0xFFFFFFF0]  }
0x137: {  	s16 =	sadd.s32 $0x100, s16;
	v9 =	vld [tilespmem:s8+$0xFFFFFFF0]  }
0x138: {  	v10 =	vadd.f32 v11, v10;
	v4 =	vmul.f32 v7, v4;
	_ =	sdelay $0x1  }
0x139: {  	v4 =	vadd.f32 v4, v10;
	v5 =	vmul.f32 v8, v5;
	_ =	sdelay $0x1  }
0x13a: {  	v4 =	vadd.f32 v5, v4;
	v5 =	vmul.f32 v9, v6;
	_ =	sdelay $0x1  }
0x13b: {  	v4 =	vadd.f32 v5, v4;
	_ =	sdelay $0x1  }
0x13c: {  	[tilespmem:s14+$0xFFFFFF80] =	vst v4  }
0x13d: {  	v4 =	vld [tilespmem:s31+$0xFFFFFF00]  }
0x13e: {  	v5 =	vld [tilespmem:s31+$0x380]  }
0x13f: {  	v6 =	vld [tilespmem:s31+$0xFFFFFF80]  }
0x140: {  	v7 =	vld [tilespmem:s31+$0x180]  }
0x141: {  	v8 =	vld [tilespmem:s31+$0x280]  }
0x142: {  	v9 =	vld [tilespmem:s31+$0xFFFFFD80]  }
0x143: {  	v11 =	vld [tilespmem:s31+$0x80]  }
0x144: {  	v12 =	vld [tilespmem:s31+$0x300]  }
0x145: {  	v10 =	vld [tilespmem:s31+$0xFFFFFC80]  }
0x146: {  	v19 =	vld [tilespmem:s31+$0xFFFFFC00]  }
0x147: {  	v23 =	vld [tilespmem:s31+$0xFFFFFD00];
	v13 =	vperm.xlane v4, v0;
	v15 =	vperm.xlane v5, v0  }
0x148: {  	v14 =	vld [tilespmem:s31+$0x0];
	v18 =	vperm.xlane v9, v0;
	v20 =	vperm.xlane v11, v0  }
0x149: {  	v16 =	vld [tilespmem:s31+$0xFFFFFE00];
	v22 =	vperm.xlane v12, v0;
	v4 =	vadd.f32 v13, v4;
	v13 =	vperm.xlane v7, v0  }
0x14a: {  	v17 =	vld [tilespmem:s31+$0x200];
	v5 =	vadd.f32 v15, v5;
	v15 =	vperm.xlane v8, v0;
	v9 =	vadd.f32 v18, v9  }
0x14b: {  	v18 =	vld [tilespmem:s31+$0x100];
	v11 =	vadd.f32 v20, v11;
	v20 =	vperm.xlane v19, v0;
	v12 =	vadd.f32 v22, v12  }
0x14c: {  	v21 =	vld [tilespmem:s31+$0xFFFFFE80];
	v22 =	vperm.xlane v23, v0;
	v7 =	vadd.f32 v13, v7;
	v13 =	vperm.xlane v10, v0  }
0x14d: {  	v8 =	vadd.f32 v15, v8;
	v15 =	vperm.xlane v6, v0;
	v19 =	vadd.f32 v20, v19  }
0x14e: {  	v12 =	vsel vm2, v4, v12;
	v10 =	vadd.f32 v13, v10;
	v13 =	vperm.xlane v16, v0  }
0x14f: {  	v6 =	vadd.f32 v15, v6;
	v15 =	vperm.xlane v17, v0;
	v7 =	vsel vm2, v9, v7  }
0x150: {  	s8 =	simm.s32 $0x11100;
	v20 =	vperm.xlane v18, v0;
	v25 =	vperm.xlane v7, v1;
	v13 =	vadd.f32 v13, v16  }
0x151: {  	v4 =	vld [tilespmem:s8+$0xFFFFFF00];
	v16 =	vperm.xlane v14, v0;
	v15 =	vadd.f32 v15, v17;
	v17 =	vperm.xlane v21, v0  }
0x152: {  	v24 =	vld [tilespmem:s8+$0x80];
	v10 =	vsel vm2, v10, v11;
	v5 =	vsel vm2, v6, v5;
	v6 =	vadd.f32 v22, v23  }
0x153: {  	v11 =	vadd.f32 v20, v18;
	v18 =	vld [tilespmem:s8+$0x180];
	v20 =	vperm.xlane v5, v1;
	v9 =	vsel vm2, v13, v15  }
0x154: {  	v7 =	vadd.f32 v25, v7;
	v15 =	vld [tilespmem:s8+$0x380];
	v14 =	vadd.f32 v16, v14;
	v16 =	vperm.xlane v9, v1  }
0x155: {  	v22 =	vld [tilespmem:s8+$0xFFFFFC80];
	v13 =	vperm.xlane v12, v1;
	v17 =	vadd.f32 v17, v21;
	v6 =	vsel vm2, v6, v11  }
0x156: {  	v11 =	vperm.xlane v4, v0;
	v19 =	vsel vm2, v19, v14;
	v9 =	vadd.f32 v16, v9;
	v16 =	vld [tilespmem:s8+$0x280]  }
0x157: {  	v26 =	vld [tilespmem:s8+$0xFFFFFF80];
	v14 =	vperm.xlane v10, v1;
	v12 =	vadd.f32 v13, v12;
	v13 =	vperm.xlane v24, v0  }
0x158: {  	v21 =	vld [tilespmem:s8+$0xFFFFFD80];
	v8 =	vsel vm2, v17, v8;
	v17 =	vperm.xlane v19, v1;
	v27 =	vperm.xlane v18, v0  }
0x159: {  	v30 =	vld [tilespmem:s8+$0x200];
	v11 =	vadd.f32 v11, v4;
	v10 =	vadd.f32 v14, v10;
	v23 =	vperm.xlane v15, v0  }
0x15a: {  	v25 =	vld [tilespmem:s8+$0xFFFFFE00];
	v29 =	vperm.xlane v22, v0;
	v27 =	vadd.f32 v27, v18;
	v18 =	vadd.f32 v20, v5  }
0x15b: {  	v20 =	vld [tilespmem:s8+$0x300];
	v4 =	vadd.f32 v23, v15;
	v15 =	vperm.xlane v6, v1;
	v23 =	vperm.xlane v16, v0  }
0x15c: {  	v63 =	vld [tilespmem:s8+$0x0];
	v14 =	vperm.xlane v8, v1;
	v32 =	vadd.f32 v13, v24;
	v29 =	vadd.f32 v29, v22  }
0x15d: {  	v28 =	vperm.xlane v21, v0;
	v6 =	vadd.f32 v15, v6;
	v5 =	vadd.f32 v23, v16;
	v23 =	vld [tilespmem:s8+$0xFFFFFC00]  }
0x15e: {  	v8 =	vadd.f32 v14, v8;
	v14 =	vld [tilespmem:s8+$0x100];
	v15 =	vsel vm0, v7, v18;
	v16 =	vperm.xlane v26, v0  }
0x15f: {  	v7 =	vperm.xlane v25, v0;
	v22 =	vperm.xlane v15, v2;
	v6 =	vsel vm0, v6, v12  }
0x160: {  	v18 =	vperm.xlane v20, v0;
	v12 =	vadd.f32 v16, v26;
	v26 =	vperm.xlane v30, v0  }
0x161: {  	v31 =	vld [tilespmem:s8+$0xFFFFFE80];
	v7 =	vadd.f32 v7, v25;
	v16 =	vadd.f32 v17, v19;
	v17 =	vsel vm0, v10, v8  }
0x162: {  	v20 =	vadd.f32 v18, v20;
	v25 =	vadd.f32 v26, v30;
	v8 =	vperm.xlane v23, v0  }
0x163: {  	v21 =	vadd.f32 v28, v21;
	v24 =	vperm.xlane v14, v0;
	v10 =	vperm.xlane v63, v0  }
0x164: {  	v18 =	vadd.f32 v8, v23;
	v23 =	vsel vm2, v7, v25;
	v7 =	vsel vm2, v11, v20;
	v11 =	vld [tilespmem:s8+$0xFFFFFD00]  }
0x165: {  	v15 =	vadd.f32 v22, v15;
	v19 =	vperm.xlane v17, v2;
	v13 =	vsel vm0, v16, v9  }
0x166: {  	v26 =	vperm.xlane v31, v0;
	v9 =	vsel vm2, v21, v27;
	v22 =	vadd.f32 v10, v63  }
0x167: {  	v10 =	vsel vm2, v29, v32;
	v21 =	vperm.xlane v6, v2;
	v16 =	vperm.xlane v13, v2  }
0x168: {  	s18 =	simm.s32 $0x10;
	s14 =	simm.s32 $0x11900;
	v20 =	vadd.f32 v26, v31;
	s8 =	simm.s32 $0x10480;
	v8 =	vperm.xlane v7, v1;
	v25 =	vperm.xlane v23, v1  }
.LBB2_9:
0x169: {  	v26 =	vld [tilespmem:s14+$0xFFFFFF00];
	s18 =	sadd.s32 $0x10, s18;
	v27 =	vperm.xlane v11, v0;
	v14 =	vadd.f32 v24, v14;
	v17 =	vadd.f32 v19, v17;
	s12 =	sadd.s32 $0x10, s12  }
0x16a: {  	v12 =	vsel vm2, v12, v4;
	v4 =	vadd.f32 v16, v13;
	v19 =	vld [tilespmem:s14+$0x380];
	p2 =	slt.u32 s18, $0x70;
	v23 =	vadd.f32 v25, v23  }
0x16b: {  	v6 =	vadd.f32 v21, v6;
	v13 =	vld [tilespmem:s14+$0xFFFFFF80];
	v11 =	vadd.f32 v27, v11;
	v15 =	vsel vm1, v17, v15  }
0x16c: {  	v21 =	vperm.xlane v12, v1;
	v17 =	vsel vm2, v18, v22;
	v18 =	vperm.xlane v10, v1;
	v16 =	vld [tilespmem:s14+$0x180]  }
0x16d: {  	v4 =	vsel vm1, v4, v6;
	v6 =	vperm.xlane v15, v3;
	v22 =	vld [tilespmem:s14+$0x280];
	v14 =	vsel vm2, v11, v14  }
0x16e: {  	v20 =	vsel vm2, v20, v5;
	v5 =	vperm.xlane v4, v3;
	v11 =	vperm.xlane v26, v0;
	v24 =	vld [tilespmem:s14+$0xFFFFFD80]  }
0x16f: {  	v28 =	vperm.xlane v17, v1;
	v6 =	vadd.f32 v6, v15;
	v25 =	vld [tilespmem:s14+$0xFFFFFC80];
	v27 =	vperm.xlane v19, v0  }
0x170: {  	v5 =	vadd.f32 v5, v4;
	v15 =	vadd.f32 v11, v26;
	v26 =	vld [tilespmem:s14+$0x80];
	v11 =	vperm.xlane v9, v1  }
0x171: {  	v29 =	vld [tilespmem:s14+$0x300];
	v30 =	vperm.xlane v16, v0;
	v4 =	vadd.f32 v27, v19;
	v19 =	vperm.xlane v14, v1  }
0x172: {  	v5 =	vsel vm3, v5, v6;
	v27 =	vld [tilespmem:s14+$0x0];
	v31 =	vperm.xlane v22, v0;
	v9 =	vadd.f32 v11, v9  }
0x173: {  	v12 =	vadd.f32 v21, v12;
	v32 =	vld [tilespmem:s14+$0xFFFFFE00];
	v6 =	vperm.xlane v24, v0;
	v30 =	vadd.f32 v30, v16;
	[tilespmem:s8+$0x0] =	vst v5;
	s8 =	smov.u32 s12  }
0x174: {  	v7 =	vadd.f32 v8, v7;
	v8 =	vadd.f32 v18, v10;
	v11 =	vld [tilespmem:s14+$0xFFFFFD00];
	v16 =	vperm.xlane v25, v0  }
0x175: {  	v21 =	vperm.xlane v20, v1;
	v5 =	vadd.f32 v31, v22;
	v10 =	vld [tilespmem:s14+$0x200];
	v18 =	vperm.xlane v26, v0  }
0x176: {  	v31 =	vadd.f32 v6, v24;
	v24 =	vperm.xlane v13, v0;
	v6 =	vadd.f32 v19, v14;
	v22 =	vld [tilespmem:s14+$0xFFFFFC00]  }
0x177: {  	v33 =	vadd.f32 v16, v25;
	v16 =	vadd.f32 v21, v20;
	v20 =	vsel vm0, v9, v12  }
0x178: {  	v6 =	vsel vm0, v6, v7;
	v25 =	vperm.xlane v20, v2;
	v9 =	vperm.xlane v32, v0;
	v21 =	vld [tilespmem:s14+$0xFFFFFE80]  }
0x179: {  	v7 =	vperm.xlane v29, v0;
	v12 =	vadd.f32 v24, v13;
	v13 =	vadd.f32 v28, v17;
	v14 =	vld [tilespmem:s14+$0x100]  }
0x17a: {  	v26 =	vadd.f32 v18, v26;
	v17 =	vsel vm0, v8, v16;
	v24 =	vperm.xlane v10, v0  }
0x17b: {  	v19 =	vperm.xlane v17, v2;
	v28 =	vadd.f32 v9, v32;
	v8 =	vperm.xlane v22, v0  }
0x17c: {  	v7 =	vadd.f32 v7, v29;
	v13 =	vsel vm0, v13, v23;
	v32 =	vperm.xlane v27, v0  }
.Ltmp7:
0x17d: {  	v16 =	vperm.xlane v13, v2;
	v10 =	vadd.f32 v24, v10;
	v29 =	vperm.xlane v21, v0;
	(pc) =	sbr.rel @p2 .LBB2_9-.Ltmp7, $4  }
0x17e: {  	v9 =	vsel vm2, v31, v30;
	v18 =	vadd.f32 v8, v22;
	v24 =	vperm.xlane v14, v0  }
0x17f: {  	v7 =	vsel vm2, v15, v7;
	v15 =	vadd.f32 v25, v20;
	v23 =	vsel vm2, v28, v10  }
0x180: {  	v22 =	vadd.f32 v32, v27;
	v8 =	vperm.xlane v7, v1;
	v20 =	vadd.f32 v29, v21  }
0x181: {  	s14 =	sadd.s32 $0x800, s14;
	v10 =	vsel vm2, v33, v26;
	v25 =	vperm.xlane v23, v1;
	v21 =	vperm.xlane v6, v2  }
0x182: {  	v26 =	vperm.xlane v11, v0  }
0x183: {  	v14 =	vadd.f32 v24, v14;
	v17 =	vadd.f32 v19, v17;
	v4 =	vsel vm2, v12, v4  }
0x184: {  	v46 =	vsel vm2, v18, v22;
	v48 =	vperm.xlane v9, v1;
	v49 =	vperm.xlane v10, v1  }
0x185: {  	v5 =	vsel vm2, v20, v5;
	v7 =	vadd.f32 v8, v7;
	v11 =	vadd.f32 v26, v11  }
0x186: {  	v45 =	vadd.f32 v25, v23;
	v47 =	vperm.xlane v4, v1;
	v51 =	vperm.xlane v5, v1  }
0x187: {  	v52 =	vperm.xlane v46, v1;
	v9 =	vadd.f32 v48, v9;
	v11 =	vsel vm2, v11, v14  }
0x188: {  	v53 =	vadd.f32 v49, v10;
	v4 =	vadd.f32 v47, v4;
	v50 =	vperm.xlane v11, v1  }
0x189: {  	v5 =	vadd.f32 v51, v5;
	v12 =	vadd.f32 v52, v46  }
0x18a: {  	v55 =	vadd.f32 v16, v13;
	v54 =	vadd.f32 v50, v11  }
0x18b: {  	v4 =	vsel vm0, v9, v4;
	v5 =	vsel vm0, v53, v5;
	v58 =	vsel vm0, v12, v45  }
0x18c: {  	v56 =	vperm.xlane v4, v2;
	v57 =	vperm.xlane v5, v2;
	v7 =	vsel vm0, v54, v7  }
0x18d: {  	v6 =	vadd.f32 v21, v6;
	v12 =	vperm.xlane v58, v2;
	v59 =	vperm.xlane v7, v2  }
0x18e: {  	v4 =	vadd.f32 v56, v4;
	v5 =	vadd.f32 v57, v5  }
0x18f: {  	v60 =	vsel vm1, v17, v15;
	v61 =	vadd.f32 v12, v58;
	v7 =	vadd.f32 v59, v7  }
0x190: {  	v6 =	vsel vm1, v55, v6;
	v62 =	vperm.xlane v60, v3  }
0x191: {  	v11 =	vperm.xlane v6, v3;
	v4 =	vsel vm1, v5, v4;
	v5 =	vsel vm1, v61, v7  }
0x192: {  	v63 =	vperm.xlane v4, v3;
	v9 =	vperm.xlane v5, v3  }
0x193: {  	v8 =	vadd.f32 v62, v60;
	v6 =	vadd.f32 v11, v6  }
0x194: {  	v4 =	vadd.f32 v63, v4;
	v5 =	vadd.f32 v9, v5  }
0x195: {  	v6 =	vsel vm3, v6, v8  }
0x196: {  	s12 =	sadd.s32 $0x10, s12;
	s31 =	sadd.s32 s9, s5;
	[tilespmem:s8+$0x0] =	vst v6;
	v4 =	vsel vm3, v5, v4  }
0x197: {  	s8 =	sadd.s32 $0x200, s31;
	[tilespmem:s12+$0x0] =	vst v4  }
0x198: {  	[hbm4b:s8+s7] =	stream.linear.scatter [tilespmem:s30], [sflag:$0x8], $0x80, $0x38;
	[tilespmem:$0x14500] =	vst v63  }
0x199: {  	s8 =	sadd.s32 s10, s3  }
0x19a: {  	p2 =	sgt.u32 s8, $0x9C3  }
0x19b: {  	s8 =	sshll.u32 @!p2 s8, $0x5  }
0x19c: {  	s9 =	simm.s32 @!p2 $0x0;
	s8 =	sadd.s32 @!p2 s2, s8  }
0x19d: {  	[tilespmem:s9], [sflag:$0x1] =	stream.linear.gather @!p2 [hbm4b:s8+s9], $0x100, $0x38;
	[tilespmem:$0x14500] =	vst v63  }
0x19e: {  	s8 =	simm.s32 @!p0 $0x4  }
0x19f: {  	_ =	swait.ge @!p0 [sflag:s8], $0x100  }
.Ltmp8:
0x1a0: {  	s14 =	simm.s32 @!p0 $0x4400;
	[sflag:s8] =	ssyncset.done @!p0 $0x0;
	(pc) =	sbr.rel @p1 .LBB2_16-.Ltmp8, $4  }
0x1a1: {  	s12 =	simm.s32 @!p0 $0x300;
	[sflag:s8] =	ssyncadd.s32 @!p0 $0xFFFFFF00;
	s8 =	simm.s32 @!p0 $0x80  }
0x1a2: {  	[tilespmem:s14], [sflag:$0x6] =	stream.indirect.gather @!p0 [hbm4b:s0+s8], $0x80, s12, s8, $0xb8;
	[tilespmem:$0x14500] =	vst v63  }
0x1a3: {  	s12 =	simm.s32 @!p0 $0x380;
	s14 =	simm.s32 @!p0 $0xC400  }
0x1a4: {  	[tilespmem:s14], [sflag:$0x6] =	stream.indirect.gather @!p0 [hbm4b:s1+s8], $0x80, s12, s8, $0xb8;
	[tilespmem:$0x14500] =	vst v63  }
0x1a5: {  	_ =	swait.ge [sflag:s26], $0x4000  }
0x1a6: {  	[sflag:s26] =	ssyncset.done $0x0  }
0x1a7: {  	[sflag:s26] =	ssyncadd.s32 $0xFFFFC000  }
0x1a8: {  	_ =	swait.ge [sflag:s26], $0x4000  }
0x1a9: {  	[sflag:s26] =	ssyncset.done $0x0  }
0x1aa: {  	[sflag:s26] =	ssyncadd.s32 $0xFFFFC000  }
0x1ab: {  	_ =	swait.ge [sflag:s13], $0x80  }
0x1ac: {  	[sflag:s13] =	ssyncset.done $0x0  }
0x1ad: {  	s12 =	simm.s32 $0x480;
	[sflag:s13] =	ssyncadd.s32 $0xFFFFFF80  }
0x1ae: {  	s8 =	simm.s32 $0x8480;
	v4 =	vld [tilespmem:s12+$0x0]  }
0x1af: {  	v5 =	vld [tilespmem:s8+$0x0]  }
0x1b0: {  	v6 =	vld [tilespmem:s12+$0x10]  }
0x1b1: {  	v7 =	vld [tilespmem:s8+$0x10]  }
0x1b2: {  	v8 =	vld [tilespmem:s12+$0x20]  }
0x1b3: {  	v9 =	vld [tilespmem:s8+$0x20]  }
0x1b4: {  	v10 =	vld [tilespmem:s12+$0x30]  }
0x1b5: {  	v11 =	vld [tilespmem:s8+$0x30]  }
0x1b6: {  	v12 =	vld [tilespmem:s12+$0x40]  }
0x1b7: {  	v13 =	vld [tilespmem:s8+$0x40]  }
0x1b8: {  	v14 =	vld [tilespmem:s12+$0x50]  }
0x1b9: {  	v15 =	vld [tilespmem:s8+$0x50]  }
0x1ba: {  	v16 =	vld [tilespmem:s12+$0x60]  }
0x1bb: {  	v17 =	vld [tilespmem:s8+$0x60]  }
0x1bc: {  	v58 =	vld [tilespmem:s12+$0xFFFFFFA0];
	v4 =	vmul.f32 v5, v4;
	v5 =	vmul.f32 v7, v6  }
0x1bd: {  	v6 =	vld [tilespmem:s12+$0x70]  }
0x1be: {  	v4 =	vadd.f32 v5, v4;
	v5 =	vmul.f32 v9, v8;
	v8 =	vld [tilespmem:s8+$0xFFFFFF80]  }
0x1bf: {  	v9 =	vld [tilespmem:s12+$0xFFFFFF90]  }
0x1c0: {  	v4 =	vadd.f32 v5, v4;
	v5 =	vmul.f32 v11, v10;
	v10 =	vld [tilespmem:s8+$0xFFFFFF90]  }
0x1c1: {  	v11 =	vld [tilespmem:s12+$0xFFFFFF80]  }
0x1c2: {  	v7 =	vld [tilespmem:s8+$0x70];
	v4 =	vadd.f32 v5, v4;
	v5 =	vmul.f32 v13, v12  }
0x1c3: {  	v59 =	vld [tilespmem:s8+$0xFFFFFFA0]  }
0x1c4: {  	v60 =	vld [tilespmem:s12+$0xFFFFFFB0];
	v4 =	vadd.f32 v5, v4;
	v5 =	vmul.f32 v15, v14  }
0x1c5: {  	v61 =	vld [tilespmem:s8+$0xFFFFFFB0];
	v9 =	vmul.f32 v10, v9  }
0x1c6: {  	v62 =	vld [tilespmem:s12+$0xFFFFFFC0];
	v8 =	vmul.f32 v8, v11;
	v4 =	vadd.f32 v5, v4;
	v5 =	vmul.f32 v17, v16  }
0x1c7: {  	v6 =	vmul.f32 v7, v6;
	v11 =	vld [tilespmem:s8+$0xFFFFFFC0]  }
0x1c8: {  	v7 =	vld [tilespmem:s8+$0xFFFFFFD0];
	v8 =	vadd.f32 v9, v8;
	v9 =	vmul.f32 v59, v58;
	v10 =	vadd.f32 v5, v4  }
0x1c9: {  	v4 =	vld [tilespmem:s12+$0xFFFFFFD0]  }
0x1ca: {  	v63 =	vmul.f32 v61, v60;
	v5 =	vld [tilespmem:s12+$0xFFFFFFE0];
	v9 =	vadd.f32 v9, v8;
	v10 =	vadd.f32 v6, v10  }
0x1cb: {  	s14 =	simm.s32 $0x10580;
	v8 =	vld [tilespmem:s8+$0xFFFFFFE0]  }
0x1cc: {  	v6 =	vld [tilespmem:s12+$0xFFFFFFF0];
	v11 =	vmul.f32 v11, v62;
	[tilespmem:s14+$0x0] =	vst v10;
	v10 =	vadd.f32 v63, v9  }
0x1cd: {  	s18 =	simm.s32 $0x0;
	s16 =	simm.s32 $0x580;
	v9 =	vld [tilespmem:s8+$0xFFFFFFF0]  }
.LBB2_12:
0x1ce: {  	v12 =	vld [tilespmem:s16+$0x0];
	v10 =	vadd.f32 v11, v10;
	v4 =	vmul.f32 v7, v4;
	s8 =	sadd.s32 $0x100, s8  }
0x1cf: {  	v7 =	vld [tilespmem:s8+$0x0]  }
0x1d0: {  	v11 =	vld [tilespmem:s16+$0x10];
	v4 =	vadd.f32 v4, v10;
	v5 =	vmul.f32 v8, v5  }
0x1d1: {  	s18 =	sadd.s32 $0x2, s18;
	v8 =	vld [tilespmem:s8+$0x10]  }
0x1d2: {  	p1 =	slt.u32 s18, $0x7E;
	v10 =	vld [tilespmem:s16+$0x20];
	v4 =	vadd.f32 v5, v4;
	v5 =	vmul.f32 v9, v6  }
0x1d3: {  	v6 =	vld [tilespmem:s8+$0x20]  }
0x1d4: {  	v9 =	vld [tilespmem:s16+$0x30];
	v4 =	vadd.f32 v5, v4  }
0x1d5: {  	v5 =	vld [tilespmem:s8+$0x30]  }
0x1d6: {  	v7 =	vmul.f32 v7, v12;
	v8 =	vmul.f32 v8, v11;
	v11 =	vld [tilespmem:s16+$0x40];
	[tilespmem:s14+$0xFFFFFF80] =	vst v4  }
0x1d7: {  	v4 =	vld [tilespmem:s8+$0x40]  }
0x1d8: {  	v7 =	vadd.f32 v8, v7;
	v6 =	vmul.f32 v6, v10;
	v8 =	vld [tilespmem:s16+$0x50]  }
0x1d9: {  	v10 =	vld [tilespmem:s8+$0x50]  }
0x1da: {  	v6 =	vadd.f32 v6, v7;
	v5 =	vmul.f32 v5, v9;
	v7 =	vld [tilespmem:s16+$0x60]  }
0x1db: {  	v9 =	vld [tilespmem:s8+$0x60]  }
0x1dc: {  	v5 =	vadd.f32 v5, v6;
	v4 =	vmul.f32 v4, v11;
	v6 =	vld [tilespmem:s16+$0x70]  }
0x1dd: {  	v11 =	vld [tilespmem:s8+$0x70]  }
0x1de: {  	v12 =	vld [tilespmem:s8+$0xFFFFFF80];
	v4 =	vadd.f32 v4, v5;
	v5 =	vmul.f32 v10, v8  }
0x1df: {  	v8 =	vld [tilespmem:s16+$0xFFFFFF90]  }
0x1e0: {  	v10 =	vld [tilespmem:s8+$0xFFFFFF90];
	v4 =	vadd.f32 v5, v4;
	v5 =	vmul.f32 v9, v7  }
0x1e1: {  	v7 =	vld [tilespmem:s16+$0xFFFFFF80]  }
0x1e2: {  	v9 =	vld [tilespmem:s16+$0xFFFFFFA0];
	v4 =	vadd.f32 v5, v4;
	v5 =	vmul.f32 v11, v6  }
0x1e3: {  	v6 =	vld [tilespmem:s8+$0xFFFFFFA0]  }
0x1e4: {  	v11 =	vld [tilespmem:s16+$0xFFFFFFB0];
	v4 =	vadd.f32 v5, v4  }
0x1e5: {  	s14 =	sadd.s32 $0x100, s14;
	v5 =	vmul.f32 v10, v8;
	v8 =	vld [tilespmem:s8+$0xFFFFFFB0]  }
0x1e6: {  	s12 =	simm.s32 $0x10400;
	s31 =	simm.s32 $0x10900;
	v7 =	vmul.f32 v12, v7;
	v12 =	vld [tilespmem:s16+$0xFFFFFFC0];
	[tilespmem:s14+$0x0] =	vst v4  }
0x1e7: {  	v13 =	vld [tilespmem:s8+$0xFFFFFFC0]  }
0x1e8: {  	v5 =	vadd.f32 v5, v7;
	v6 =	vmul.f32 v6, v9;
	v4 =	vld [tilespmem:s16+$0xFFFFFFD0]  }
.Ltmp9:
0x1e9: {  	v7 =	vld [tilespmem:s8+$0xFFFFFFD0];
	(pc) =	sbr.rel @p1 .LBB2_12-.Ltmp9, $4  }
0x1ea: {  	v6 =	vadd.f32 v6, v5;
	v9 =	vmul.f32 v8, v11;
	v5 =	vld [tilespmem:s16+$0xFFFFFFE0]  }
0x1eb: {  	v8 =	vld [tilespmem:s8+$0xFFFFFFE0]  }
0x1ec: {  	v10 =	vadd.f32 v9, v6;
	v11 =	vmul.f32 v13, v12;
	v6 =	vld [tilespmem:s16+$0xFFFFFFF0]  }
0x1ed: {  	s16 =	sadd.s32 $0x100, s16;
	v9 =	vld [tilespmem:s8+$0xFFFFFFF0]  }
0x1ee: {  	v10 =	vadd.f32 v11, v10;
	v4 =	vmul.f32 v7, v4;
	_ =	sdelay $0x1  }
0x1ef: {  	v4 =	vadd.f32 v4, v10;
	v5 =	vmul.f32 v8, v5;
	_ =	sdelay $0x1  }
0x1f0: {  	v4 =	vadd.f32 v5, v4;
	v5 =	vmul.f32 v9, v6;
	_ =	sdelay $0x1  }
0x1f1: {  	v4 =	vadd.f32 v5, v4;
	_ =	sdelay $0x1  }
0x1f2: {  	[tilespmem:s14+$0xFFFFFF80] =	vst v4  }
0x1f3: {  	v4 =	vld [tilespmem:s31+$0xFFFFFF00]  }
0x1f4: {  	v5 =	vld [tilespmem:s31+$0x380]  }
0x1f5: {  	v6 =	vld [tilespmem:s31+$0xFFFFFF80]  }
0x1f6: {  	v7 =	vld [tilespmem:s31+$0x180]  }
0x1f7: {  	v8 =	vld [tilespmem:s31+$0x280]  }
0x1f8: {  	v9 =	vld [tilespmem:s31+$0xFFFFFD80]  }
0x1f9: {  	v11 =	vld [tilespmem:s31+$0x80]  }
0x1fa: {  	v12 =	vld [tilespmem:s31+$0x300]  }
0x1fb: {  	v10 =	vld [tilespmem:s31+$0xFFFFFC80]  }
0x1fc: {  	v19 =	vld [tilespmem:s31+$0xFFFFFC00]  }
0x1fd: {  	v23 =	vld [tilespmem:s31+$0xFFFFFD00];
	v13 =	vperm.xlane v4, v0;
	v15 =	vperm.xlane v5, v0  }
0x1fe: {  	v14 =	vld [tilespmem:s31+$0x0];
	v18 =	vperm.xlane v9, v0;
	v20 =	vperm.xlane v11, v0  }
0x1ff: {  	v16 =	vld [tilespmem:s31+$0xFFFFFE00];
	v22 =	vperm.xlane v12, v0;
	v4 =	vadd.f32 v13, v4;
	v13 =	vperm.xlane v7, v0  }
0x200: {  	v17 =	vld [tilespmem:s31+$0x200];
	v5 =	vadd.f32 v15, v5;
	v15 =	vperm.xlane v8, v0;
	v9 =	vadd.f32 v18, v9  }
0x201: {  	v18 =	vld [tilespmem:s31+$0x100];
	v11 =	vadd.f32 v20, v11;
	v20 =	vperm.xlane v19, v0;
	v12 =	vadd.f32 v22, v12  }
0x202: {  	v21 =	vld [tilespmem:s31+$0xFFFFFE80];
	v22 =	vperm.xlane v23, v0;
	v7 =	vadd.f32 v13, v7;
	v13 =	vperm.xlane v10, v0  }
0x203: {  	v8 =	vadd.f32 v15, v8;
	v15 =	vperm.xlane v6, v0;
	v19 =	vadd.f32 v20, v19  }
0x204: {  	v12 =	vsel vm2, v4, v12;
	v10 =	vadd.f32 v13, v10;
	v13 =	vperm.xlane v16, v0  }
0x205: {  	v6 =	vadd.f32 v15, v6;
	v15 =	vperm.xlane v17, v0;
	v7 =	vsel vm2, v9, v7  }
0x206: {  	s8 =	simm.s32 $0x11100;
	v20 =	vperm.xlane v18, v0;
	v25 =	vperm.xlane v7, v1;
	v13 =	vadd.f32 v13, v16  }
0x207: {  	v4 =	vld [tilespmem:s8+$0xFFFFFF00];
	v16 =	vperm.xlane v14, v0;
	v15 =	vadd.f32 v15, v17;
	v17 =	vperm.xlane v21, v0  }
0x208: {  	v24 =	vld [tilespmem:s8+$0x80];
	v10 =	vsel vm2, v10, v11;
	v5 =	vsel vm2, v6, v5;
	v6 =	vadd.f32 v22, v23  }
0x209: {  	v11 =	vadd.f32 v20, v18;
	v18 =	vld [tilespmem:s8+$0x180];
	v20 =	vperm.xlane v5, v1;
	v9 =	vsel vm2, v13, v15  }
0x20a: {  	v7 =	vadd.f32 v25, v7;
	v15 =	vld [tilespmem:s8+$0x380];
	v14 =	vadd.f32 v16, v14;
	v16 =	vperm.xlane v9, v1  }
0x20b: {  	v22 =	vld [tilespmem:s8+$0xFFFFFC80];
	v13 =	vperm.xlane v12, v1;
	v17 =	vadd.f32 v17, v21;
	v6 =	vsel vm2, v6, v11  }
0x20c: {  	v11 =	vperm.xlane v4, v0;
	v19 =	vsel vm2, v19, v14;
	v9 =	vadd.f32 v16, v9;
	v16 =	vld [tilespmem:s8+$0x280]  }
0x20d: {  	v26 =	vld [tilespmem:s8+$0xFFFFFF80];
	v14 =	vperm.xlane v10, v1;
	v12 =	vadd.f32 v13, v12;
	v13 =	vperm.xlane v24, v0  }
0x20e: {  	v21 =	vld [tilespmem:s8+$0xFFFFFD80];
	v8 =	vsel vm2, v17, v8;
	v17 =	vperm.xlane v19, v1;
	v27 =	vperm.xlane v18, v0  }
0x20f: {  	v30 =	vld [tilespmem:s8+$0x200];
	v11 =	vadd.f32 v11, v4;
	v10 =	vadd.f32 v14, v10;
	v23 =	vperm.xlane v15, v0  }
0x210: {  	v25 =	vld [tilespmem:s8+$0xFFFFFE00];
	v29 =	vperm.xlane v22, v0;
	v27 =	vadd.f32 v27, v18;
	v18 =	vadd.f32 v20, v5  }
0x211: {  	v20 =	vld [tilespmem:s8+$0x300];
	v4 =	vadd.f32 v23, v15;
	v15 =	vperm.xlane v6, v1;
	v23 =	vperm.xlane v16, v0  }
0x212: {  	v63 =	vld [tilespmem:s8+$0x0];
	v14 =	vperm.xlane v8, v1;
	v32 =	vadd.f32 v13, v24;
	v29 =	vadd.f32 v29, v22  }
0x213: {  	v28 =	vperm.xlane v21, v0;
	v6 =	vadd.f32 v15, v6;
	v5 =	vadd.f32 v23, v16;
	v23 =	vld [tilespmem:s8+$0xFFFFFC00]  }
0x214: {  	v8 =	vadd.f32 v14, v8;
	v14 =	vld [tilespmem:s8+$0x100];
	v15 =	vsel vm0, v7, v18;
	v16 =	vperm.xlane v26, v0  }
0x215: {  	v7 =	vperm.xlane v25, v0;
	v22 =	vperm.xlane v15, v2;
	v6 =	vsel vm0, v6, v12  }
0x216: {  	v18 =	vperm.xlane v20, v0;
	v12 =	vadd.f32 v16, v26;
	v26 =	vperm.xlane v30, v0  }
0x217: {  	v31 =	vld [tilespmem:s8+$0xFFFFFE80];
	v7 =	vadd.f32 v7, v25;
	v16 =	vadd.f32 v17, v19;
	v17 =	vsel vm0, v10, v8  }
0x218: {  	v20 =	vadd.f32 v18, v20;
	v25 =	vadd.f32 v26, v30;
	v8 =	vperm.xlane v23, v0  }
0x219: {  	v21 =	vadd.f32 v28, v21;
	v24 =	vperm.xlane v14, v0;
	v10 =	vperm.xlane v63, v0  }
0x21a: {  	v18 =	vadd.f32 v8, v23;
	v23 =	vsel vm2, v7, v25;
	v7 =	vsel vm2, v11, v20;
	v11 =	vld [tilespmem:s8+$0xFFFFFD00]  }
0x21b: {  	v15 =	vadd.f32 v22, v15;
	v19 =	vperm.xlane v17, v2;
	v13 =	vsel vm0, v16, v9  }
0x21c: {  	v26 =	vperm.xlane v31, v0;
	v9 =	vsel vm2, v21, v27;
	v22 =	vadd.f32 v10, v63  }
0x21d: {  	v10 =	vsel vm2, v29, v32;
	v21 =	vperm.xlane v6, v2;
	v16 =	vperm.xlane v13, v2  }
0x21e: {  	s18 =	simm.s32 $0x10;
	s14 =	simm.s32 $0x11900;
	v20 =	vadd.f32 v26, v31;
	s8 =	simm.s32 $0x10400;
	v8 =	vperm.xlane v7, v1;
	v25 =	vperm.xlane v23, v1  }
.LBB2_14:
0x21f: {  	v26 =	vld [tilespmem:s14+$0xFFFFFF00];
	s18 =	sadd.s32 $0x10, s18;
	v27 =	vperm.xlane v11, v0;
	v14 =	vadd.f32 v24, v14;
	v17 =	vadd.f32 v19, v17;
	s12 =	sadd.s32 $0x10, s12  }
0x220: {  	v12 =	vsel vm2, v12, v4;
	v4 =	vadd.f32 v16, v13;
	v19 =	vld [tilespmem:s14+$0x380];
	p1 =	slt.u32 s18, $0x70;
	v23 =	vadd.f32 v25, v23  }
0x221: {  	v6 =	vadd.f32 v21, v6;
	v13 =	vld [tilespmem:s14+$0xFFFFFF80];
	v11 =	vadd.f32 v27, v11;
	v15 =	vsel vm1, v17, v15  }
0x222: {  	v21 =	vperm.xlane v12, v1;
	v17 =	vsel vm2, v18, v22;
	v18 =	vperm.xlane v10, v1;
	v16 =	vld [tilespmem:s14+$0x180]  }
0x223: {  	v4 =	vsel vm1, v4, v6;
	v6 =	vperm.xlane v15, v3;
	v22 =	vld [tilespmem:s14+$0x280];
	v14 =	vsel vm2, v11, v14  }
0x224: {  	v20 =	vsel vm2, v20, v5;
	v5 =	vperm.xlane v4, v3;
	v11 =	vperm.xlane v26, v0;
	v24 =	vld [tilespmem:s14+$0xFFFFFD80]  }
0x225: {  	v28 =	vperm.xlane v17, v1;
	v6 =	vadd.f32 v6, v15;
	v25 =	vld [tilespmem:s14+$0xFFFFFC80];
	v27 =	vperm.xlane v19, v0  }
0x226: {  	v5 =	vadd.f32 v5, v4;
	v15 =	vadd.f32 v11, v26;
	v26 =	vld [tilespmem:s14+$0x80];
	v11 =	vperm.xlane v9, v1  }
0x227: {  	v29 =	vld [tilespmem:s14+$0x300];
	v30 =	vperm.xlane v16, v0;
	v4 =	vadd.f32 v27, v19;
	v19 =	vperm.xlane v14, v1  }
0x228: {  	v5 =	vsel vm3, v5, v6;
	v27 =	vld [tilespmem:s14+$0x0];
	v31 =	vperm.xlane v22, v0;
	v9 =	vadd.f32 v11, v9  }
0x229: {  	v12 =	vadd.f32 v21, v12;
	v32 =	vld [tilespmem:s14+$0xFFFFFE00];
	v6 =	vperm.xlane v24, v0;
	v30 =	vadd.f32 v30, v16;
	[tilespmem:s8+$0x0] =	vst v5;
	s8 =	smov.u32 s12  }
0x22a: {  	v7 =	vadd.f32 v8, v7;
	v8 =	vadd.f32 v18, v10;
	v11 =	vld [tilespmem:s14+$0xFFFFFD00];
	v16 =	vperm.xlane v25, v0  }
0x22b: {  	v21 =	vperm.xlane v20, v1;
	v5 =	vadd.f32 v31, v22;
	v10 =	vld [tilespmem:s14+$0x200];
	v18 =	vperm.xlane v26, v0  }
0x22c: {  	v31 =	vadd.f32 v6, v24;
	v24 =	vperm.xlane v13, v0;
	v6 =	vadd.f32 v19, v14;
	v22 =	vld [tilespmem:s14+$0xFFFFFC00]  }
0x22d: {  	v33 =	vadd.f32 v16, v25;
	v16 =	vadd.f32 v21, v20;
	v20 =	vsel vm0, v9, v12  }
0x22e: {  	v6 =	vsel vm0, v6, v7;
	v25 =	vperm.xlane v20, v2;
	v9 =	vperm.xlane v32, v0;
	v21 =	vld [tilespmem:s14+$0xFFFFFE80]  }
0x22f: {  	v7 =	vperm.xlane v29, v0;
	v12 =	vadd.f32 v24, v13;
	v13 =	vadd.f32 v28, v17;
	v14 =	vld [tilespmem:s14+$0x100]  }
0x230: {  	v26 =	vadd.f32 v18, v26;
	v17 =	vsel vm0, v8, v16;
	v24 =	vperm.xlane v10, v0  }
0x231: {  	v19 =	vperm.xlane v17, v2;
	v28 =	vadd.f32 v9, v32;
	v8 =	vperm.xlane v22, v0  }
0x232: {  	v7 =	vadd.f32 v7, v29;
	v13 =	vsel vm0, v13, v23;
	v32 =	vperm.xlane v27, v0  }
.Ltmp10:
0x233: {  	v16 =	vperm.xlane v13, v2;
	v10 =	vadd.f32 v24, v10;
	v29 =	vperm.xlane v21, v0;
	(pc) =	sbr.rel @p1 .LBB2_14-.Ltmp10, $4  }
0x234: {  	v9 =	vsel vm2, v31, v30;
	v18 =	vadd.f32 v8, v22;
	v24 =	vperm.xlane v14, v0  }
0x235: {  	v7 =	vsel vm2, v15, v7;
	v15 =	vadd.f32 v25, v20;
	v23 =	vsel vm2, v28, v10  }
0x236: {  	v22 =	vadd.f32 v32, v27;
	v8 =	vperm.xlane v7, v1;
	v20 =	vadd.f32 v29, v21  }
0x237: {  	s14 =	sadd.s32 $0x800, s14;
	v10 =	vsel vm2, v33, v26;
	v25 =	vperm.xlane v23, v1;
	v21 =	vperm.xlane v6, v2  }
0x238: {  	v26 =	vperm.xlane v11, v0  }
0x239: {  	v14 =	vadd.f32 v24, v14;
	v17 =	vadd.f32 v19, v17;
	v4 =	vsel vm2, v12, v4  }
0x23a: {  	v46 =	vsel vm2, v18, v22;
	v48 =	vperm.xlane v9, v1;
	v49 =	vperm.xlane v10, v1  }
0x23b: {  	v5 =	vsel vm2, v20, v5;
	v7 =	vadd.f32 v8, v7;
	v11 =	vadd.f32 v26, v11  }
0x23c: {  	v45 =	vadd.f32 v25, v23;
	v47 =	vperm.xlane v4, v1;
	v51 =	vperm.xlane v5, v1  }
0x23d: {  	v52 =	vperm.xlane v46, v1;
	v9 =	vadd.f32 v48, v9;
	v11 =	vsel vm2, v11, v14  }
0x23e: {  	v53 =	vadd.f32 v49, v10;
	v4 =	vadd.f32 v47, v4;
	v50 =	vperm.xlane v11, v1  }
0x23f: {  	v5 =	vadd.f32 v51, v5;
	v12 =	vadd.f32 v52, v46  }
0x240: {  	v55 =	vadd.f32 v16, v13;
	v54 =	vadd.f32 v50, v11  }
0x241: {  	v4 =	vsel vm0, v9, v4;
	v5 =	vsel vm0, v53, v5;
	v58 =	vsel vm0, v12, v45  }
0x242: {  	v56 =	vperm.xlane v4, v2;
	v57 =	vperm.xlane v5, v2;
	v7 =	vsel vm0, v54, v7  }
0x243: {  	v6 =	vadd.f32 v21, v6;
	v12 =	vperm.xlane v58, v2;
	v59 =	vperm.xlane v7, v2  }
0x244: {  	v4 =	vadd.f32 v56, v4;
	v5 =	vadd.f32 v57, v5  }
0x245: {  	v60 =	vsel vm1, v17, v15;
	v61 =	vadd.f32 v12, v58;
	v7 =	vadd.f32 v59, v7  }
0x246: {  	v6 =	vsel vm1, v55, v6;
	v62 =	vperm.xlane v60, v3  }
0x247: {  	v11 =	vperm.xlane v6, v3;
	v4 =	vsel vm1, v5, v4;
	v5 =	vsel vm1, v61, v7  }
0x248: {  	v63 =	vperm.xlane v4, v3;
	v9 =	vperm.xlane v5, v3  }
0x249: {  	v8 =	vadd.f32 v62, v60;
	v6 =	vadd.f32 v11, v6  }
0x24a: {  	v4 =	vadd.f32 v63, v4;
	v5 =	vadd.f32 v9, v5  }
0x24b: {  	v6 =	vsel vm3, v6, v8  }
0x24c: {  	s12 =	sadd.s32 $0x10, s12;
	s31 =	sshll.u32 s21, $0x4;
	[tilespmem:s8+$0x0] =	vst v6;
	v4 =	vsel vm3, v5, v4  }
0x24d: {  	s8 =	sadd.s32 s5, s31;
	[tilespmem:s12+$0x0] =	vst v4  }
0x24e: {  	[hbm4b:s8+s7] =	stream.linear.scatter [tilespmem:s28], [sflag:$0x7], $0x80, $0x38;
	[tilespmem:$0x14500] =	vst v63  }
.LBB2_16:
0x24f: {  	s3 =	sadd.s32 s11, s3  }
0x250: {  	p1 =	sgt.u32 s3, $0x9C3  }
0x251: {  	s3 =	sshll.u32 @!p1 s3, $0x5  }
0x252: {  	s8 =	simm.s32 @!p1 $0x0;
	s12 =	simm.s32 @!p1 $0x100;
	s3 =	sadd.s32 @!p1 s2, s3  }
0x253: {  	[tilespmem:s12], [sflag:$0x2] =	stream.linear.gather @!p1 [hbm4b:s3+s8], $0x100, $0x38;
	[tilespmem:$0x14500] =	vst v63  }
0x254: {  	s3 =	simm.s32 @!p2 $0x1  }
0x255: {  	_ =	swait.ge @!p2 [sflag:s3], $0x100  }
.Ltmp11:
0x256: {  	[sflag:s3] =	ssyncset.done @!p2 $0x0;
	(pc) =	sbr.rel @p0 .LBB2_22-.Ltmp11, $4  }
0x257: {  	s8 =	simm.s32 @!p2 $0x400;
	[sflag:s3] =	ssyncadd.s32 @!p2 $0xFFFFFF00;
	s3 =	simm.s32 @!p2 $0x80  }
0x258: {  	[tilespmem:s8], [sflag:$0x5] =	stream.indirect.gather @!p2 [hbm4b:s0+s3], $0x80, s9, s3, $0xb8;
	[tilespmem:$0x14500] =	vst v63  }
0x259: {  	s8 =	simm.s32 @!p2 $0x8400  }
0x25a: {  	[tilespmem:s8], [sflag:$0x5] =	stream.indirect.gather @!p2 [hbm4b:s1+s3], $0x80, s3, s3, $0xb8;
	[tilespmem:$0x14500] =	vst v63  }
0x25b: {  	_ =	swait.ge [sflag:s29], $0x4000  }
0x25c: {  	[sflag:s29] =	ssyncset.done $0x0  }
0x25d: {  	[sflag:s29] =	ssyncadd.s32 $0xFFFFC000  }
0x25e: {  	_ =	swait.ge [sflag:s29], $0x4000  }
0x25f: {  	[sflag:s29] =	ssyncset.done $0x0  }
0x260: {  	[sflag:s29] =	ssyncadd.s32 $0xFFFFC000  }
0x261: {  	_ =	swait.ge [sflag:s15], $0x80  }
0x262: {  	[sflag:s15] =	ssyncset.done $0x0  }
0x263: {  	s3 =	simm.s32 $0x4480;
	[sflag:s15] =	ssyncadd.s32 $0xFFFFFF80  }
0x264: {  	s8 =	simm.s32 $0xC480;
	v4 =	vld [tilespmem:s3+$0x0]  }
0x265: {  	v5 =	vld [tilespmem:s8+$0x0]  }
0x266: {  	v6 =	vld [tilespmem:s3+$0x10]  }
0x267: {  	v7 =	vld [tilespmem:s8+$0x10]  }
0x268: {  	v8 =	vld [tilespmem:s3+$0x20]  }
0x269: {  	v9 =	vld [tilespmem:s8+$0x20]  }
0x26a: {  	v10 =	vld [tilespmem:s3+$0x30]  }
0x26b: {  	v11 =	vld [tilespmem:s8+$0x30]  }
0x26c: {  	v12 =	vld [tilespmem:s3+$0x40]  }
0x26d: {  	v13 =	vld [tilespmem:s8+$0x40]  }
0x26e: {  	v14 =	vld [tilespmem:s3+$0x50]  }
0x26f: {  	v15 =	vld [tilespmem:s8+$0x50]  }
0x270: {  	v16 =	vld [tilespmem:s3+$0x60]  }
0x271: {  	v17 =	vld [tilespmem:s8+$0x60]  }
0x272: {  	v58 =	vld [tilespmem:s3+$0xFFFFFFA0];
	v4 =	vmul.f32 v5, v4;
	v5 =	vmul.f32 v7, v6  }
0x273: {  	v6 =	vld [tilespmem:s3+$0x70]  }
0x274: {  	v4 =	vadd.f32 v5, v4;
	v5 =	vmul.f32 v9, v8;
	v8 =	vld [tilespmem:s8+$0xFFFFFF80]  }
0x275: {  	v9 =	vld [tilespmem:s3+$0xFFFFFF90]  }
0x276: {  	v4 =	vadd.f32 v5, v4;
	v5 =	vmul.f32 v11, v10;
	v10 =	vld [tilespmem:s8+$0xFFFFFF90]  }
0x277: {  	v11 =	vld [tilespmem:s3+$0xFFFFFF80]  }
0x278: {  	v7 =	vld [tilespmem:s8+$0x70];
	v4 =	vadd.f32 v5, v4;
	v5 =	vmul.f32 v13, v12  }
0x279: {  	v59 =	vld [tilespmem:s8+$0xFFFFFFA0]  }
0x27a: {  	v60 =	vld [tilespmem:s3+$0xFFFFFFB0];
	v4 =	vadd.f32 v5, v4;
	v5 =	vmul.f32 v15, v14  }
0x27b: {  	v61 =	vld [tilespmem:s8+$0xFFFFFFB0];
	v9 =	vmul.f32 v10, v9  }
0x27c: {  	v62 =	vld [tilespmem:s3+$0xFFFFFFC0];
	v8 =	vmul.f32 v8, v11;
	v4 =	vadd.f32 v5, v4;
	v5 =	vmul.f32 v17, v16  }
0x27d: {  	v6 =	vmul.f32 v7, v6;
	v11 =	vld [tilespmem:s8+$0xFFFFFFC0]  }
0x27e: {  	v7 =	vld [tilespmem:s8+$0xFFFFFFD0];
	v8 =	vadd.f32 v9, v8;
	v9 =	vmul.f32 v59, v58;
	v10 =	vadd.f32 v5, v4  }
0x27f: {  	v4 =	vld [tilespmem:s3+$0xFFFFFFD0]  }
0x280: {  	v63 =	vmul.f32 v61, v60;
	v5 =	vld [tilespmem:s3+$0xFFFFFFE0];
	v9 =	vadd.f32 v9, v8;
	v10 =	vadd.f32 v6, v10  }
0x281: {  	s9 =	simm.s32 $0x10580;
	v8 =	vld [tilespmem:s8+$0xFFFFFFE0]  }
0x282: {  	v6 =	vld [tilespmem:s3+$0xFFFFFFF0];
	v11 =	vmul.f32 v11, v62;
	[tilespmem:s9+$0x0] =	vst v10;
	v10 =	vadd.f32 v63, v9  }
0x283: {  	s12 =	simm.s32 $0x0;
	s14 =	simm.s32 $0x4580;
	v9 =	vld [tilespmem:s8+$0xFFFFFFF0]  }
.LBB2_18:
0x284: {  	v12 =	vld [tilespmem:s14+$0x0];
	v10 =	vadd.f32 v11, v10;
	v4 =	vmul.f32 v7, v4;
	s8 =	sadd.s32 $0x100, s8  }
0x285: {  	v7 =	vld [tilespmem:s8+$0x0]  }
0x286: {  	v11 =	vld [tilespmem:s14+$0x10];
	v4 =	vadd.f32 v4, v10;
	v5 =	vmul.f32 v8, v5  }
0x287: {  	s12 =	sadd.s32 $0x2, s12;
	v8 =	vld [tilespmem:s8+$0x10]  }
0x288: {  	p0 =	slt.u32 s12, $0x7E;
	v10 =	vld [tilespmem:s14+$0x20];
	v4 =	vadd.f32 v5, v4;
	v5 =	vmul.f32 v9, v6  }
0x289: {  	v6 =	vld [tilespmem:s8+$0x20]  }
0x28a: {  	v9 =	vld [tilespmem:s14+$0x30];
	v4 =	vadd.f32 v5, v4  }
0x28b: {  	v5 =	vld [tilespmem:s8+$0x30]  }
0x28c: {  	v7 =	vmul.f32 v7, v12;
	v8 =	vmul.f32 v8, v11;
	v11 =	vld [tilespmem:s14+$0x40];
	[tilespmem:s9+$0xFFFFFF80] =	vst v4  }
0x28d: {  	v4 =	vld [tilespmem:s8+$0x40]  }
0x28e: {  	v7 =	vadd.f32 v8, v7;
	v6 =	vmul.f32 v6, v10;
	v8 =	vld [tilespmem:s14+$0x50]  }
0x28f: {  	v10 =	vld [tilespmem:s8+$0x50]  }
0x290: {  	v6 =	vadd.f32 v6, v7;
	v5 =	vmul.f32 v5, v9;
	v7 =	vld [tilespmem:s14+$0x60]  }
0x291: {  	v9 =	vld [tilespmem:s8+$0x60]  }
0x292: {  	v5 =	vadd.f32 v5, v6;
	v4 =	vmul.f32 v4, v11;
	v6 =	vld [tilespmem:s14+$0x70]  }
0x293: {  	v11 =	vld [tilespmem:s8+$0x70]  }
0x294: {  	v12 =	vld [tilespmem:s8+$0xFFFFFF80];
	v4 =	vadd.f32 v4, v5;
	v5 =	vmul.f32 v10, v8  }
0x295: {  	v8 =	vld [tilespmem:s14+$0xFFFFFF90]  }
0x296: {  	v10 =	vld [tilespmem:s8+$0xFFFFFF90];
	v4 =	vadd.f32 v5, v4;
	v5 =	vmul.f32 v9, v7  }
0x297: {  	v7 =	vld [tilespmem:s14+$0xFFFFFF80]  }
0x298: {  	v9 =	vld [tilespmem:s14+$0xFFFFFFA0];
	v4 =	vadd.f32 v5, v4;
	v5 =	vmul.f32 v11, v6  }
0x299: {  	v6 =	vld [tilespmem:s8+$0xFFFFFFA0]  }
0x29a: {  	v11 =	vld [tilespmem:s14+$0xFFFFFFB0];
	v4 =	vadd.f32 v5, v4  }
0x29b: {  	s9 =	sadd.s32 $0x100, s9;
	v5 =	vmul.f32 v10, v8;
	v8 =	vld [tilespmem:s8+$0xFFFFFFB0]  }
0x29c: {  	s3 =	simm.s32 $0x10480;
	s16 =	simm.s32 $0x10900;
	v7 =	vmul.f32 v12, v7;
	v12 =	vld [tilespmem:s14+$0xFFFFFFC0];
	[tilespmem:s9+$0x0] =	vst v4  }
0x29d: {  	v13 =	vld [tilespmem:s8+$0xFFFFFFC0]  }
0x29e: {  	v5 =	vadd.f32 v5, v7;
	v6 =	vmul.f32 v6, v9;
	v4 =	vld [tilespmem:s14+$0xFFFFFFD0]  }
.Ltmp12:
0x29f: {  	v7 =	vld [tilespmem:s8+$0xFFFFFFD0];
	(pc) =	sbr.rel @p0 .LBB2_18-.Ltmp12, $4  }
0x2a0: {  	v6 =	vadd.f32 v6, v5;
	v9 =	vmul.f32 v8, v11;
	v5 =	vld [tilespmem:s14+$0xFFFFFFE0]  }
0x2a1: {  	v8 =	vld [tilespmem:s8+$0xFFFFFFE0]  }
0x2a2: {  	v10 =	vadd.f32 v9, v6;
	v11 =	vmul.f32 v13, v12;
	v6 =	vld [tilespmem:s14+$0xFFFFFFF0]  }
0x2a3: {  	s14 =	sadd.s32 $0x100, s14;
	v9 =	vld [tilespmem:s8+$0xFFFFFFF0]  }
0x2a4: {  	v10 =	vadd.f32 v11, v10;
	v4 =	vmul.f32 v7, v4;
	_ =	sdelay $0x1  }
0x2a5: {  	v4 =	vadd.f32 v4, v10;
	v5 =	vmul.f32 v8, v5;
	_ =	sdelay $0x1  }
0x2a6: {  	v4 =	vadd.f32 v5, v4;
	v5 =	vmul.f32 v9, v6;
	_ =	sdelay $0x1  }
0x2a7: {  	v4 =	vadd.f32 v5, v4;
	_ =	sdelay $0x1  }
0x2a8: {  	[tilespmem:s9+$0xFFFFFF80] =	vst v4  }
0x2a9: {  	v4 =	vld [tilespmem:s16+$0xFFFFFF00]  }
0x2aa: {  	v5 =	vld [tilespmem:s16+$0x380]  }
0x2ab: {  	v6 =	vld [tilespmem:s16+$0xFFFFFF80]  }
0x2ac: {  	v7 =	vld [tilespmem:s16+$0x180]  }
0x2ad: {  	v8 =	vld [tilespmem:s16+$0x280]  }
0x2ae: {  	v9 =	vld [tilespmem:s16+$0xFFFFFD80]  }
0x2af: {  	v11 =	vld [tilespmem:s16+$0x80]  }
0x2b0: {  	v12 =	vld [tilespmem:s16+$0x300]  }
0x2b1: {  	v10 =	vld [tilespmem:s16+$0xFFFFFC80]  }
0x2b2: {  	v19 =	vld [tilespmem:s16+$0xFFFFFC00]  }
0x2b3: {  	v23 =	vld [tilespmem:s16+$0xFFFFFD00];
	v13 =	vperm.xlane v4, v0;
	v15 =	vperm.xlane v5, v0  }
0x2b4: {  	v14 =	vld [tilespmem:s16+$0x0];
	v18 =	vperm.xlane v9, v0;
	v20 =	vperm.xlane v11, v0  }
0x2b5: {  	v16 =	vld [tilespmem:s16+$0xFFFFFE00];
	v22 =	vperm.xlane v12, v0;
	v4 =	vadd.f32 v13, v4;
	v13 =	vperm.xlane v7, v0  }
0x2b6: {  	v17 =	vld [tilespmem:s16+$0x200];
	v5 =	vadd.f32 v15, v5;
	v15 =	vperm.xlane v8, v0;
	v9 =	vadd.f32 v18, v9  }
0x2b7: {  	v18 =	vld [tilespmem:s16+$0x100];
	v11 =	vadd.f32 v20, v11;
	v20 =	vperm.xlane v19, v0;
	v12 =	vadd.f32 v22, v12  }
0x2b8: {  	v21 =	vld [tilespmem:s16+$0xFFFFFE80];
	v22 =	vperm.xlane v23, v0;
	v7 =	vadd.f32 v13, v7;
	v13 =	vperm.xlane v10, v0  }
0x2b9: {  	v8 =	vadd.f32 v15, v8;
	v15 =	vperm.xlane v6, v0;
	v19 =	vadd.f32 v20, v19  }
0x2ba: {  	v12 =	vsel vm2, v4, v12;
	v10 =	vadd.f32 v13, v10;
	v13 =	vperm.xlane v16, v0  }
0x2bb: {  	v6 =	vadd.f32 v15, v6;
	v15 =	vperm.xlane v17, v0;
	v7 =	vsel vm2, v9, v7  }
0x2bc: {  	s8 =	simm.s32 $0x11100;
	v20 =	vperm.xlane v18, v0;
	v25 =	vperm.xlane v7, v1;
	v13 =	vadd.f32 v13, v16  }
0x2bd: {  	v4 =	vld [tilespmem:s8+$0xFFFFFF00];
	v16 =	vperm.xlane v14, v0;
	v15 =	vadd.f32 v15, v17;
	v17 =	vperm.xlane v21, v0  }
0x2be: {  	v24 =	vld [tilespmem:s8+$0x80];
	v10 =	vsel vm2, v10, v11;
	v5 =	vsel vm2, v6, v5;
	v6 =	vadd.f32 v22, v23  }
0x2bf: {  	v11 =	vadd.f32 v20, v18;
	v18 =	vld [tilespmem:s8+$0x180];
	v20 =	vperm.xlane v5, v1;
	v9 =	vsel vm2, v13, v15  }
0x2c0: {  	v7 =	vadd.f32 v25, v7;
	v15 =	vld [tilespmem:s8+$0x380];
	v14 =	vadd.f32 v16, v14;
	v16 =	vperm.xlane v9, v1  }
0x2c1: {  	v22 =	vld [tilespmem:s8+$0xFFFFFC80];
	v13 =	vperm.xlane v12, v1;
	v17 =	vadd.f32 v17, v21;
	v6 =	vsel vm2, v6, v11  }
0x2c2: {  	v11 =	vperm.xlane v4, v0;
	v19 =	vsel vm2, v19, v14;
	v9 =	vadd.f32 v16, v9;
	v16 =	vld [tilespmem:s8+$0x280]  }
0x2c3: {  	v26 =	vld [tilespmem:s8+$0xFFFFFF80];
	v14 =	vperm.xlane v10, v1;
	v12 =	vadd.f32 v13, v12;
	v13 =	vperm.xlane v24, v0  }
0x2c4: {  	v21 =	vld [tilespmem:s8+$0xFFFFFD80];
	v8 =	vsel vm2, v17, v8;
	v17 =	vperm.xlane v19, v1;
	v27 =	vperm.xlane v18, v0  }
0x2c5: {  	v30 =	vld [tilespmem:s8+$0x200];
	v11 =	vadd.f32 v11, v4;
	v10 =	vadd.f32 v14, v10;
	v23 =	vperm.xlane v15, v0  }
0x2c6: {  	v25 =	vld [tilespmem:s8+$0xFFFFFE00];
	v29 =	vperm.xlane v22, v0;
	v27 =	vadd.f32 v27, v18;
	v18 =	vadd.f32 v20, v5  }
0x2c7: {  	v20 =	vld [tilespmem:s8+$0x300];
	v4 =	vadd.f32 v23, v15;
	v15 =	vperm.xlane v6, v1;
	v23 =	vperm.xlane v16, v0  }
0x2c8: {  	v63 =	vld [tilespmem:s8+$0x0];
	v14 =	vperm.xlane v8, v1;
	v32 =	vadd.f32 v13, v24;
	v29 =	vadd.f32 v29, v22  }
0x2c9: {  	v28 =	vperm.xlane v21, v0;
	v6 =	vadd.f32 v15, v6;
	v5 =	vadd.f32 v23, v16;
	v23 =	vld [tilespmem:s8+$0xFFFFFC00]  }
0x2ca: {  	v8 =	vadd.f32 v14, v8;
	v14 =	vld [tilespmem:s8+$0x100];
	v15 =	vsel vm0, v7, v18;
	v16 =	vperm.xlane v26, v0  }
0x2cb: {  	v7 =	vperm.xlane v25, v0;
	v22 =	vperm.xlane v15, v2;
	v6 =	vsel vm0, v6, v12  }
0x2cc: {  	v18 =	vperm.xlane v20, v0;
	v12 =	vadd.f32 v16, v26;
	v26 =	vperm.xlane v30, v0  }
0x2cd: {  	v31 =	vld [tilespmem:s8+$0xFFFFFE80];
	v7 =	vadd.f32 v7, v25;
	v16 =	vadd.f32 v17, v19;
	v17 =	vsel vm0, v10, v8  }
0x2ce: {  	v20 =	vadd.f32 v18, v20;
	v25 =	vadd.f32 v26, v30;
	v8 =	vperm.xlane v23, v0  }
0x2cf: {  	v21 =	vadd.f32 v28, v21;
	v24 =	vperm.xlane v14, v0;
	v10 =	vperm.xlane v63, v0  }
0x2d0: {  	v18 =	vadd.f32 v8, v23;
	v23 =	vsel vm2, v7, v25;
	v7 =	vsel vm2, v11, v20;
	v11 =	vld [tilespmem:s8+$0xFFFFFD00]  }
0x2d1: {  	v15 =	vadd.f32 v22, v15;
	v19 =	vperm.xlane v17, v2;
	v13 =	vsel vm0, v16, v9  }
0x2d2: {  	v26 =	vperm.xlane v31, v0;
	v9 =	vsel vm2, v21, v27;
	v22 =	vadd.f32 v10, v63  }
0x2d3: {  	v10 =	vsel vm2, v29, v32;
	v21 =	vperm.xlane v6, v2;
	v16 =	vperm.xlane v13, v2  }
0x2d4: {  	s12 =	simm.s32 $0x11900;
	s9 =	simm.s32 $0x10;
	v20 =	vadd.f32 v26, v31;
	s8 =	simm.s32 $0x10480;
	v8 =	vperm.xlane v7, v1;
	v25 =	vperm.xlane v23, v1  }
.LBB2_20:
0x2d5: {  	v26 =	vld [tilespmem:s12+$0xFFFFFF00];
	s9 =	sadd.s32 $0x10, s9;
	v27 =	vperm.xlane v11, v0;
	v14 =	vadd.f32 v24, v14;
	v17 =	vadd.f32 v19, v17;
	s3 =	sadd.s32 $0x10, s3  }
0x2d6: {  	v12 =	vsel vm2, v12, v4;
	v4 =	vadd.f32 v16, v13;
	v19 =	vld [tilespmem:s12+$0x380];
	p0 =	slt.u32 s9, $0x70;
	v23 =	vadd.f32 v25, v23  }
0x2d7: {  	v6 =	vadd.f32 v21, v6;
	v13 =	vld [tilespmem:s12+$0xFFFFFF80];
	v11 =	vadd.f32 v27, v11;
	v15 =	vsel vm1, v17, v15  }
0x2d8: {  	v21 =	vperm.xlane v12, v1;
	v17 =	vsel vm2, v18, v22;
	v18 =	vperm.xlane v10, v1;
	v16 =	vld [tilespmem:s12+$0x180]  }
0x2d9: {  	v4 =	vsel vm1, v4, v6;
	v6 =	vperm.xlane v15, v3;
	v22 =	vld [tilespmem:s12+$0x280];
	v14 =	vsel vm2, v11, v14  }
0x2da: {  	v20 =	vsel vm2, v20, v5;
	v5 =	vperm.xlane v4, v3;
	v11 =	vperm.xlane v26, v0;
	v24 =	vld [tilespmem:s12+$0xFFFFFD80]  }
0x2db: {  	v28 =	vperm.xlane v17, v1;
	v6 =	vadd.f32 v6, v15;
	v25 =	vld [tilespmem:s12+$0xFFFFFC80];
	v27 =	vperm.xlane v19, v0  }
0x2dc: {  	v5 =	vadd.f32 v5, v4;
	v15 =	vadd.f32 v11, v26;
	v26 =	vld [tilespmem:s12+$0x80];
	v11 =	vperm.xlane v9, v1  }
0x2dd: {  	v29 =	vld [tilespmem:s12+$0x300];
	v30 =	vperm.xlane v16, v0;
	v4 =	vadd.f32 v27, v19;
	v19 =	vperm.xlane v14, v1  }
0x2de: {  	v5 =	vsel vm3, v5, v6;
	v27 =	vld [tilespmem:s12+$0x0];
	v31 =	vperm.xlane v22, v0;
	v9 =	vadd.f32 v11, v9  }
0x2df: {  	v12 =	vadd.f32 v21, v12;
	v32 =	vld [tilespmem:s12+$0xFFFFFE00];
	v6 =	vperm.xlane v24, v0;
	v30 =	vadd.f32 v30, v16;
	[tilespmem:s8+$0x0] =	vst v5;
	s8 =	smov.u32 s3  }
0x2e0: {  	v7 =	vadd.f32 v8, v7;
	v8 =	vadd.f32 v18, v10;
	v11 =	vld [tilespmem:s12+$0xFFFFFD00];
	v16 =	vperm.xlane v25, v0  }
0x2e1: {  	v21 =	vperm.xlane v20, v1;
	v5 =	vadd.f32 v31, v22;
	v10 =	vld [tilespmem:s12+$0x200];
	v18 =	vperm.xlane v26, v0  }
0x2e2: {  	v31 =	vadd.f32 v6, v24;
	v24 =	vperm.xlane v13, v0;
	v6 =	vadd.f32 v19, v14;
	v22 =	vld [tilespmem:s12+$0xFFFFFC00]  }
0x2e3: {  	v33 =	vadd.f32 v16, v25;
	v16 =	vadd.f32 v21, v20;
	v20 =	vsel vm0, v9, v12  }
0x2e4: {  	v6 =	vsel vm0, v6, v7;
	v25 =	vperm.xlane v20, v2;
	v9 =	vperm.xlane v32, v0;
	v21 =	vld [tilespmem:s12+$0xFFFFFE80]  }
0x2e5: {  	v7 =	vperm.xlane v29, v0;
	v12 =	vadd.f32 v24, v13;
	v13 =	vadd.f32 v28, v17;
	v14 =	vld [tilespmem:s12+$0x100]  }
0x2e6: {  	v26 =	vadd.f32 v18, v26;
	v17 =	vsel vm0, v8, v16;
	v24 =	vperm.xlane v10, v0  }
0x2e7: {  	v19 =	vperm.xlane v17, v2;
	v28 =	vadd.f32 v9, v32;
	v8 =	vperm.xlane v22, v0  }
0x2e8: {  	v7 =	vadd.f32 v7, v29;
	v13 =	vsel vm0, v13, v23;
	v32 =	vperm.xlane v27, v0  }
.Ltmp13:
0x2e9: {  	v16 =	vperm.xlane v13, v2;
	v10 =	vadd.f32 v24, v10;
	v29 =	vperm.xlane v21, v0;
	(pc) =	sbr.rel @p0 .LBB2_20-.Ltmp13, $4  }
0x2ea: {  	v9 =	vsel vm2, v31, v30;
	v18 =	vadd.f32 v8, v22;
	v24 =	vperm.xlane v14, v0  }
0x2eb: {  	v7 =	vsel vm2, v15, v7;
	v15 =	vadd.f32 v25, v20;
	v23 =	vsel vm2, v28, v10  }
0x2ec: {  	v22 =	vadd.f32 v32, v27;
	v8 =	vperm.xlane v7, v1;
	v20 =	vadd.f32 v29, v21  }
0x2ed: {  	s12 =	sadd.s32 $0x800, s12;
	v10 =	vsel vm2, v33, v26;
	v25 =	vperm.xlane v23, v1;
	v21 =	vperm.xlane v6, v2  }
0x2ee: {  	v26 =	vperm.xlane v11, v0  }
0x2ef: {  	v14 =	vadd.f32 v24, v14;
	v17 =	vadd.f32 v19, v17;
	v4 =	vsel vm2, v12, v4  }
0x2f0: {  	v46 =	vsel vm2, v18, v22;
	v48 =	vperm.xlane v9, v1;
	v49 =	vperm.xlane v10, v1  }
0x2f1: {  	v5 =	vsel vm2, v20, v5;
	v7 =	vadd.f32 v8, v7;
	v11 =	vadd.f32 v26, v11  }
0x2f2: {  	v45 =	vadd.f32 v25, v23;
	v47 =	vperm.xlane v4, v1;
	v51 =	vperm.xlane v5, v1  }
0x2f3: {  	v52 =	vperm.xlane v46, v1;
	v9 =	vadd.f32 v48, v9;
	v11 =	vsel vm2, v11, v14  }
0x2f4: {  	v53 =	vadd.f32 v49, v10;
	v4 =	vadd.f32 v47, v4;
	v50 =	vperm.xlane v11, v1  }
0x2f5: {  	v5 =	vadd.f32 v51, v5;
	v12 =	vadd.f32 v52, v46  }
0x2f6: {  	v55 =	vadd.f32 v16, v13;
	v54 =	vadd.f32 v50, v11  }
0x2f7: {  	v4 =	vsel vm0, v9, v4;
	v5 =	vsel vm0, v53, v5;
	v58 =	vsel vm0, v12, v45  }
0x2f8: {  	v56 =	vperm.xlane v4, v2;
	v57 =	vperm.xlane v5, v2;
	v7 =	vsel vm0, v54, v7  }
0x2f9: {  	v6 =	vadd.f32 v21, v6;
	v12 =	vperm.xlane v58, v2;
	v59 =	vperm.xlane v7, v2  }
0x2fa: {  	v4 =	vadd.f32 v56, v4;
	v5 =	vadd.f32 v57, v5  }
0x2fb: {  	v60 =	vsel vm1, v17, v15;
	v61 =	vadd.f32 v12, v58;
	v7 =	vadd.f32 v59, v7  }
0x2fc: {  	v6 =	vsel vm1, v55, v6;
	v62 =	vperm.xlane v60, v3  }
0x2fd: {  	v11 =	vperm.xlane v6, v3;
	v4 =	vsel vm1, v5, v4;
	v5 =	vsel vm1, v61, v7  }
0x2fe: {  	v63 =	vperm.xlane v4, v3;
	v9 =	vperm.xlane v5, v3  }
0x2ff: {  	v8 =	vadd.f32 v62, v60;
	v6 =	vadd.f32 v11, v6  }
.Ltmp14:
0x300: {  	v4 =	vadd.f32 v63, v4;
	v5 =	vadd.f32 v9, v5;
	(pc) =	sbr.rel .LBB2_22-.Ltmp14, $4  }
0x301: {  	v6 =	vsel vm3, v6, v8  }
0x302: {  	s3 =	sadd.s32 $0x10, s3;
	s21 =	sshll.u32 s20, $0x4;
	[tilespmem:s8+$0x0] =	vst v6;
	v4 =	vsel vm3, v5, v4  }
0x303: {  	s31 =	sadd.s32 s5, s21;
	[tilespmem:s3+$0x0] =	vst v4  }
0x304: {  	[hbm4b:s31+s7] =	stream.linear.scatter [tilespmem:s30], [sflag:$0x8], $0x80, $0x38;
	[tilespmem:$0x14500] =	vst v63  }
.LBB2_24:
0x305: {  	_ =	sfence.sel $0x180000  }
0x306: {  	[bflag:$0x0] =	sbarrier.arrive $0xFFFF  }
0x307: {  	_ =	strace $0x90000047  }
0x308: {  	s0 =	stileid.u32;
	[bflag:$0x2] =	sbarrier.arrive $0xFFFF  }
0x309: {  	p0 =	sne.s32 s0, $0x0;
	s0 =	rddreg [dreg:$0x4]  }
0x30a: {  	s0 =	sadd.s32 @!p0 $0x100000, s0  }
0x30b: {  	[sflag:s0] =	ssyncadd.tile.s32 @!p0 $0x1;
	_ =	shalt  }
.Lfunc_end2:
_tile_overlayer_lowered:
.L_overlay_start_2:
0x30c: {  	(tag) =	ssettag $0x2  }
0x30d: {  	s0 =	rddreg [dreg:$0x0];
	s2 =	stileid.u32  }
0x30e: {  	s1 =	rddreg [dreg:$0x1];
	p0 =	sne.s32 s2, $0x0  }
0x30f: {  	s3 =	rddreg [dreg:$0x2];
	[bflag:$0x3] =	sbarrier.arrive $0xFFFF;
	s2 =	simm.s32 @!p0 $0x1C09  }
0x310: {  	[timem:s3], [sflag:s2] =	dma.local @!p0 [hbm:s0], s1  }
0x311: {  	s0 =	simm.s32 @!p0 $0x9  }
0x312: {  	_ =	swait.ge @!p0 [sflag:s0], s1  }
0x313: {  	s1 =	ssub.s32 @!p0 $0x0, s1;
	[sflag:s0] =	ssyncset.done @!p0 $0x0  }
0x314: {  	[sflag:s0] =	ssyncadd.s32 @!p0 s1  }
0x315: {  	[bflag:$0x3] =	sbarrier.arrive $0xFFFF  }
0x316: {  	_ =	shalt  }

</sc_bundles>
